<compile_context>
chip_gen: v7x
topology: tpu7x:2x2x1
jax: 0.10.2.dev20260603
libtpu: 0.0.44.dev20260713+nightly
codegen_flags: <defaults>
</compile_context>

<pallas_src>
import functools

import jax
import jax.numpy as jnp
from jax import lax
from jax.experimental import pallas as pl
from jax.experimental.pallas import tpu as pltpu
from jax.experimental.pallas import tpu_sc as plsc

OFF_THRESH = 0.5
INF = 1e10

H = 384
W = 384
B = 2
HP = H + 2
WBUF = 416

R_TC = 192
RPW = (H - R_TC) // 16
S1_ROWS = RPW + 2
Z_ROWS = S1_ROWS + 2

C28 = 1 << 28
E_CASE_B = -(4 << 28) + C28 - 1
E_CASE_CD = 1 << 29


def _sc_body(xp_hbm, c_hbm, out_hbm,
             zbuf, xbuf, ybuf, mbuf, ebuf, ox, oy, oz, om, cbuf, dsem):
    wi = lax.axis_index("s")
    b = lax.axis_index("c")
    r0 = R_TC + RPW * wi
    ch = b * 4

    copies = [
        pltpu.async_copy(c_hbm, cbuf, dsem),
        pltpu.async_copy(
            xp_hbm.at[pl.ds((ch + 0) * 388 + r0 + 1, S1_ROWS), :], xbuf, dsem),
        pltpu.async_copy(
            xp_hbm.at[pl.ds((ch + 1) * 388 + r0 + 1, S1_ROWS), :], ybuf, dsem),
        pltpu.async_copy(
            xp_hbm.at[pl.ds((ch + 2) * 388 + r0, Z_ROWS), :], zbuf, dsem),
        pltpu.async_copy(
            xp_hbm.at[pl.ds((ch + 3) * 388 + r0 + 1, S1_ROWS), :], mbuf, dsem),
    ]
    for c in copies:
        c.wait()

    a = [cbuf[i, :] for i in range(9)]
    iota_i = lax.iota(jnp.int32, 16)
    iota = iota_i.astype(jnp.float32)

    @plsc.parallel_loop(0, S1_ROWS)
    def s1_row(rr):
        vf = (r0 + rr - 1).astype(jnp.float32)
        rowx = a[1] * vf + a[2]
        rowy = a[4] * vf + a[5]
        rowz = a[7] * vf + a[8]

        @plsc.parallel_loop(0, 25, unroll=2)
        def s1_chunk(j):
            c0 = 16 * j
            bc = c0 + 1
            u = iota + (c0 - 1).astype(jnp.float32)
            rx_c = a[0] * u + rowx
            ry_c = a[3] * u + rowy
            rz_c = a[6] * u + rowz
            xc = xbuf[rr, pl.ds(bc, 16)]
            yc = ybuf[rr, pl.ds(bc, 16)]
            zc = zbuf[rr + 1, pl.ds(bc, 16)]
            mc = mbuf[rr, pl.ds(bc, 16)]
            ds = []
            for k in range(9):
                dr, dc = k // 3 - 1, k % 3 - 1
                zn = zbuf[rr + 1 + dr, pl.ds(bc + dc, 16)]
                rx = rx_c + cbuf[9 + k, :]
                ry = ry_c + cbuf[18 + k, :]
                rz = rz_c + cbuf[27 + k, :]
                dx = rx * zn - xc
                dy = ry * zn - yc
                dz = rz * zn - zc
                ds.append(dx * dx + dy * dy + dz * dz)
            pairs = [(ds[k], jnp.full((16,), k, jnp.int32)) for k in range(9)]
            while len(pairs) > 1:
                nxt = []
                for i in range(0, len(pairs) - 1, 2):
                    (da, ka), (db, kb) = pairs[i], pairs[i + 1]
                    m = db < da
                    nxt.append((jnp.where(m, db, da), jnp.where(m, kb, ka)))
                if len(pairs) % 2:
                    nxt.append(pairs[-1])
                pairs = nxt
            best_k = pairs[0][1]
            rmask = mc > OFF_THRESH
            zmask = zc > 0.0
            zb = lax.bitcast_convert_type(zc, jnp.int32) >> 2
            e_a = (best_k - 8) * jnp.int32(C28) + zb
            e = jnp.where(rmask,
                          jnp.where(zmask, e_a, jnp.int32(E_CASE_B)),
                          jnp.int32(E_CASE_CD))
            ebuf[rr, pl.ds(bc, 16)] = e

    @plsc.parallel_loop(0, RPW)
    def s2_row(rr2):
        xr = rr2 + 1

        @plsc.parallel_loop(0, W // 16, unroll=2)
        def s2_chunk(j2):
            b0 = 16 * j2 + 2
            e_c = ebuf[xr, pl.ds(b0, 16)]
            sent = jnp.full((16,), C28, jnp.int32)
            keys = []
            for k in range(9):
                ro = -(k // 3 - 1)
                co = -(k % 3 - 1)
                if ro == 0 and co == 0:
                    e_q = e_c
                else:
                    e_q = ebuf[xr + ro, pl.ds(b0 + co, 16)]
                cand = e_q - jnp.int32((k - 8) * C28)
                valid = (cand > 0) & (cand < sent)
                key = jnp.where(valid, cand, sent)
                keys.append((key, jnp.full((16,), k, jnp.int32)))
            while len(keys) > 1:
                nxt = []
                for i in range(0, len(keys) - 1, 2):
                    (da, ka), (db, kb) = keys[i], keys[i + 1]
                    m = db < da
                    nxt.append((jnp.where(m, db, da), jnp.where(m, kb, ka)))
                if len(keys) % 2:
                    nxt.append(keys[-1])
                keys = nxt
            best, bk = keys[0]
            found = best < sent
            bk = jnp.where(found, bk, 4)
            s = (bk * 11) >> 5
            t = bk - 3 * s
            rowq = (xr + 1) - s
            colq = iota_i + (b0 + 1) - t
            xq = plsc.load_gather(xbuf, [rowq, colq])
            yq = plsc.load_gather(ybuf, [rowq, colq])
            zq = plsc.load_gather(zbuf, [rowq + 1, colq])
            mq = plsc.load_gather(mbuf, [rowq, colq])
            t4 = e_c + jnp.int32(4 * C28)
            c4 = (t4 > 0) & (t4 < C28)
            cm4 = c4 | (e_c == jnp.int32(E_CASE_CD))
            fx = found | c4
            fm = found | cm4
            zero = jnp.zeros((16,), jnp.float32)
            ox[rr2, pl.ds(16 * j2, 16)] = jnp.where(fx, xq, zero)
            oy[rr2, pl.ds(16 * j2, 16)] = jnp.where(fx, yq, zero)
            oz[rr2, pl.ds(16 * j2, 16)] = jnp.where(fx, zq, zero)
            om[rr2, pl.ds(16 * j2, 16)] = jnp.where(fm, mq, zero)

    base = b * 4 * H + r0
    ocopies = [
        pltpu.async_copy(ox, out_hbm.at[pl.ds(base + 0 * H, RPW), :], dsem),
        pltpu.async_copy(oy, out_hbm.at[pl.ds(base + 1 * H, RPW), :], dsem),
        pltpu.async_copy(oz, out_hbm.at[pl.ds(base + 2 * H, RPW), :], dsem),
        pltpu.async_copy(om, out_hbm.at[pl.ds(base + 3 * H, RPW), :], dsem),
    ]
    for c in ocopies:
        c.wait()


_smap_sc = functools.partial(
    pl.kernel,
    out_type=jax.ShapeDtypeStruct((B * 4 * H, W), jnp.float32),
    mesh=plsc.VectorSubcoreMesh(core_axis_name="c", subcore_axis_name="s"),
    compiler_params=pltpu.CompilerParams(
        use_tc_tiling_on_sc=False, needs_layout_passes=False),
    name="smap_sc",
    scratch_types=[
        pltpu.VMEM((Z_ROWS, WBUF), jnp.float32),
        pltpu.VMEM((S1_ROWS, WBUF), jnp.float32),
        pltpu.VMEM((S1_ROWS, WBUF), jnp.float32),
        pltpu.VMEM((S1_ROWS, WBUF), jnp.float32),
        pltpu.VMEM((S1_ROWS, WBUF), jnp.int32),
        pltpu.VMEM((RPW, W), jnp.float32),
        pltpu.VMEM((RPW, W), jnp.float32),
        pltpu.VMEM((RPW, W), jnp.float32),
        pltpu.VMEM((RPW, W), jnp.float32),
        pltpu.VMEM((36, 16), jnp.float32),
        pltpu.SemaphoreType.DMA,
    ],
)(_sc_body)


def _tc_body(xp_ref, c_ref, out_ref):
    s1r = R_TC + 2
    a = [c_ref[i] for i in range(9)]
    sx = [c_ref[9 + k] for k in range(9)]
    sy = [c_ref[18 + k] for k in range(9)]
    sz = [c_ref[27 + k] for k in range(9)]
    u = lax.broadcasted_iota(jnp.int32, (s1r, 400), 1).astype(jnp.float32) - 1.0
    v = lax.broadcasted_iota(jnp.int32, (s1r, 400), 0).astype(jnp.float32) - 1.0
    rx_c = a[0] * u + (a[1] * v + a[2])
    ry_c = a[3] * u + (a[4] * v + a[5])
    rz_c = a[6] * u + (a[7] * v + a[8])
    for b in range(B):
        X = xp_ref[b, 0]
        Y = xp_ref[b, 1]
        Z = xp_ref[b, 2]
        M = xp_ref[b, 3]
        xc = X[1:1 + s1r, 1:401]
        yc = Y[1:1 + s1r, 1:401]
        zc = Z[1:1 + s1r, 1:401]
        mc = M[1:1 + s1r, 1:401]
        pairs = []
        for k in range(9):
            dr, dc = k // 3 - 1, k % 3 - 1
            zn = Z[1 + dr:1 + dr + s1r, 1 + dc:401 + dc]
            rx = rx_c + sx[k]
            ry = ry_c + sy[k]
            rz = rz_c + sz[k]
            dx = rx * zn - xc
            dy = ry * zn - yc
            dz = rz * zn - zc
            d = dx * dx + dy * dy + dz * dz
            pairs.append((d, jnp.full(d.shape, k, jnp.int32)))
        while len(pairs) > 1:
            nxt = []
            for i in range(0, len(pairs) - 1, 2):
                (da, ka), (db, kb) = pairs[i], pairs[i + 1]
                m = db < da
                nxt.append((jnp.where(m, db, da), jnp.where(m, kb, ka)))
            if len(pairs) % 2:
                nxt.append(pairs[-1])
            pairs = nxt
        best_k = pairs[0][1]
        rmask = mc > OFF_THRESH
        zmask = zc > 0.0
        ixz = jnp.where(rmask, jnp.where(zmask, best_k, 4), 9)
        irm = jnp.where(rmask & zmask, best_k, 4)

        def s1s(P, s, t):
            return P[2 - s:2 - s + R_TC, 2 - t:2 - t + W]

        def pls(P, s, t):
            return P[3 - s:3 - s + R_TC, 3 - t:3 - t + W]

        ixz_c = ixz[1:1 + R_TC, 1:1 + W]
        irm_c = irm[1:1 + R_TC, 1:1 + W]
        inf2 = jnp.full((R_TC, W), INF, jnp.float32)
        zero2 = jnp.zeros((R_TC, W), jnp.float32)
        c4 = ixz_c == 4
        bx = jnp.where(c4, pls(X, 1, 1), zero2)
        by = jnp.where(c4, pls(Y, 1, 1), zero2)
        bz = jnp.where(c4, pls(Z, 1, 1), zero2)
        brm = jnp.where(irm_c == 4, pls(M, 1, 1), zero2)
        best = inf2
        for k in range(9):
            s, t = k // 3, k % 3
            ixz_q = s1s(ixz, s, t)
            zq = pls(Z, s, t)
            cand = jnp.where(ixz_q == k, zq, zero2)
            cand = jnp.where(cand > 0.0, cand, inf2)
            m = cand < best
            best = jnp.where(m, cand, best)
            bx = jnp.where(m, pls(X, s, t), bx)
            by = jnp.where(m, pls(Y, s, t), by)
            bz = jnp.where(m, zq, bz)
            brm = jnp.where(m, pls(M, s, t), brm)
        out_ref[b, 0] = bx
        out_ref[b, 1] = by
        out_ref[b, 2] = bz
        out_ref[b, 3] = brm


_smap_tc = pl.pallas_call(
    _tc_body,
    out_shape=jax.ShapeDtypeStruct((B, 4, R_TC, W), jnp.float32),
    in_specs=[
        pl.BlockSpec(memory_space=pltpu.VMEM),
        pl.BlockSpec(memory_space=pltpu.SMEM),
    ],
    out_specs=pl.BlockSpec(memory_space=pltpu.VMEM),
    name="smap_tc",
)


def kernel(x, camera_matrix):
    k_inv = jnp.linalg.inv(camera_matrix)
    dc = jnp.array([k % 3 - 1 for k in range(9)], jnp.float32)
    dr = jnp.array([k // 3 - 1 for k in range(9)], jnp.float32)
    sx = k_inv[0, 0] * dc + k_inv[0, 1] * dr
    sy = k_inv[1, 0] * dc + k_inv[1, 1] * dr
    sz = k_inv[2, 0] * dc + k_inv[2, 1] * dr
    consts = jnp.concatenate([k_inv.reshape(9), sx, sy, sz])
    xp = jnp.pad(x, ((0, 0), (0, 0), (2, 2), (2, WBUF - W - 2)))
    xp2 = xp.reshape(B * 4 * (HP + 2), WBUF)
    consts16 = jnp.repeat(consts.reshape(36, 1), 16, axis=1)
    out_sc = _smap_sc(xp2, consts16)
    out_tc = _smap_tc(xp, consts)
    return lax.dynamic_update_slice(
        out_sc.reshape(B, 4, H, W), out_tc, (0, 0, 0, 0))

# --- scband reference (transcript-rebuilt; emitter-appended) ---
"""Pipeline reference for scband-smap-79834852098553 (READ-ONLY COPY).

The authoritative reference and input builder live on the scoring server;
editing this copy changes nothing except your own understanding.
"""

import jax, jax.numpy as jnp
import numpy as np

OFF_THRESH = 0.5
INF = 1e10


def _gather(x, dr, dc):
    # out[..., h, w] = x[..., h - dr, w - dc] with zero padding
    H, W = x.shape[-2], x.shape[-1]
    pad = [(0, 0)] * (x.ndim - 2) + [(1, 1), (1, 1)]
    xp = jnp.pad(x, pad)
    return xp[..., 1 - dr:1 - dr + H, 1 - dc:1 - dc + W]


def _calculate_key_query(xv, yv, zv, pu, pv, K_inv):
    # For each of the 3x3 neighbor offsets, unproject the neighbor pixel ray
    # (camera_matrix_inv @ [u, v, 1]) scaled by the neighbor depth and measure
    # squared distance to the center 3D point. Returns [B, C, 9, H, W].
    keys = []
    for dr in (-1, 0, 1):
        for dc in (-1, 0, 1):
            un = _gather(pu, -dr, -dc)
            vn = _gather(pv, -dr, -dc)
            zn = _gather(zv, -dr, -dc)
            rx = K_inv[0, 0] * un + K_inv[0, 1] * vn + K_inv[0, 2]
            ry = K_inv[1, 0] * un + K_inv[1, 1] * vn + K_inv[1, 2]
            rz = K_inv[2, 0] * un + K_inv[2, 1] * vn + K_inv[2, 2]
            d = (rx * zn - xv) ** 2 + (ry * zn - yv) ** 2 + (rz * zn - zv) ** 2
            keys.append(d)
    return jnp.stack(keys, axis=2)


def _smap3x3(px, py, pz, pm, pu, pv, K_inv):
    B, C = px.shape[0], px.shape[1]
    H, W = px.shape[-2], px.shape[-1]
    xv, yv, zv, rm = px[:, :, 0], py[:, :, 0], pz[:, :, 0], pm[:, :, 0]
    xzv = jnp.stack([xv, yv, zv], axis=2)  # [B,C,3,H,W]
    kq = _calculate_key_query(xv, yv, zv, pu, pv, K_inv)  # [B,C,9,H,W]
    ind = jnp.argmin(kq, axis=2)  # torch.max(-kq) == argmin(kq)
    wb = jnp.moveaxis(jax.nn.one_hot(ind, 9, dtype=jnp.float32), -1, 2)  # [B,C,9,H,W]
    rmask = rm > OFF_THRESH
    zmask = zv > 0.0
    valid = (rmask & zmask)[:, :, None]  # [B,C,1,H,W]
    wb = jnp.where(valid, wb, 0.0)
    temp = jnp.zeros((1, 1, 9, 1, 1), dtype=jnp.float32).at[0, 0, 4].set(1.0)
    cond2 = (1.0 - rmask.astype(jnp.float32) * (~zmask).astype(jnp.float32))[:, :, None] > 0.5
    wb = jnp.where(cond2, wb, temp)
    wb9 = jax.lax.stop_gradient(wb).reshape(B, C, 3, 3, H, W)
    new_xz = jnp.einsum('bcsthw,bczhw->bcstzhw', wb9, xzv)  # [B,C,3,3,3,H,W]
    wb = jnp.where(valid, wb, temp)
    new_rm = (jax.lax.stop_gradient(wb) * rm[:, :, None]).reshape(B, C, 3, 3, 1, H, W)
    return jnp.concatenate([new_xz, new_rm], axis=4)  # [B,C,3,3,4,H,W]


def _agg_shift(x):
    # x: [B,C,3,3,D,H,W]; each pixel wrote values to its 3x3 neighbors; collect
    # at every pixel the 9 values written to it -> [B,C,9,D,H,W]
    outs = []
    for s in range(3):
        for t in range(3):
            outs.append(_gather(x[:, :, s, t], s - 1, t - 1))
    return jnp.stack(outs, axis=2)


def _calculate_weights(nxzm, orig):
    B, C = nxzm.shape[0], nxzm.shape[1]
    H, W = nxzm.shape[-2], nxzm.shape[-1]
    zsh = _agg_shift(jax.lax.stop_gradient(nxzm[:, :, :, :, 2:3]))  # z channel, [B,C,9,1,H,W]
    zsh = jnp.where(zsh > 0.0, zsh, INF)
    val = jnp.min(zsh, axis=2)
    idx = jnp.argmin(zsh, axis=2)
    idx = jnp.where((val > 0.0) & (val < INF), idx, 4)
    ioh = jnp.moveaxis(jax.nn.one_hot(idx, 9, dtype=jnp.float32), -1, 2)  # [B,C,9,1,H,W]
    sh = _agg_shift(nxzm)  # [B,C,9,4,H,W]
    w = jnp.sum(sh * jax.lax.stop_gradient(ioh), axis=2)  # [B,C,4,H,W]
    h0, w0 = orig
    w = w[..., (H - h0) // 2:(H + h0) // 2, (W - w0) // 2:(W + w0) // 2]
    return w.reshape(B, -1, h0, w0)


def _forward(x, camera_matrix):
    K_inv = jnp.linalg.inv(camera_matrix)
    B = x.shape[0]
    H, W = x.shape[-2], x.shape[-1]
    x5 = x.reshape(B, 1, 4, H, W)
    pad5 = lambda t: jnp.pad(t, ((0, 0), (0, 0), (0, 0), (1, 1), (1, 1)))
    px = pad5(x5[:, :, 0:1])
    py = pad5(x5[:, :, 1:2])
    pz = pad5(x5[:, :, 2:3])
    pm = pad5(x5[:, :, 3:4])
    Hp, Wp = H + 2, W + 2
    vv, uu = jnp.meshgrid(jnp.arange(Hp, dtype=jnp.float32) - 1.0,
                          jnp.arange(Wp, dtype=jnp.float32) - 1.0, indexing='ij')
    nxzm = _smap3x3(px, py, pz, pm, uu, vv, K_inv)
    return _calculate_weights(nxzm, (H, W))  # [B, 4, H, W]


def setup_inputs(seed: int = 0):
    key = jax.random.key(seed)
    x = jax.random.uniform(key, (2, 4, 384, 384), dtype=jnp.float32)
    camera_matrix = jnp.array([[300.0, 0.0, 192.0],
                               [0.0, 300.0, 192.0],
                               [0.0, 0.0, 1.0]], dtype=jnp.float32)
    return {"x": x, "camera_matrix": camera_matrix}


def reference(x, camera_matrix):
    return _forward(x, camera_matrix)

if __name__ == "__main__":
    import jax
    _d = setup_inputs()
    print(jax.jit(kernel)(*tuple(_d.values())))

</pallas_src>

<mosaic_0001>
#map = affine_map<(d0, d1) -> (0, 0)>
module attributes {stable_mosaic.version = 14 : i64} {
  func.func @smap_sc(%arg0: i32, %arg1: i32, %arg2: memref<3104x416xf32, #tpu.memory_space<hbm>>, %arg3: memref<36x16xf32, #tpu.memory_space<hbm>>, %arg4: memref<3072x384xf32, #tpu.memory_space<hbm>>, %arg5: memref<16x416xf32, #tpu.memory_space<vmem>>, %arg6: memref<14x416xf32, #tpu.memory_space<vmem>>, %arg7: memref<14x416xf32, #tpu.memory_space<vmem>>, %arg8: memref<14x416xf32, #tpu.memory_space<vmem>>, %arg9: memref<14x416xi32, #tpu.memory_space<vmem>>, %arg10: memref<12x384xf32, #tpu.memory_space<vmem>>, %arg11: memref<12x384xf32, #tpu.memory_space<vmem>>, %arg12: memref<12x384xf32, #tpu.memory_space<vmem>>, %arg13: memref<12x384xf32, #tpu.memory_space<vmem>>, %arg14: memref<36x16xf32, #tpu.memory_space<vmem>>, %arg15: memref<!tpu.dma_semaphore, #tpu.memory_space<semaphore_mem>>) attributes {dimension_semantics = [#tpu.dimension_semantics<core_parallel>, #tpu.dimension_semantics<subcore_parallel>], iteration_bounds = array<i64: 2, 16>, scalar_prefetch = 0 : i64, scratch_operands = 11 : i64, tpu.core_type = #tpu.core_type<sc_vector_subcore>, window_params = [{transform_indices = #map}, {transform_indices = #map}, {transform_indices = #map}]} {
    %mul3A = arith.constant 12 : i32
    %mul3A_0 = arith.muli %mul3A, %arg1 : i32
    %add3A = arith.constant 192 : i32
    %add3A_1 = arith.addi %add3A, %mul3A_0 : i32
    %mul3A_2 = arith.constant 4 : i32
    %mul3A_3 = arith.muli %arg0, %mul3A_2 : i32
    tpu.enqueue_dma source(%arg3 : memref<36x16xf32, #tpu.memory_space<hbm>>) target(%arg14 : memref<36x16xf32, #tpu.memory_space<vmem>>) target_semaphore(%arg15 : memref<!tpu.dma_semaphore, #tpu.memory_space<semaphore_mem>>)
    %add3A_4 = arith.constant 0 : i32
    %add3A_5 = arith.addi %mul3A_3, %add3A_4 : i32
    %mul3A_6 = arith.constant 388 : i32
    %mul3A_7 = arith.muli %add3A_5, %mul3A_6 : i32
    %add3A_8 = arith.addi %mul3A_7, %add3A_1 : i32
    %add3A_9 = arith.constant 1 : i32
    %add3A_10 = arith.addi %add3A_8, %add3A_9 : i32
    %dma_start3A = arith.constant 0 : i32
    %dma_start3A_11 = tpu.memref_slice %arg2[%add3A_10, %dma_start3A] : memref<3104x416xf32, #tpu.memory_space<hbm>> -> memref<14x416xf32, #tpu.memory_space<hbm>>
    %dma_start3A_12 = arith.constant 0 : i32
    %dma_start3A_13 = tpu.memref_slice %arg2[%add3A_10, %dma_start3A_12] : memref<3104x416xf32, #tpu.memory_space<hbm>> -> memref<14x416xf32, #tpu.memory_space<hbm>>
    tpu.enqueue_dma source(%dma_start3A_13 : memref<14x416xf32, #tpu.memory_space<hbm>>) target(%arg6 : memref<14x416xf32, #tpu.memory_space<vmem>>) target_semaphore(%arg15 : memref<!tpu.dma_semaphore, #tpu.memory_space<semaphore_mem>>)
    %add3A_14 = arith.constant 1 : i32
    %add3A_15 = arith.addi %mul3A_3, %add3A_14 : i32
    %mul3A_16 = arith.constant 388 : i32
    %mul3A_17 = arith.muli %add3A_15, %mul3A_16 : i32
    %add3A_18 = arith.addi %mul3A_17, %add3A_1 : i32
    %add3A_19 = arith.constant 1 : i32
    %add3A_20 = arith.addi %add3A_18, %add3A_19 : i32
    %dma_start3A_21 = arith.constant 0 : i32
    %dma_start3A_22 = tpu.memref_slice %arg2[%add3A_20, %dma_start3A_21] : memref<3104x416xf32, #tpu.memory_space<hbm>> -> memref<14x416xf32, #tpu.memory_space<hbm>>
    %dma_start3A_23 = arith.constant 0 : i32
    %dma_start3A_24 = tpu.memref_slice %arg2[%add3A_20, %dma_start3A_23] : memref<3104x416xf32, #tpu.memory_space<hbm>> -> memref<14x416xf32, #tpu.memory_space<hbm>>
    tpu.enqueue_dma source(%dma_start3A_24 : memref<14x416xf32, #tpu.memory_space<hbm>>) target(%arg7 : memref<14x416xf32, #tpu.memory_space<vmem>>) target_semaphore(%arg15 : memref<!tpu.dma_semaphore, #tpu.memory_space<semaphore_mem>>)
    %add3A_25 = arith.constant 2 : i32
    %add3A_26 = arith.addi %mul3A_3, %add3A_25 : i32
    %mul3A_27 = arith.constant 388 : i32
    %mul3A_28 = arith.muli %add3A_26, %mul3A_27 : i32
    %add3A_29 = arith.addi %mul3A_28, %add3A_1 : i32
    %dma_start3A_30 = arith.constant 0 : i32
    %dma_start3A_31 = tpu.memref_slice %arg2[%add3A_29, %dma_start3A_30] : memref<3104x416xf32, #tpu.memory_space<hbm>> -> memref<16x416xf32, #tpu.memory_space<hbm>>
    %dma_start3A_32 = arith.constant 0 : i32
    %dma_start3A_33 = tpu.memref_slice %arg2[%add3A_29, %dma_start3A_32] : memref<3104x416xf32, #tpu.memory_space<hbm>> -> memref<16x416xf32, #tpu.memory_space<hbm>>
    tpu.enqueue_dma source(%dma_start3A_33 : memref<16x416xf32, #tpu.memory_space<hbm>>) target(%arg5 : memref<16x416xf32, #tpu.memory_space<vmem>>) target_semaphore(%arg15 : memref<!tpu.dma_semaphore, #tpu.memory_space<semaphore_mem>>)
    %add3A_34 = arith.constant 3 : i32
    %add3A_35 = arith.addi %mul3A_3, %add3A_34 : i32
    %mul3A_36 = arith.constant 388 : i32
    %mul3A_37 = arith.muli %add3A_35, %mul3A_36 : i32
    %add3A_38 = arith.addi %mul3A_37, %add3A_1 : i32
    %add3A_39 = arith.constant 1 : i32
    %add3A_40 = arith.addi %add3A_38, %add3A_39 : i32
    %dma_start3A_41 = arith.constant 0 : i32
    %dma_start3A_42 = tpu.memref_slice %arg2[%add3A_40, %dma_start3A_41] : memref<3104x416xf32, #tpu.memory_space<hbm>> -> memref<14x416xf32, #tpu.memory_space<hbm>>
    %dma_start3A_43 = arith.constant 0 : i32
    %dma_start3A_44 = tpu.memref_slice %arg2[%add3A_40, %dma_start3A_43] : memref<3104x416xf32, #tpu.memory_space<hbm>> -> memref<14x416xf32, #tpu.memory_space<hbm>>
    tpu.enqueue_dma source(%dma_start3A_44 : memref<14x416xf32, #tpu.memory_space<hbm>>) target(%arg8 : memref<14x416xf32, #tpu.memory_space<vmem>>) target_semaphore(%arg15 : memref<!tpu.dma_semaphore, #tpu.memory_space<semaphore_mem>>)
    tpu.wait_dma2 semaphore(%arg15 : memref<!tpu.dma_semaphore, #tpu.memory_space<semaphore_mem>>) src(%arg3 : memref<36x16xf32, #tpu.memory_space<hbm>>) dst(%arg14 : memref<36x16xf32, #tpu.memory_space<vmem>>)
    %dma_wait3A = arith.constant 0 : i32
    %dma_wait3A_45 = tpu.memref_slice %arg2[%add3A_10, %dma_wait3A] : memref<3104x416xf32, #tpu.memory_space<hbm>> -> memref<14x416xf32, #tpu.memory_space<hbm>>
    %dma_wait3A_46 = arith.constant 0 : i32
    %dma_wait3A_47 = tpu.memref_slice %arg2[%add3A_10, %dma_wait3A_46] : memref<3104x416xf32, #tpu.memory_space<hbm>> -> memref<14x416xf32, #tpu.memory_space<hbm>>
    tpu.wait_dma2 semaphore(%arg15 : memref<!tpu.dma_semaphore, #tpu.memory_space<semaphore_mem>>) src(%dma_wait3A_47 : memref<14x416xf32, #tpu.memory_space<hbm>>) dst(%arg6 : memref<14x416xf32, #tpu.memory_space<vmem>>)
    %dma_wait3A_48 = arith.constant 0 : i32
    %dma_wait3A_49 = tpu.memref_slice %arg2[%add3A_20, %dma_wait3A_48] : memref<3104x416xf32, #tpu.memory_space<hbm>> -> memref<14x416xf32, #tpu.memory_space<hbm>>
    %dma_wait3A_50 = arith.constant 0 : i32
    %dma_wait3A_51 = tpu.memref_slice %arg2[%add3A_20, %dma_wait3A_50] : memref<3104x416xf32, #tpu.memory_space<hbm>> -> memref<14x416xf32, #tpu.memory_space<hbm>>
    tpu.wait_dma2 semaphore(%arg15 : memref<!tpu.dma_semaphore, #tpu.memory_space<semaphore_mem>>) src(%dma_wait3A_51 : memref<14x416xf32, #tpu.memory_space<hbm>>) dst(%arg7 : memref<14x416xf32, #tpu.memory_space<vmem>>)
    %dma_wait3A_52 = arith.constant 0 : i32
    %dma_wait3A_53 = tpu.memref_slice %arg2[%add3A_29, %dma_wait3A_52] : memref<3104x416xf32, #tpu.memory_space<hbm>> -> memref<16x416xf32, #tpu.memory_space<hbm>>
    %dma_wait3A_54 = arith.constant 0 : i32
    %dma_wait3A_55 = tpu.memref_slice %arg2[%add3A_29, %dma_wait3A_54] : memref<3104x416xf32, #tpu.memory_space<hbm>> -> memref<16x416xf32, #tpu.memory_space<hbm>>
    tpu.wait_dma2 semaphore(%arg15 : memref<!tpu.dma_semaphore, #tpu.memory_space<semaphore_mem>>) src(%dma_wait3A_55 : memref<16x416xf32, #tpu.memory_space<hbm>>) dst(%arg5 : memref<16x416xf32, #tpu.memory_space<vmem>>)
    %dma_wait3A_56 = arith.constant 0 : i32
    %dma_wait3A_57 = tpu.memref_slice %arg2[%add3A_40, %dma_wait3A_56] : memref<3104x416xf32, #tpu.memory_space<hbm>> -> memref<14x416xf32, #tpu.memory_space<hbm>>
    %dma_wait3A_58 = arith.constant 0 : i32
    %dma_wait3A_59 = tpu.memref_slice %arg2[%add3A_40, %dma_wait3A_58] : memref<3104x416xf32, #tpu.memory_space<hbm>> -> memref<14x416xf32, #tpu.memory_space<hbm>>
    tpu.wait_dma2 semaphore(%arg15 : memref<!tpu.dma_semaphore, #tpu.memory_space<semaphore_mem>>) src(%dma_wait3A_59 : memref<14x416xf32, #tpu.memory_space<hbm>>) dst(%arg8 : memref<14x416xf32, #tpu.memory_space<vmem>>)
    %get3A = arith.constant 0 : i32
    %get3A_60 = arith.index_cast %get3A : i32 to index
    %get3A_61 = arith.constant 0 : index
    %get3A_62 = tpu.vector_load %arg14[%get3A_60, %get3A_61] {strides = array<i32>} : memref<36x16xf32, #tpu.memory_space<vmem>>, vector<16xf32>,
    %get3A_63 = arith.constant 1 : i32
    %get3A_64 = arith.index_cast %get3A_63 : i32 to index
    %get3A_65 = arith.constant 0 : index
    %get3A_66 = tpu.vector_load %arg14[%get3A_64, %get3A_65] {strides = array<i32>} : memref<36x16xf32, #tpu.memory_space<vmem>>, vector<16xf32>,
    %get3A_67 = arith.constant 2 : i32
    %get3A_68 = arith.index_cast %get3A_67 : i32 to index
    %get3A_69 = arith.constant 0 : index
    %get3A_70 = tpu.vector_load %arg14[%get3A_68, %get3A_69] {strides = array<i32>} : memref<36x16xf32, #tpu.memory_space<vmem>>, vector<16xf32>,
    %get3A_71 = arith.constant 3 : i32
    %get3A_72 = arith.index_cast %get3A_71 : i32 to index
    %get3A_73 = arith.constant 0 : index
    %get3A_74 = tpu.vector_load %arg14[%get3A_72, %get3A_73] {strides = array<i32>} : memref<36x16xf32, #tpu.memory_space<vmem>>, vector<16xf32>,
    %get3A_75 = arith.constant 4 : i32
    %get3A_76 = arith.index_cast %get3A_75 : i32 to index
    %get3A_77 = arith.constant 0 : index
    %get3A_78 = tpu.vector_load %arg14[%get3A_76, %get3A_77] {strides = array<i32>} : memref<36x16xf32, #tpu.memory_space<vmem>>, vector<16xf32>,
    %get3A_79 = arith.constant 5 : i32
    %get3A_80 = arith.index_cast %get3A_79 : i32 to index
    %get3A_81 = arith.constant 0 : index
    %get3A_82 = tpu.vector_load %arg14[%get3A_80, %get3A_81] {strides = array<i32>} : memref<36x16xf32, #tpu.memory_space<vmem>>, vector<16xf32>,
    %get3A_83 = arith.constant 6 : i32
    %get3A_84 = arith.index_cast %get3A_83 : i32 to index
    %get3A_85 = arith.constant 0 : index
    %get3A_86 = tpu.vector_load %arg14[%get3A_84, %get3A_85] {strides = array<i32>} : memref<36x16xf32, #tpu.memory_space<vmem>>, vector<16xf32>,
    %get3A_87 = arith.constant 7 : i32
    %get3A_88 = arith.index_cast %get3A_87 : i32 to index
    %get3A_89 = arith.constant 0 : index
    %get3A_90 = tpu.vector_load %arg14[%get3A_88, %get3A_89] {strides = array<i32>} : memref<36x16xf32, #tpu.memory_space<vmem>>, vector<16xf32>,
    %get3A_91 = arith.constant 8 : i32
    %get3A_92 = arith.index_cast %get3A_91 : i32 to index
    %get3A_93 = arith.constant 0 : index
    %get3A_94 = tpu.vector_load %arg14[%get3A_92, %get3A_93] {strides = array<i32>} : memref<36x16xf32, #tpu.memory_space<vmem>>, vector<16xf32>,
    %iota3A = tpu.iota {dimensions = array<i32: 0>} : vector<16xi32>
    %convert_element_type3A = arith.sitofp %iota3A : vector<16xi32> to vector<16xf32>
    %parallel_loop3A = arith.constant 0 : i32
    %parallel_loop3A_95 = arith.constant 14 : i32
    %parallel_loop3A_96 = arith.constant 1 : i32
    scf.for %parallel_loop3A_145 = %parallel_loop3A to %parallel_loop3A_95 step %parallel_loop3A_96  : i32 {
      %parallel_loop3A_146 = arith.addi %add3A_1, %parallel_loop3A_145 : i32
      %parallel_loop3A_147 = arith.constant 1 : i32
      %parallel_loop3A_148 = arith.subi %parallel_loop3A_146, %parallel_loop3A_147 : i32
      %parallel_loop3A_149 = arith.sitofp %parallel_loop3A_148 : i32 to f32
      %parallel_loop3A_150 = vector.broadcast %parallel_loop3A_149 : f32 to vector<16xf32>
      %parallel_loop3A_151 = arith.mulf %get3A_66, %parallel_loop3A_150 : vector<16xf32>
      %parallel_loop3A_152 = arith.addf %parallel_loop3A_151, %get3A_70 : vector<16xf32>
      %parallel_loop3A_153 = vector.broadcast %parallel_loop3A_149 : f32 to vector<16xf32>
      %parallel_loop3A_154 = arith.mulf %get3A_78, %parallel_loop3A_153 : vector<16xf32>
      %parallel_loop3A_155 = arith.addf %parallel_loop3A_154, %get3A_82 : vector<16xf32>
      %parallel_loop3A_156 = vector.broadcast %parallel_loop3A_149 : f32 to vector<16xf32>
      %parallel_loop3A_157 = arith.mulf %get3A_90, %parallel_loop3A_156 : vector<16xf32>
      %parallel_loop3A_158 = arith.addf %parallel_loop3A_157, %get3A_94 : vector<16xf32>
      %parallel_loop3A_159 = arith.constant 0 : i32
      %parallel_loop3A_160 = arith.constant 25 : i32
      %parallel_loop3A_161 = arith.constant 1 : i32
      scf.for %parallel_loop3A_162 = %parallel_loop3A_159 to %parallel_loop3A_160 step %parallel_loop3A_161  : i32 {
        %parallel_loop3A_163 = arith.constant 16 : i32
        %parallel_loop3A_164 = arith.muli %parallel_loop3A_163, %parallel_loop3A_162 : i32
        %parallel_loop3A_165 = arith.constant 1 : i32
        %parallel_loop3A_166 = arith.addi %parallel_loop3A_164, %parallel_loop3A_165 : i32
        %parallel_loop3A_167 = arith.constant 1 : i32
        %parallel_loop3A_168 = arith.subi %parallel_loop3A_164, %parallel_loop3A_167 : i32
        %parallel_loop3A_169 = arith.sitofp %parallel_loop3A_168 : i32 to f32
        %parallel_loop3A_170 = vector.broadcast %parallel_loop3A_169 : f32 to vector<16xf32>
        %parallel_loop3A_171 = arith.addf %convert_element_type3A, %parallel_loop3A_170 : vector<16xf32>
        %parallel_loop3A_172 = arith.mulf %get3A_62, %parallel_loop3A_171 : vector<16xf32>
        %parallel_loop3A_173 = arith.addf %parallel_loop3A_172, %parallel_loop3A_152 : vector<16xf32>
        %parallel_loop3A_174 = arith.mulf %get3A_74, %parallel_loop3A_171 : vector<16xf32>
        %parallel_loop3A_175 = arith.addf %parallel_loop3A_174, %parallel_loop3A_155 : vector<16xf32>
        %parallel_loop3A_176 = arith.mulf %get3A_86, %parallel_loop3A_171 : vector<16xf32>
        %parallel_loop3A_177 = arith.addf %parallel_loop3A_176, %parallel_loop3A_158 : vector<16xf32>
        %parallel_loop3A_178 = arith.index_cast %parallel_loop3A_145 : i32 to index
        %parallel_loop3A_179 = arith.index_cast %parallel_loop3A_166 : i32 to index
        %parallel_loop3A_180 = tpu.vector_load %arg6[%parallel_loop3A_178, %parallel_loop3A_179] {strides = array<i32>} : memref<14x416xf32, #tpu.memory_space<vmem>>, vector<16xf32>,
        %parallel_loop3A_181 = arith.index_cast %parallel_loop3A_145 : i32 to index
        %parallel_loop3A_182 = arith.index_cast %parallel_loop3A_166 : i32 to index
        %parallel_loop3A_183 = tpu.vector_load %arg7[%parallel_loop3A_181, %parallel_loop3A_182] {strides = array<i32>} : memref<14x416xf32, #tpu.memory_space<vmem>>, vector<16xf32>,
        %parallel_loop3A_184 = arith.constant 1 : i32
        %parallel_loop3A_185 = arith.addi %parallel_loop3A_145, %parallel_loop3A_184 : i32
        %parallel_loop3A_186 = arith.index_cast %parallel_loop3A_185 : i32 to index
        %parallel_loop3A_187 = arith.index_cast %parallel_loop3A_166 : i32 to index
        %parallel_loop3A_188 = tpu.vector_load %arg5[%parallel_loop3A_186, %parallel_loop3A_187] {strides = array<i32>} : memref<16x416xf32, #tpu.memory_space<vmem>>, vector<16xf32>,
        %parallel_loop3A_189 = arith.index_cast %parallel_loop3A_145 : i32 to index
        %parallel_loop3A_190 = arith.index_cast %parallel_loop3A_166 : i32 to index
        %parallel_loop3A_191 = tpu.vector_load %arg8[%parallel_loop3A_189, %parallel_loop3A_190] {strides = array<i32>} : memref<14x416xf32, #tpu.memory_space<vmem>>, vector<16xf32>,
        %parallel_loop3A_192 = arith.constant 1 : i32
        %parallel_loop3A_193 = arith.addi %parallel_loop3A_145, %parallel_loop3A_192 : i32
        %parallel_loop3A_194 = arith.constant -1 : i32
        %parallel_loop3A_195 = arith.addi %parallel_loop3A_193, %parallel_loop3A_194 : i32
        %parallel_loop3A_196 = arith.constant -1 : i32
        %parallel_loop3A_197 = arith.addi %parallel_loop3A_166, %parallel_loop3A_196 : i32
        %parallel_loop3A_198 = arith.index_cast %parallel_loop3A_195 : i32 to index
        %parallel_loop3A_199 = arith.index_cast %parallel_loop3A_197 : i32 to index
        %parallel_loop3A_200 = tpu.vector_load %arg5[%parallel_loop3A_198, %parallel_loop3A_199] {strides = array<i32>} : memref<16x416xf32, #tpu.memory_space<vmem>>, vector<16xf32>,
        %parallel_loop3A_201 = arith.constant 9 : i32
        %parallel_loop3A_202 = arith.index_cast %parallel_loop3A_201 : i32 to index
        %parallel_loop3A_203 = arith.constant 0 : index
        %parallel_loop3A_204 = tpu.vector_load %arg14[%parallel_loop3A_202, %parallel_loop3A_203] {strides = array<i32>} : memref<36x16xf32, #tpu.memory_space<vmem>>, vector<16xf32>,
        %parallel_loop3A_205 = arith.addf %parallel_loop3A_173, %parallel_loop3A_204 : vector<16xf32>
        %parallel_loop3A_206 = arith.constant 18 : i32
        %parallel_loop3A_207 = arith.index_cast %parallel_loop3A_206 : i32 to index
        %parallel_loop3A_208 = arith.constant 0 : index
        %parallel_loop3A_209 = tpu.vector_load %arg14[%parallel_loop3A_207, %parallel_loop3A_208] {strides = array<i32>} : memref<36x16xf32, #tpu.memory_space<vmem>>, vector<16xf32>,
        %parallel_loop3A_210 = arith.addf %parallel_loop3A_175, %parallel_loop3A_209 : vector<16xf32>
        %parallel_loop3A_211 = arith.constant 27 : i32
        %parallel_loop3A_212 = arith.index_cast %parallel_loop3A_211 : i32 to index
        %parallel_loop3A_213 = arith.constant 0 : index
        %parallel_loop3A_214 = tpu.vector_load %arg14[%parallel_loop3A_212, %parallel_loop3A_213] {strides = array<i32>} : memref<36x16xf32, #tpu.memory_space<vmem>>, vector<16xf32>,
        %parallel_loop3A_215 = arith.addf %parallel_loop3A_177, %parallel_loop3A_214 : vector<16xf32>
        %parallel_loop3A_216 = arith.mulf %parallel_loop3A_205, %parallel_loop3A_200 : vector<16xf32>
        %parallel_loop3A_217 = arith.subf %parallel_loop3A_216, %parallel_loop3A_180 : vector<16xf32>
        %parallel_loop3A_218 = arith.mulf %parallel_loop3A_210, %parallel_loop3A_200 : vector<16xf32>
        %parallel_loop3A_219 = arith.subf %parallel_loop3A_218, %parallel_loop3A_183 : vector<16xf32>
        %parallel_loop3A_220 = arith.mulf %parallel_loop3A_215, %parallel_loop3A_200 : vector<16xf32>
        %parallel_loop3A_221 = arith.subf %parallel_loop3A_220, %parallel_loop3A_188 : vector<16xf32>
        %parallel_loop3A_222 = arith.mulf %parallel_loop3A_217, %parallel_loop3A_217 : vector<16xf32>
        %parallel_loop3A_223 = arith.mulf %parallel_loop3A_219, %parallel_loop3A_219 : vector<16xf32>
        %parallel_loop3A_224 = arith.addf %parallel_loop3A_222, %parallel_loop3A_223 : vector<16xf32>
        %parallel_loop3A_225 = arith.mulf %parallel_loop3A_221, %parallel_loop3A_221 : vector<16xf32>
        %parallel_loop3A_226 = arith.addf %parallel_loop3A_224, %parallel_loop3A_225 : vector<16xf32>
        %parallel_loop3A_227 = arith.constant 1 : i32
        %parallel_loop3A_228 = arith.addi %parallel_loop3A_145, %parallel_loop3A_227 : i32
        %parallel_loop3A_229 = arith.constant -1 : i32
        %parallel_loop3A_230 = arith.addi %parallel_loop3A_228, %parallel_loop3A_229 : i32
        %parallel_loop3A_231 = arith.constant 0 : i32
        %parallel_loop3A_232 = arith.addi %parallel_loop3A_166, %parallel_loop3A_231 : i32
        %parallel_loop3A_233 = arith.index_cast %parallel_loop3A_230 : i32 to index
        %parallel_loop3A_234 = arith.index_cast %parallel_loop3A_232 : i32 to index
        %parallel_loop3A_235 = tpu.vector_load %arg5[%parallel_loop3A_233, %parallel_loop3A_234] {strides = array<i32>} : memref<16x416xf32, #tpu.memory_space<vmem>>, vector<16xf32>,
        %parallel_loop3A_236 = arith.constant 10 : i32
        %parallel_loop3A_237 = arith.index_cast %parallel_loop3A_236 : i32 to index
        %parallel_loop3A_238 = arith.constant 0 : index
        %parallel_loop3A_239 = tpu.vector_load %arg14[%parallel_loop3A_237, %parallel_loop3A_238] {strides = array<i32>} : memref<36x16xf32, #tpu.memory_space<vmem>>, vector<16xf32>,
        %parallel_loop3A_240 = arith.addf %parallel_loop3A_173, %parallel_loop3A_239 : vector<16xf32>
        %parallel_loop3A_241 = arith.constant 19 : i32
        %parallel_loop3A_242 = arith.index_cast %parallel_loop3A_241 : i32 to index
        %parallel_loop3A_243 = arith.constant 0 : index
        %parallel_loop3A_244 = tpu.vector_load %arg14[%parallel_loop3A_242, %parallel_loop3A_243] {strides = array<i32>} : memref<36x16xf32, #tpu.memory_space<vmem>>, vector<16xf32>,
        %parallel_loop3A_245 = arith.addf %parallel_loop3A_175, %parallel_loop3A_244 : vector<16xf32>
        %parallel_loop3A_246 = arith.constant 28 : i32
        %parallel_loop3A_247 = arith.index_cast %parallel_loop3A_246 : i32 to index
        %parallel_loop3A_248 = arith.constant 0 : index
        %parallel_loop3A_249 = tpu.vector_load %arg14[%parallel_loop3A_247, %parallel_loop3A_248] {strides = array<i32>} : memref<36x16xf32, #tpu.memory_space<vmem>>, vector<16xf32>,
        %parallel_loop3A_250 = arith.addf %parallel_loop3A_177, %parallel_loop3A_249 : vector<16xf32>
        %parallel_loop3A_251 = arith.mulf %parallel_loop3A_240, %parallel_loop3A_235 : vector<16xf32>
        %parallel_loop3A_252 = arith.subf %parallel_loop3A_251, %parallel_loop3A_180 : vector<16xf32>
        %parallel_loop3A_253 = arith.mulf %parallel_loop3A_245, %parallel_loop3A_235 : vector<16xf32>
        %parallel_loop3A_254 = arith.subf %parallel_loop3A_253, %parallel_loop3A_183 : vector<16xf32>
        %parallel_loop3A_255 = arith.mulf %parallel_loop3A_250, %parallel_loop3A_235 : vector<16xf32>
        %parallel_loop3A_256 = arith.subf %parallel_loop3A_255, %parallel_loop3A_188 : vector<16xf32>
        %parallel_loop3A_257 = arith.mulf %parallel_loop3A_252, %parallel_loop3A_252 : vector<16xf32>
        %parallel_loop3A_258 = arith.mulf %parallel_loop3A_254, %parallel_loop3A_254 : vector<16xf32>
        %parallel_loop3A_259 = arith.addf %parallel_loop3A_257, %parallel_loop3A_258 : vector<16xf32>
        %parallel_loop3A_260 = arith.mulf %parallel_loop3A_256, %parallel_loop3A_256 : vector<16xf32>
        %parallel_loop3A_261 = arith.addf %parallel_loop3A_259, %parallel_loop3A_260 : vector<16xf32>
        %parallel_loop3A_262 = arith.constant 1 : i32
        %parallel_loop3A_263 = arith.addi %parallel_loop3A_145, %parallel_loop3A_262 : i32
        %parallel_loop3A_264 = arith.constant -1 : i32
        %parallel_loop3A_265 = arith.addi %parallel_loop3A_263, %parallel_loop3A_264 : i32
        %parallel_loop3A_266 = arith.constant 1 : i32
        %parallel_loop3A_267 = arith.addi %parallel_loop3A_166, %parallel_loop3A_266 : i32
        %parallel_loop3A_268 = arith.index_cast %parallel_loop3A_265 : i32 to index
        %parallel_loop3A_269 = arith.index_cast %parallel_loop3A_267 : i32 to index
        %parallel_loop3A_270 = tpu.vector_load %arg5[%parallel_loop3A_268, %parallel_loop3A_269] {strides = array<i32>} : memref<16x416xf32, #tpu.memory_space<vmem>>, vector<16xf32>,
        %parallel_loop3A_271 = arith.constant 11 : i32
        %parallel_loop3A_272 = arith.index_cast %parallel_loop3A_271 : i32 to index
        %parallel_loop3A_273 = arith.constant 0 : index
        %parallel_loop3A_274 = tpu.vector_load %arg14[%parallel_loop3A_272, %parallel_loop3A_273] {strides = array<i32>} : memref<36x16xf32, #tpu.memory_space<vmem>>, vector<16xf32>,
        %parallel_loop3A_275 = arith.addf %parallel_loop3A_173, %parallel_loop3A_274 : vector<16xf32>
        %parallel_loop3A_276 = arith.constant 20 : i32
        %parallel_loop3A_277 = arith.index_cast %parallel_loop3A_276 : i32 to index
        %parallel_loop3A_278 = arith.constant 0 : index
        %parallel_loop3A_279 = tpu.vector_load %arg14[%parallel_loop3A_277, %parallel_loop3A_278] {strides = array<i32>} : memref<36x16xf32, #tpu.memory_space<vmem>>, vector<16xf32>,
        %parallel_loop3A_280 = arith.addf %parallel_loop3A_175, %parallel_loop3A_279 : vector<16xf32>
        %parallel_loop3A_281 = arith.constant 29 : i32
        %parallel_loop3A_282 = arith.index_cast %parallel_loop3A_281 : i32 to index
        %parallel_loop3A_283 = arith.constant 0 : index
        %parallel_loop3A_284 = tpu.vector_load %arg14[%parallel_loop3A_282, %parallel_loop3A_283] {strides = array<i32>} : memref<36x16xf32, #tpu.memory_space<vmem>>, vector<16xf32>,
        %parallel_loop3A_285 = arith.addf %parallel_loop3A_177, %parallel_loop3A_284 : vector<16xf32>
        %parallel_loop3A_286 = arith.mulf %parallel_loop3A_275, %parallel_loop3A_270 : vector<16xf32>
        %parallel_loop3A_287 = arith.subf %parallel_loop3A_286, %parallel_loop3A_180 : vector<16xf32>
        %parallel_loop3A_288 = arith.mulf %parallel_loop3A_280, %parallel_loop3A_270 : vector<16xf32>
        %parallel_loop3A_289 = arith.subf %parallel_loop3A_288, %parallel_loop3A_183 : vector<16xf32>
        %parallel_loop3A_290 = arith.mulf %parallel_loop3A_285, %parallel_loop3A_270 : vector<16xf32>
        %parallel_loop3A_291 = arith.subf %parallel_loop3A_290, %parallel_loop3A_188 : vector<16xf32>
        %parallel_loop3A_292 = arith.mulf %parallel_loop3A_287, %parallel_loop3A_287 : vector<16xf32>
        %parallel_loop3A_293 = arith.mulf %parallel_loop3A_289, %parallel_loop3A_289 : vector<16xf32>
        %parallel_loop3A_294 = arith.addf %parallel_loop3A_292, %parallel_loop3A_293 : vector<16xf32>
        %parallel_loop3A_295 = arith.mulf %parallel_loop3A_291, %parallel_loop3A_291 : vector<16xf32>
        %parallel_loop3A_296 = arith.addf %parallel_loop3A_294, %parallel_loop3A_295 : vector<16xf32>
        %parallel_loop3A_297 = arith.constant 1 : i32
        %parallel_loop3A_298 = arith.addi %parallel_loop3A_145, %parallel_loop3A_297 : i32
        %parallel_loop3A_299 = arith.constant 0 : i32
        %parallel_loop3A_300 = arith.addi %parallel_loop3A_298, %parallel_loop3A_299 : i32
        %parallel_loop3A_301 = arith.constant -1 : i32
        %parallel_loop3A_302 = arith.addi %parallel_loop3A_166, %parallel_loop3A_301 : i32
        %parallel_loop3A_303 = arith.index_cast %parallel_loop3A_300 : i32 to index
        %parallel_loop3A_304 = arith.index_cast %parallel_loop3A_302 : i32 to index
        %parallel_loop3A_305 = tpu.vector_load %arg5[%parallel_loop3A_303, %parallel_loop3A_304] {strides = array<i32>} : memref<16x416xf32, #tpu.memory_space<vmem>>, vector<16xf32>,
        %parallel_loop3A_306 = arith.constant 12 : i32
        %parallel_loop3A_307 = arith.index_cast %parallel_loop3A_306 : i32 to index
        %parallel_loop3A_308 = arith.constant 0 : index
        %parallel_loop3A_309 = tpu.vector_load %arg14[%parallel_loop3A_307, %parallel_loop3A_308] {strides = array<i32>} : memref<36x16xf32, #tpu.memory_space<vmem>>, vector<16xf32>,
        %parallel_loop3A_310 = arith.addf %parallel_loop3A_173, %parallel_loop3A_309 : vector<16xf32>
        %parallel_loop3A_311 = arith.constant 21 : i32
        %parallel_loop3A_312 = arith.index_cast %parallel_loop3A_311 : i32 to index
        %parallel_loop3A_313 = arith.constant 0 : index
        %parallel_loop3A_314 = tpu.vector_load %arg14[%parallel_loop3A_312, %parallel_loop3A_313] {strides = array<i32>} : memref<36x16xf32, #tpu.memory_space<vmem>>, vector<16xf32>,
        %parallel_loop3A_315 = arith.addf %parallel_loop3A_175, %parallel_loop3A_314 : vector<16xf32>
        %parallel_loop3A_316 = arith.constant 30 : i32
        %parallel_loop3A_317 = arith.index_cast %parallel_loop3A_316 : i32 to index
        %parallel_loop3A_318 = arith.constant 0 : index
        %parallel_loop3A_319 = tpu.vector_load %arg14[%parallel_loop3A_317, %parallel_loop3A_318] {strides = array<i32>} : memref<36x16xf32, #tpu.memory_space<vmem>>, vector<16xf32>,
        %parallel_loop3A_320 = arith.addf %parallel_loop3A_177, %parallel_loop3A_319 : vector<16xf32>
        %parallel_loop3A_321 = arith.mulf %parallel_loop3A_310, %parallel_loop3A_305 : vector<16xf32>
        %parallel_loop3A_322 = arith.subf %parallel_loop3A_321, %parallel_loop3A_180 : vector<16xf32>
        %parallel_loop3A_323 = arith.mulf %parallel_loop3A_315, %parallel_loop3A_305 : vector<16xf32>
        %parallel_loop3A_324 = arith.subf %parallel_loop3A_323, %parallel_loop3A_183 : vector<16xf32>
        %parallel_loop3A_325 = arith.mulf %parallel_loop3A_320, %parallel_loop3A_305 : vector<16xf32>
        %parallel_loop3A_326 = arith.subf %parallel_loop3A_325, %parallel_loop3A_188 : vector<16xf32>
        %parallel_loop3A_327 = arith.mulf %parallel_loop3A_322, %parallel_loop3A_322 : vector<16xf32>
        %parallel_loop3A_328 = arith.mulf %parallel_loop3A_324, %parallel_loop3A_324 : vector<16xf32>
        %parallel_loop3A_329 = arith.addf %parallel_loop3A_327, %parallel_loop3A_328 : vector<16xf32>
        %parallel_loop3A_330 = arith.mulf %parallel_loop3A_326, %parallel_loop3A_326 : vector<16xf32>
        %parallel_loop3A_331 = arith.addf %parallel_loop3A_329, %parallel_loop3A_330 : vector<16xf32>
        %parallel_loop3A_332 = arith.constant 1 : i32
        %parallel_loop3A_333 = arith.addi %parallel_loop3A_145, %parallel_loop3A_332 : i32
        %parallel_loop3A_334 = arith.constant 0 : i32
        %parallel_loop3A_335 = arith.addi %parallel_loop3A_333, %parallel_loop3A_334 : i32
        %parallel_loop3A_336 = arith.constant 0 : i32
        %parallel_loop3A_337 = arith.addi %parallel_loop3A_166, %parallel_loop3A_336 : i32
        %parallel_loop3A_338 = arith.index_cast %parallel_loop3A_335 : i32 to index
        %parallel_loop3A_339 = arith.index_cast %parallel_loop3A_337 : i32 to index
        %parallel_loop3A_340 = tpu.vector_load %arg5[%parallel_loop3A_338, %parallel_loop3A_339] {strides = array<i32>} : memref<16x416xf32, #tpu.memory_space<vmem>>, vector<16xf32>,
        %parallel_loop3A_341 = arith.constant 13 : i32
        %parallel_loop3A_342 = arith.index_cast %parallel_loop3A_341 : i32 to index
        %parallel_loop3A_343 = arith.constant 0 : index
        %parallel_loop3A_344 = tpu.vector_load %arg14[%parallel_loop3A_342, %parallel_loop3A_343] {strides = array<i32>} : memref<36x16xf32, #tpu.memory_space<vmem>>, vector<16xf32>,
        %parallel_loop3A_345 = arith.addf %parallel_loop3A_173, %parallel_loop3A_344 : vector<16xf32>
        %parallel_loop3A_346 = arith.constant 22 : i32
        %parallel_loop3A_347 = arith.index_cast %parallel_loop3A_346 : i32 to index
        %parallel_loop3A_348 = arith.constant 0 : index
        %parallel_loop3A_349 = tpu.vector_load %arg14[%parallel_loop3A_347, %parallel_loop3A_348] {strides = array<i32>} : memref<36x16xf32, #tpu.memory_space<vmem>>, vector<16xf32>,
        %parallel_loop3A_350 = arith.addf %parallel_loop3A_175, %parallel_loop3A_349 : vector<16xf32>
        %parallel_loop3A_351 = arith.constant 31 : i32
        %parallel_loop3A_352 = arith.index_cast %parallel_loop3A_351 : i32 to index
        %parallel_loop3A_353 = arith.constant 0 : index
        %parallel_loop3A_354 = tpu.vector_load %arg14[%parallel_loop3A_352, %parallel_loop3A_353] {strides = array<i32>} : memref<36x16xf32, #tpu.memory_space<vmem>>, vector<16xf32>,
        %parallel_loop3A_355 = arith.addf %parallel_loop3A_177, %parallel_loop3A_354 : vector<16xf32>
        %parallel_loop3A_356 = arith.mulf %parallel_loop3A_345, %parallel_loop3A_340 : vector<16xf32>
        %parallel_loop3A_357 = arith.subf %parallel_loop3A_356, %parallel_loop3A_180 : vector<16xf32>
        %parallel_loop3A_358 = arith.mulf %parallel_loop3A_350, %parallel_loop3A_340 : vector<16xf32>
        %parallel_loop3A_359 = arith.subf %parallel_loop3A_358, %parallel_loop3A_183 : vector<16xf32>
        %parallel_loop3A_360 = arith.mulf %parallel_loop3A_355, %parallel_loop3A_340 : vector<16xf32>
        %parallel_loop3A_361 = arith.subf %parallel_loop3A_360, %parallel_loop3A_188 : vector<16xf32>
        %parallel_loop3A_362 = arith.mulf %parallel_loop3A_357, %parallel_loop3A_357 : vector<16xf32>
        %parallel_loop3A_363 = arith.mulf %parallel_loop3A_359, %parallel_loop3A_359 : vector<16xf32>
        %parallel_loop3A_364 = arith.addf %parallel_loop3A_362, %parallel_loop3A_363 : vector<16xf32>
        %parallel_loop3A_365 = arith.mulf %parallel_loop3A_361, %parallel_loop3A_361 : vector<16xf32>
        %parallel_loop3A_366 = arith.addf %parallel_loop3A_364, %parallel_loop3A_365 : vector<16xf32>
        %parallel_loop3A_367 = arith.constant 1 : i32
        %parallel_loop3A_368 = arith.addi %parallel_loop3A_145, %parallel_loop3A_367 : i32
        %parallel_loop3A_369 = arith.constant 0 : i32
        %parallel_loop3A_370 = arith.addi %parallel_loop3A_368, %parallel_loop3A_369 : i32
        %parallel_loop3A_371 = arith.constant 1 : i32
        %parallel_loop3A_372 = arith.addi %parallel_loop3A_166, %parallel_loop3A_371 : i32
        %parallel_loop3A_373 = arith.index_cast %parallel_loop3A_370 : i32 to index
        %parallel_loop3A_374 = arith.index_cast %parallel_loop3A_372 : i32 to index
        %parallel_loop3A_375 = tpu.vector_load %arg5[%parallel_loop3A_373, %parallel_loop3A_374] {strides = array<i32>} : memref<16x416xf32, #tpu.memory_space<vmem>>, vector<16xf32>,
        %parallel_loop3A_376 = arith.constant 14 : i32
        %parallel_loop3A_377 = arith.index_cast %parallel_loop3A_376 : i32 to index
        %parallel_loop3A_378 = arith.constant 0 : index
        %parallel_loop3A_379 = tpu.vector_load %arg14[%parallel_loop3A_377, %parallel_loop3A_378] {strides = array<i32>} : memref<36x16xf32, #tpu.memory_space<vmem>>, vector<16xf32>,
        %parallel_loop3A_380 = arith.addf %parallel_loop3A_173, %parallel_loop3A_379 : vector<16xf32>
        %parallel_loop3A_381 = arith.constant 23 : i32
        %parallel_loop3A_382 = arith.index_cast %parallel_loop3A_381 : i32 to index
        %parallel_loop3A_383 = arith.constant 0 : index
        %parallel_loop3A_384 = tpu.vector_load %arg14[%parallel_loop3A_382, %parallel_loop3A_383] {strides = array<i32>} : memref<36x16xf32, #tpu.memory_space<vmem>>, vector<16xf32>,
        %parallel_loop3A_385 = arith.addf %parallel_loop3A_175, %parallel_loop3A_384 : vector<16xf32>
        %parallel_loop3A_386 = arith.constant 32 : i32
        %parallel_loop3A_387 = arith.index_cast %parallel_loop3A_386 : i32 to index
        %parallel_loop3A_388 = arith.constant 0 : index
        %parallel_loop3A_389 = tpu.vector_load %arg14[%parallel_loop3A_387, %parallel_loop3A_388] {strides = array<i32>} : memref<36x16xf32, #tpu.memory_space<vmem>>, vector<16xf32>,
        %parallel_loop3A_390 = arith.addf %parallel_loop3A_177, %parallel_loop3A_389 : vector<16xf32>
        %parallel_loop3A_391 = arith.mulf %parallel_loop3A_380, %parallel_loop3A_375 : vector<16xf32>
        %parallel_loop3A_392 = arith.subf %parallel_loop3A_391, %parallel_loop3A_180 : vector<16xf32>
        %parallel_loop3A_393 = arith.mulf %parallel_loop3A_385, %parallel_loop3A_375 : vector<16xf32>
        %parallel_loop3A_394 = arith.subf %parallel_loop3A_393, %parallel_loop3A_183 : vector<16xf32>
        %parallel_loop3A_395 = arith.mulf %parallel_loop3A_390, %parallel_loop3A_375 : vector<16xf32>
        %parallel_loop3A_396 = arith.subf %parallel_loop3A_395, %parallel_loop3A_188 : vector<16xf32>
        %parallel_loop3A_397 = arith.mulf %parallel_loop3A_392, %parallel_loop3A_392 : vector<16xf32>
        %parallel_loop3A_398 = arith.mulf %parallel_loop3A_394, %parallel_loop3A_394 : vector<16xf32>
        %parallel_loop3A_399 = arith.addf %parallel_loop3A_397, %parallel_loop3A_398 : vector<16xf32>
        %parallel_loop3A_400 = arith.mulf %parallel_loop3A_396, %parallel_loop3A_396 : vector<16xf32>
        %parallel_loop3A_401 = arith.addf %parallel_loop3A_399, %parallel_loop3A_400 : vector<16xf32>
        %parallel_loop3A_402 = arith.constant 1 : i32
        %parallel_loop3A_403 = arith.addi %parallel_loop3A_145, %parallel_loop3A_402 : i32
        %parallel_loop3A_404 = arith.constant 1 : i32
        %parallel_loop3A_405 = arith.addi %parallel_loop3A_403, %parallel_loop3A_404 : i32
        %parallel_loop3A_406 = arith.constant -1 : i32
        %parallel_loop3A_407 = arith.addi %parallel_loop3A_166, %parallel_loop3A_406 : i32
        %parallel_loop3A_408 = arith.index_cast %parallel_loop3A_405 : i32 to index
        %parallel_loop3A_409 = arith.index_cast %parallel_loop3A_407 : i32 to index
        %parallel_loop3A_410 = tpu.vector_load %arg5[%parallel_loop3A_408, %parallel_loop3A_409] {strides = array<i32>} : memref<16x416xf32, #tpu.memory_space<vmem>>, vector<16xf32>,
        %parallel_loop3A_411 = arith.constant 15 : i32
        %parallel_loop3A_412 = arith.index_cast %parallel_loop3A_411 : i32 to index
        %parallel_loop3A_413 = arith.constant 0 : index
        %parallel_loop3A_414 = tpu.vector_load %arg14[%parallel_loop3A_412, %parallel_loop3A_413] {strides = array<i32>} : memref<36x16xf32, #tpu.memory_space<vmem>>, vector<16xf32>,
        %parallel_loop3A_415 = arith.addf %parallel_loop3A_173, %parallel_loop3A_414 : vector<16xf32>
        %parallel_loop3A_416 = arith.constant 24 : i32
        %parallel_loop3A_417 = arith.index_cast %parallel_loop3A_416 : i32 to index
        %parallel_loop3A_418 = arith.constant 0 : index
        %parallel_loop3A_419 = tpu.vector_load %arg14[%parallel_loop3A_417, %parallel_loop3A_418] {strides = array<i32>} : memref<36x16xf32, #tpu.memory_space<vmem>>, vector<16xf32>,
        %parallel_loop3A_420 = arith.addf %parallel_loop3A_175, %parallel_loop3A_419 : vector<16xf32>
        %parallel_loop3A_421 = arith.constant 33 : i32
        %parallel_loop3A_422 = arith.index_cast %parallel_loop3A_421 : i32 to index
        %parallel_loop3A_423 = arith.constant 0 : index
        %parallel_loop3A_424 = tpu.vector_load %arg14[%parallel_loop3A_422, %parallel_loop3A_423] {strides = array<i32>} : memref<36x16xf32, #tpu.memory_space<vmem>>, vector<16xf32>,
        %parallel_loop3A_425 = arith.addf %parallel_loop3A_177, %parallel_loop3A_424 : vector<16xf32>
        %parallel_loop3A_426 = arith.mulf %parallel_loop3A_415, %parallel_loop3A_410 : vector<16xf32>
        %parallel_loop3A_427 = arith.subf %parallel_loop3A_426, %parallel_loop3A_180 : vector<16xf32>
        %parallel_loop3A_428 = arith.mulf %parallel_loop3A_420, %parallel_loop3A_410 : vector<16xf32>
        %parallel_loop3A_429 = arith.subf %parallel_loop3A_428, %parallel_loop3A_183 : vector<16xf32>
        %parallel_loop3A_430 = arith.mulf %parallel_loop3A_425, %parallel_loop3A_410 : vector<16xf32>
        %parallel_loop3A_431 = arith.subf %parallel_loop3A_430, %parallel_loop3A_188 : vector<16xf32>
        %parallel_loop3A_432 = arith.mulf %parallel_loop3A_427, %parallel_loop3A_427 : vector<16xf32>
        %parallel_loop3A_433 = arith.mulf %parallel_loop3A_429, %parallel_loop3A_429 : vector<16xf32>
        %parallel_loop3A_434 = arith.addf %parallel_loop3A_432, %parallel_loop3A_433 : vector<16xf32>
        %parallel_loop3A_435 = arith.mulf %parallel_loop3A_431, %parallel_loop3A_431 : vector<16xf32>
        %parallel_loop3A_436 = arith.addf %parallel_loop3A_434, %parallel_loop3A_435 : vector<16xf32>
        %parallel_loop3A_437 = arith.constant 1 : i32
        %parallel_loop3A_438 = arith.addi %parallel_loop3A_145, %parallel_loop3A_437 : i32
        %parallel_loop3A_439 = arith.constant 1 : i32
        %parallel_loop3A_440 = arith.addi %parallel_loop3A_438, %parallel_loop3A_439 : i32
        %parallel_loop3A_441 = arith.constant 0 : i32
        %parallel_loop3A_442 = arith.addi %parallel_loop3A_166, %parallel_loop3A_441 : i32
        %parallel_loop3A_443 = arith.index_cast %parallel_loop3A_440 : i32 to index
        %parallel_loop3A_444 = arith.index_cast %parallel_loop3A_442 : i32 to index
        %parallel_loop3A_445 = tpu.vector_load %arg5[%parallel_loop3A_443, %parallel_loop3A_444] {strides = array<i32>} : memref<16x416xf32, #tpu.memory_space<vmem>>, vector<16xf32>,
        %parallel_loop3A_446 = arith.constant 16 : i32
        %parallel_loop3A_447 = arith.index_cast %parallel_loop3A_446 : i32 to index
        %parallel_loop3A_448 = arith.constant 0 : index
        %parallel_loop3A_449 = tpu.vector_load %arg14[%parallel_loop3A_447, %parallel_loop3A_448] {strides = array<i32>} : memref<36x16xf32, #tpu.memory_space<vmem>>, vector<16xf32>,
        %parallel_loop3A_450 = arith.addf %parallel_loop3A_173, %parallel_loop3A_449 : vector<16xf32>
        %parallel_loop3A_451 = arith.constant 25 : i32
        %parallel_loop3A_452 = arith.index_cast %parallel_loop3A_451 : i32 to index
        %parallel_loop3A_453 = arith.constant 0 : index
        %parallel_loop3A_454 = tpu.vector_load %arg14[%parallel_loop3A_452, %parallel_loop3A_453] {strides = array<i32>} : memref<36x16xf32, #tpu.memory_space<vmem>>, vector<16xf32>,
        %parallel_loop3A_455 = arith.addf %parallel_loop3A_175, %parallel_loop3A_454 : vector<16xf32>
        %parallel_loop3A_456 = arith.constant 34 : i32
        %parallel_loop3A_457 = arith.index_cast %parallel_loop3A_456 : i32 to index
        %parallel_loop3A_458 = arith.constant 0 : index
        %parallel_loop3A_459 = tpu.vector_load %arg14[%parallel_loop3A_457, %parallel_loop3A_458] {strides = array<i32>} : memref<36x16xf32, #tpu.memory_space<vmem>>, vector<16xf32>,
        %parallel_loop3A_460 = arith.addf %parallel_loop3A_177, %parallel_loop3A_459 : vector<16xf32>
        %parallel_loop3A_461 = arith.mulf %parallel_loop3A_450, %parallel_loop3A_445 : vector<16xf32>
        %parallel_loop3A_462 = arith.subf %parallel_loop3A_461, %parallel_loop3A_180 : vector<16xf32>
        %parallel_loop3A_463 = arith.mulf %parallel_loop3A_455, %parallel_loop3A_445 : vector<16xf32>
        %parallel_loop3A_464 = arith.subf %parallel_loop3A_463, %parallel_loop3A_183 : vector<16xf32>
        %parallel_loop3A_465 = arith.mulf %parallel_loop3A_460, %parallel_loop3A_445 : vector<16xf32>
        %parallel_loop3A_466 = arith.subf %parallel_loop3A_465, %parallel_loop3A_188 : vector<16xf32>
        %parallel_loop3A_467 = arith.mulf %parallel_loop3A_462, %parallel_loop3A_462 : vector<16xf32>
        %parallel_loop3A_468 = arith.mulf %parallel_loop3A_464, %parallel_loop3A_464 : vector<16xf32>
        %parallel_loop3A_469 = arith.addf %parallel_loop3A_467, %parallel_loop3A_468 : vector<16xf32>
        %parallel_loop3A_470 = arith.mulf %parallel_loop3A_466, %parallel_loop3A_466 : vector<16xf32>
        %parallel_loop3A_471 = arith.addf %parallel_loop3A_469, %parallel_loop3A_470 : vector<16xf32>
        %parallel_loop3A_472 = arith.constant 1 : i32
        %parallel_loop3A_473 = arith.addi %parallel_loop3A_145, %parallel_loop3A_472 : i32
        %parallel_loop3A_474 = arith.constant 1 : i32
        %parallel_loop3A_475 = arith.addi %parallel_loop3A_473, %parallel_loop3A_474 : i32
        %parallel_loop3A_476 = arith.constant 1 : i32
        %parallel_loop3A_477 = arith.addi %parallel_loop3A_166, %parallel_loop3A_476 : i32
        %parallel_loop3A_478 = arith.index_cast %parallel_loop3A_475 : i32 to index
        %parallel_loop3A_479 = arith.index_cast %parallel_loop3A_477 : i32 to index
        %parallel_loop3A_480 = tpu.vector_load %arg5[%parallel_loop3A_478, %parallel_loop3A_479] {strides = array<i32>} : memref<16x416xf32, #tpu.memory_space<vmem>>, vector<16xf32>,
        %parallel_loop3A_481 = arith.constant 17 : i32
        %parallel_loop3A_482 = arith.index_cast %parallel_loop3A_481 : i32 to index
        %parallel_loop3A_483 = arith.constant 0 : index
        %parallel_loop3A_484 = tpu.vector_load %arg14[%parallel_loop3A_482, %parallel_loop3A_483] {strides = array<i32>} : memref<36x16xf32, #tpu.memory_space<vmem>>, vector<16xf32>,
        %parallel_loop3A_485 = arith.addf %parallel_loop3A_173, %parallel_loop3A_484 : vector<16xf32>
        %parallel_loop3A_486 = arith.constant 26 : i32
        %parallel_loop3A_487 = arith.index_cast %parallel_loop3A_486 : i32 to index
        %parallel_loop3A_488 = arith.constant 0 : index
        %parallel_loop3A_489 = tpu.vector_load %arg14[%parallel_loop3A_487, %parallel_loop3A_488] {strides = array<i32>} : memref<36x16xf32, #tpu.memory_space<vmem>>, vector<16xf32>,
        %parallel_loop3A_490 = arith.addf %parallel_loop3A_175, %parallel_loop3A_489 : vector<16xf32>
        %parallel_loop3A_491 = arith.constant 35 : i32
        %parallel_loop3A_492 = arith.index_cast %parallel_loop3A_491 : i32 to index
        %parallel_loop3A_493 = arith.constant 0 : index
        %parallel_loop3A_494 = tpu.vector_load %arg14[%parallel_loop3A_492, %parallel_loop3A_493] {strides = array<i32>} : memref<36x16xf32, #tpu.memory_space<vmem>>, vector<16xf32>,
        %parallel_loop3A_495 = arith.addf %parallel_loop3A_177, %parallel_loop3A_494 : vector<16xf32>
        %parallel_loop3A_496 = arith.mulf %parallel_loop3A_485, %parallel_loop3A_480 : vector<16xf32>
        %parallel_loop3A_497 = arith.subf %parallel_loop3A_496, %parallel_loop3A_180 : vector<16xf32>
        %parallel_loop3A_498 = arith.mulf %parallel_loop3A_490, %parallel_loop3A_480 : vector<16xf32>
        %parallel_loop3A_499 = arith.subf %parallel_loop3A_498, %parallel_loop3A_183 : vector<16xf32>
        %parallel_loop3A_500 = arith.mulf %parallel_loop3A_495, %parallel_loop3A_480 : vector<16xf32>
        %parallel_loop3A_501 = arith.subf %parallel_loop3A_500, %parallel_loop3A_188 : vector<16xf32>
        %parallel_loop3A_502 = arith.mulf %parallel_loop3A_497, %parallel_loop3A_497 : vector<16xf32>
        %parallel_loop3A_503 = arith.mulf %parallel_loop3A_499, %parallel_loop3A_499 : vector<16xf32>
        %parallel_loop3A_504 = arith.addf %parallel_loop3A_502, %parallel_loop3A_503 : vector<16xf32>
        %parallel_loop3A_505 = arith.mulf %parallel_loop3A_501, %parallel_loop3A_501 : vector<16xf32>
        %parallel_loop3A_506 = arith.addf %parallel_loop3A_504, %parallel_loop3A_505 : vector<16xf32>
        %parallel_loop3A_507 = arith.constant 0 : i32
        %parallel_loop3A_508 = vector.broadcast %parallel_loop3A_507 : i32 to vector<16xi32>
        %parallel_loop3A_509 = arith.constant 1 : i32
        %parallel_loop3A_510 = vector.broadcast %parallel_loop3A_509 : i32 to vector<16xi32>
        %parallel_loop3A_511 = arith.constant 2 : i32
        %parallel_loop3A_512 = vector.broadcast %parallel_loop3A_511 : i32 to vector<16xi32>
        %parallel_loop3A_513 = arith.constant 3 : i32
        %parallel_loop3A_514 = vector.broadcast %parallel_loop3A_513 : i32 to vector<16xi32>
        %parallel_loop3A_515 = arith.constant 4 : i32
        %parallel_loop3A_516 = vector.broadcast %parallel_loop3A_515 : i32 to vector<16xi32>
        %parallel_loop3A_517 = arith.constant 5 : i32
        %parallel_loop3A_518 = vector.broadcast %parallel_loop3A_517 : i32 to vector<16xi32>
        %parallel_loop3A_519 = arith.constant 6 : i32
        %parallel_loop3A_520 = vector.broadcast %parallel_loop3A_519 : i32 to vector<16xi32>
        %parallel_loop3A_521 = arith.constant 7 : i32
        %parallel_loop3A_522 = vector.broadcast %parallel_loop3A_521 : i32 to vector<16xi32>
        %parallel_loop3A_523 = arith.constant 8 : i32
        %parallel_loop3A_524 = vector.broadcast %parallel_loop3A_523 : i32 to vector<16xi32>
        %parallel_loop3A_525 = arith.cmpf olt, %parallel_loop3A_261, %parallel_loop3A_226 : vector<16xf32>
        %parallel_loop3A_526 = arith.select %parallel_loop3A_525, %parallel_loop3A_261, %parallel_loop3A_226 : vector<16xi1>, vector<16xf32>
        %parallel_loop3A_527 = arith.select %parallel_loop3A_525, %parallel_loop3A_510, %parallel_loop3A_508 : vector<16xi1>, vector<16xi32>
        %parallel_loop3A_528 = arith.cmpf olt, %parallel_loop3A_331, %parallel_loop3A_296 : vector<16xf32>
        %parallel_loop3A_529 = arith.select %parallel_loop3A_528, %parallel_loop3A_331, %parallel_loop3A_296 : vector<16xi1>, vector<16xf32>
        %parallel_loop3A_530 = arith.select %parallel_loop3A_528, %parallel_loop3A_514, %parallel_loop3A_512 : vector<16xi1>, vector<16xi32>
        %parallel_loop3A_531 = arith.cmpf olt, %parallel_loop3A_401, %parallel_loop3A_366 : vector<16xf32>
        %parallel_loop3A_532 = arith.select %parallel_loop3A_531, %parallel_loop3A_401, %parallel_loop3A_366 : vector<16xi1>, vector<16xf32>
        %parallel_loop3A_533 = arith.select %parallel_loop3A_531, %parallel_loop3A_518, %parallel_loop3A_516 : vector<16xi1>, vector<16xi32>
        %parallel_loop3A_534 = arith.cmpf olt, %parallel_loop3A_471, %parallel_loop3A_436 : vector<16xf32>
        %parallel_loop3A_535 = arith.select %parallel_loop3A_534, %parallel_loop3A_471, %parallel_loop3A_436 : vector<16xi1>, vector<16xf32>
        %parallel_loop3A_536 = arith.select %parallel_loop3A_534, %parallel_loop3A_522, %parallel_loop3A_520 : vector<16xi1>, vector<16xi32>
        %parallel_loop3A_537 = arith.cmpf olt, %parallel_loop3A_529, %parallel_loop3A_526 : vector<16xf32>
        %parallel_loop3A_538 = arith.select %parallel_loop3A_537, %parallel_loop3A_529, %parallel_loop3A_526 : vector<16xi1>, vector<16xf32>
        %parallel_loop3A_539 = arith.select %parallel_loop3A_537, %parallel_loop3A_530, %parallel_loop3A_527 : vector<16xi1>, vector<16xi32>
        %parallel_loop3A_540 = arith.cmpf olt, %parallel_loop3A_535, %parallel_loop3A_532 : vector<16xf32>
        %parallel_loop3A_541 = arith.select %parallel_loop3A_540, %parallel_loop3A_535, %parallel_loop3A_532 : vector<16xi1>, vector<16xf32>
        %parallel_loop3A_542 = arith.select %parallel_loop3A_540, %parallel_loop3A_536, %parallel_loop3A_533 : vector<16xi1>, vector<16xi32>
        %parallel_loop3A_543 = arith.cmpf olt, %parallel_loop3A_541, %parallel_loop3A_538 : vector<16xf32>
        %parallel_loop3A_544 = arith.select %parallel_loop3A_543, %parallel_loop3A_541, %parallel_loop3A_538 : vector<16xi1>, vector<16xf32>
        %parallel_loop3A_545 = arith.select %parallel_loop3A_543, %parallel_loop3A_542, %parallel_loop3A_539 : vector<16xi1>, vector<16xi32>
        %parallel_loop3A_546 = arith.cmpf olt, %parallel_loop3A_506, %parallel_loop3A_544 : vector<16xf32>
        %parallel_loop3A_547 = arith.select %parallel_loop3A_546, %parallel_loop3A_506, %parallel_loop3A_544 : vector<16xi1>, vector<16xf32>
        %parallel_loop3A_548 = arith.select %parallel_loop3A_546, %parallel_loop3A_524, %parallel_loop3A_545 : vector<16xi1>, vector<16xi32>
        %parallel_loop3A_549 = arith.constant 5.000000e-01 : f32
        %parallel_loop3A_550 = vector.broadcast %parallel_loop3A_549 : f32 to vector<16xf32>
        %parallel_loop3A_551 = arith.cmpf ogt, %parallel_loop3A_191, %parallel_loop3A_550 : vector<16xf32>
        %parallel_loop3A_552 = arith.constant 0.000000e+00 : f32
        %parallel_loop3A_553 = vector.broadcast %parallel_loop3A_552 : f32 to vector<16xf32>
        %parallel_loop3A_554 = arith.cmpf ogt, %parallel_loop3A_188, %parallel_loop3A_553 : vector<16xf32>
        %parallel_loop3A_555 = tpu.bitcast %parallel_loop3A_188 : vector<16xf32> -> vector<16xi32>
        %parallel_loop3A_556 = arith.constant 2 : i32
        %parallel_loop3A_557 = vector.broadcast %parallel_loop3A_556 : i32 to vector<16xi32>
        %parallel_loop3A_558 = arith.shrsi %parallel_loop3A_555, %parallel_loop3A_557 : vector<16xi32>
        %parallel_loop3A_559 = arith.constant 8 : i32
        %parallel_loop3A_560 = vector.broadcast %parallel_loop3A_559 : i32 to vector<16xi32>
        %parallel_loop3A_561 = arith.subi %parallel_loop3A_548, %parallel_loop3A_560 : vector<16xi32>
        %parallel_loop3A_562 = arith.constant 268435456 : i32
        %parallel_loop3A_563 = vector.broadcast %parallel_loop3A_562 : i32 to vector<16xi32>
        %parallel_loop3A_564 = arith.muli %parallel_loop3A_561, %parallel_loop3A_563 : vector<16xi32>
        %parallel_loop3A_565 = arith.addi %parallel_loop3A_564, %parallel_loop3A_558 : vector<16xi32>
        %parallel_loop3A_566 = arith.constant -805306369 : i32
        %parallel_loop3A_567 = vector.broadcast %parallel_loop3A_566 : i32 to vector<16xi32>
        %parallel_loop3A_568 = arith.select %parallel_loop3A_554, %parallel_loop3A_565, %parallel_loop3A_567 : vector<16xi1>, vector<16xi32>
        %parallel_loop3A_569 = arith.constant 536870912 : i32
        %parallel_loop3A_570 = vector.broadcast %parallel_loop3A_569 : i32 to vector<16xi32>
        %parallel_loop3A_571 = arith.select %parallel_loop3A_551, %parallel_loop3A_568, %parallel_loop3A_570 : vector<16xi1>, vector<16xi32>
        %parallel_loop3A_572 = arith.index_cast %parallel_loop3A_145 : i32 to index
        %parallel_loop3A_573 = arith.index_cast %parallel_loop3A_166 : i32 to index
        %parallel_loop3A_574 = tpu.vector_load %arg9[%parallel_loop3A_572, %parallel_loop3A_573] {strides = array<i32>} : memref<14x416xi32, #tpu.memory_space<vmem>>, vector<16xi32>,
        tpu.vector_store %arg9[%parallel_loop3A_572, %parallel_loop3A_573], %parallel_loop3A_571 {strides = array<i32>} : memref<14x416xi32, #tpu.memory_space<vmem>>, vector<16xi32>,
      } {sc.loop_unroll_factor = 2 : i64, sc.parallel_access}
    } {sc.loop_unroll_factor = 1 : i64, sc.parallel_access}
    %parallel_loop3A_97 = arith.constant 0 : i32
    %parallel_loop3A_98 = arith.constant 12 : i32
    %parallel_loop3A_99 = arith.constant 1 : i32
    scf.for %parallel_loop3A_145 = %parallel_loop3A_97 to %parallel_loop3A_98 step %parallel_loop3A_99  : i32 {
      %parallel_loop3A_146 = arith.constant 1 : i32
      %parallel_loop3A_147 = arith.addi %parallel_loop3A_145, %parallel_loop3A_146 : i32
      %parallel_loop3A_148 = arith.constant 0 : i32
      %parallel_loop3A_149 = arith.constant 24 : i32
      %parallel_loop3A_150 = arith.constant 1 : i32
      scf.for %parallel_loop3A_151 = %parallel_loop3A_148 to %parallel_loop3A_149 step %parallel_loop3A_150  : i32 {
        %parallel_loop3A_152 = arith.constant 16 : i32
        %parallel_loop3A_153 = arith.muli %parallel_loop3A_152, %parallel_loop3A_151 : i32
        %parallel_loop3A_154 = arith.constant 2 : i32
        %parallel_loop3A_155 = arith.addi %parallel_loop3A_153, %parallel_loop3A_154 : i32
        %parallel_loop3A_156 = arith.index_cast %parallel_loop3A_147 : i32 to index
        %parallel_loop3A_157 = arith.index_cast %parallel_loop3A_155 : i32 to index
        %parallel_loop3A_158 = tpu.vector_load %arg9[%parallel_loop3A_156, %parallel_loop3A_157] {strides = array<i32>} : memref<14x416xi32, #tpu.memory_space<vmem>>, vector<16xi32>,
        %parallel_loop3A_159 = arith.constant 268435456 : i32
        %parallel_loop3A_160 = vector.broadcast %parallel_loop3A_159 : i32 to vector<16xi32>
        %parallel_loop3A_161 = arith.constant 1 : i32
        %parallel_loop3A_162 = arith.addi %parallel_loop3A_147, %parallel_loop3A_161 : i32
        %parallel_loop3A_163 = arith.constant 1 : i32
        %parallel_loop3A_164 = arith.addi %parallel_loop3A_155, %parallel_loop3A_163 : i32
        %parallel_loop3A_165 = arith.index_cast %parallel_loop3A_162 : i32 to index
        %parallel_loop3A_166 = arith.index_cast %parallel_loop3A_164 : i32 to index
        %parallel_loop3A_167 = tpu.vector_load %arg9[%parallel_loop3A_165, %parallel_loop3A_166] {strides = array<i32>} : memref<14x416xi32, #tpu.memory_space<vmem>>, vector<16xi32>,
        %parallel_loop3A_168 = arith.constant -2147483648 : i32
        %parallel_loop3A_169 = vector.broadcast %parallel_loop3A_168 : i32 to vector<16xi32>
        %parallel_loop3A_170 = arith.subi %parallel_loop3A_167, %parallel_loop3A_169 : vector<16xi32>
        %parallel_loop3A_171 = arith.constant 0 : i32
        %parallel_loop3A_172 = vector.broadcast %parallel_loop3A_171 : i32 to vector<16xi32>
        %parallel_loop3A_173 = arith.cmpi sgt, %parallel_loop3A_170, %parallel_loop3A_172 : vector<16xi32>
        %parallel_loop3A_174 = arith.cmpi slt, %parallel_loop3A_170, %parallel_loop3A_160 : vector<16xi32>
        %parallel_loop3A_175 = arith.andi %parallel_loop3A_173, %parallel_loop3A_174 : vector<16xi1>
        %parallel_loop3A_176 = arith.select %parallel_loop3A_175, %parallel_loop3A_170, %parallel_loop3A_160 : vector<16xi1>, vector<16xi32>
        %parallel_loop3A_177 = arith.constant 0 : i32
        %parallel_loop3A_178 = vector.broadcast %parallel_loop3A_177 : i32 to vector<16xi32>
        %parallel_loop3A_179 = arith.constant 1 : i32
        %parallel_loop3A_180 = arith.addi %parallel_loop3A_147, %parallel_loop3A_179 : i32
        %parallel_loop3A_181 = arith.constant 0 : i32
        %parallel_loop3A_182 = arith.addi %parallel_loop3A_155, %parallel_loop3A_181 : i32
        %parallel_loop3A_183 = arith.index_cast %parallel_loop3A_180 : i32 to index
        %parallel_loop3A_184 = arith.index_cast %parallel_loop3A_182 : i32 to index
        %parallel_loop3A_185 = tpu.vector_load %arg9[%parallel_loop3A_183, %parallel_loop3A_184] {strides = array<i32>} : memref<14x416xi32, #tpu.memory_space<vmem>>, vector<16xi32>,
        %parallel_loop3A_186 = arith.constant -1879048192 : i32
        %parallel_loop3A_187 = vector.broadcast %parallel_loop3A_186 : i32 to vector<16xi32>
        %parallel_loop3A_188 = arith.subi %parallel_loop3A_185, %parallel_loop3A_187 : vector<16xi32>
        %parallel_loop3A_189 = arith.constant 0 : i32
        %parallel_loop3A_190 = vector.broadcast %parallel_loop3A_189 : i32 to vector<16xi32>
        %parallel_loop3A_191 = arith.cmpi sgt, %parallel_loop3A_188, %parallel_loop3A_190 : vector<16xi32>
        %parallel_loop3A_192 = arith.cmpi slt, %parallel_loop3A_188, %parallel_loop3A_160 : vector<16xi32>
        %parallel_loop3A_193 = arith.andi %parallel_loop3A_191, %parallel_loop3A_192 : vector<16xi1>
        %parallel_loop3A_194 = arith.select %parallel_loop3A_193, %parallel_loop3A_188, %parallel_loop3A_160 : vector<16xi1>, vector<16xi32>
        %parallel_loop3A_195 = arith.constant 1 : i32
        %parallel_loop3A_196 = vector.broadcast %parallel_loop3A_195 : i32 to vector<16xi32>
        %parallel_loop3A_197 = arith.constant 1 : i32
        %parallel_loop3A_198 = arith.addi %parallel_loop3A_147, %parallel_loop3A_197 : i32
        %parallel_loop3A_199 = arith.constant -1 : i32
        %parallel_loop3A_200 = arith.addi %parallel_loop3A_155, %parallel_loop3A_199 : i32
        %parallel_loop3A_201 = arith.index_cast %parallel_loop3A_198 : i32 to index
        %parallel_loop3A_202 = arith.index_cast %parallel_loop3A_200 : i32 to index
        %parallel_loop3A_203 = tpu.vector_load %arg9[%parallel_loop3A_201, %parallel_loop3A_202] {strides = array<i32>} : memref<14x416xi32, #tpu.memory_space<vmem>>, vector<16xi32>,
        %parallel_loop3A_204 = arith.constant -1610612736 : i32
        %parallel_loop3A_205 = vector.broadcast %parallel_loop3A_204 : i32 to vector<16xi32>
        %parallel_loop3A_206 = arith.subi %parallel_loop3A_203, %parallel_loop3A_205 : vector<16xi32>
        %parallel_loop3A_207 = arith.constant 0 : i32
        %parallel_loop3A_208 = vector.broadcast %parallel_loop3A_207 : i32 to vector<16xi32>
        %parallel_loop3A_209 = arith.cmpi sgt, %parallel_loop3A_206, %parallel_loop3A_208 : vector<16xi32>
        %parallel_loop3A_210 = arith.cmpi slt, %parallel_loop3A_206, %parallel_loop3A_160 : vector<16xi32>
        %parallel_loop3A_211 = arith.andi %parallel_loop3A_209, %parallel_loop3A_210 : vector<16xi1>
        %parallel_loop3A_212 = arith.select %parallel_loop3A_211, %parallel_loop3A_206, %parallel_loop3A_160 : vector<16xi1>, vector<16xi32>
        %parallel_loop3A_213 = arith.constant 2 : i32
        %parallel_loop3A_214 = vector.broadcast %parallel_loop3A_213 : i32 to vector<16xi32>
        %parallel_loop3A_215 = arith.constant 0 : i32
        %parallel_loop3A_216 = arith.addi %parallel_loop3A_147, %parallel_loop3A_215 : i32
        %parallel_loop3A_217 = arith.constant 1 : i32
        %parallel_loop3A_218 = arith.addi %parallel_loop3A_155, %parallel_loop3A_217 : i32
        %parallel_loop3A_219 = arith.index_cast %parallel_loop3A_216 : i32 to index
        %parallel_loop3A_220 = arith.index_cast %parallel_loop3A_218 : i32 to index
        %parallel_loop3A_221 = tpu.vector_load %arg9[%parallel_loop3A_219, %parallel_loop3A_220] {strides = array<i32>} : memref<14x416xi32, #tpu.memory_space<vmem>>, vector<16xi32>,
        %parallel_loop3A_222 = arith.constant -1342177280 : i32
        %parallel_loop3A_223 = vector.broadcast %parallel_loop3A_222 : i32 to vector<16xi32>
        %parallel_loop3A_224 = arith.subi %parallel_loop3A_221, %parallel_loop3A_223 : vector<16xi32>
        %parallel_loop3A_225 = arith.constant 0 : i32
        %parallel_loop3A_226 = vector.broadcast %parallel_loop3A_225 : i32 to vector<16xi32>
        %parallel_loop3A_227 = arith.cmpi sgt, %parallel_loop3A_224, %parallel_loop3A_226 : vector<16xi32>
        %parallel_loop3A_228 = arith.cmpi slt, %parallel_loop3A_224, %parallel_loop3A_160 : vector<16xi32>
        %parallel_loop3A_229 = arith.andi %parallel_loop3A_227, %parallel_loop3A_228 : vector<16xi1>
        %parallel_loop3A_230 = arith.select %parallel_loop3A_229, %parallel_loop3A_224, %parallel_loop3A_160 : vector<16xi1>, vector<16xi32>
        %parallel_loop3A_231 = arith.constant 3 : i32
        %parallel_loop3A_232 = vector.broadcast %parallel_loop3A_231 : i32 to vector<16xi32>
        %parallel_loop3A_233 = arith.constant -1073741824 : i32
        %parallel_loop3A_234 = vector.broadcast %parallel_loop3A_233 : i32 to vector<16xi32>
        %parallel_loop3A_235 = arith.subi %parallel_loop3A_158, %parallel_loop3A_234 : vector<16xi32>
        %parallel_loop3A_236 = arith.constant 0 : i32
        %parallel_loop3A_237 = vector.broadcast %parallel_loop3A_236 : i32 to vector<16xi32>
        %parallel_loop3A_238 = arith.cmpi sgt, %parallel_loop3A_235, %parallel_loop3A_237 : vector<16xi32>
        %parallel_loop3A_239 = arith.cmpi slt, %parallel_loop3A_235, %parallel_loop3A_160 : vector<16xi32>
        %parallel_loop3A_240 = arith.andi %parallel_loop3A_238, %parallel_loop3A_239 : vector<16xi1>
        %parallel_loop3A_241 = arith.select %parallel_loop3A_240, %parallel_loop3A_235, %parallel_loop3A_160 : vector<16xi1>, vector<16xi32>
        %parallel_loop3A_242 = arith.constant 4 : i32
        %parallel_loop3A_243 = vector.broadcast %parallel_loop3A_242 : i32 to vector<16xi32>
        %parallel_loop3A_244 = arith.constant 0 : i32
        %parallel_loop3A_245 = arith.addi %parallel_loop3A_147, %parallel_loop3A_244 : i32
        %parallel_loop3A_246 = arith.constant -1 : i32
        %parallel_loop3A_247 = arith.addi %parallel_loop3A_155, %parallel_loop3A_246 : i32
        %parallel_loop3A_248 = arith.index_cast %parallel_loop3A_245 : i32 to index
        %parallel_loop3A_249 = arith.index_cast %parallel_loop3A_247 : i32 to index
        %parallel_loop3A_250 = tpu.vector_load %arg9[%parallel_loop3A_248, %parallel_loop3A_249] {strides = array<i32>} : memref<14x416xi32, #tpu.memory_space<vmem>>, vector<16xi32>,
        %parallel_loop3A_251 = arith.constant -805306368 : i32
        %parallel_loop3A_252 = vector.broadcast %parallel_loop3A_251 : i32 to vector<16xi32>
        %parallel_loop3A_253 = arith.subi %parallel_loop3A_250, %parallel_loop3A_252 : vector<16xi32>
        %parallel_loop3A_254 = arith.constant 0 : i32
        %parallel_loop3A_255 = vector.broadcast %parallel_loop3A_254 : i32 to vector<16xi32>
        %parallel_loop3A_256 = arith.cmpi sgt, %parallel_loop3A_253, %parallel_loop3A_255 : vector<16xi32>
        %parallel_loop3A_257 = arith.cmpi slt, %parallel_loop3A_253, %parallel_loop3A_160 : vector<16xi32>
        %parallel_loop3A_258 = arith.andi %parallel_loop3A_256, %parallel_loop3A_257 : vector<16xi1>
        %parallel_loop3A_259 = arith.select %parallel_loop3A_258, %parallel_loop3A_253, %parallel_loop3A_160 : vector<16xi1>, vector<16xi32>
        %parallel_loop3A_260 = arith.constant 5 : i32
        %parallel_loop3A_261 = vector.broadcast %parallel_loop3A_260 : i32 to vector<16xi32>
        %parallel_loop3A_262 = arith.constant -1 : i32
        %parallel_loop3A_263 = arith.addi %parallel_loop3A_147, %parallel_loop3A_262 : i32
        %parallel_loop3A_264 = arith.constant 1 : i32
        %parallel_loop3A_265 = arith.addi %parallel_loop3A_155, %parallel_loop3A_264 : i32
        %parallel_loop3A_266 = arith.index_cast %parallel_loop3A_263 : i32 to index
        %parallel_loop3A_267 = arith.index_cast %parallel_loop3A_265 : i32 to index
        %parallel_loop3A_268 = tpu.vector_load %arg9[%parallel_loop3A_266, %parallel_loop3A_267] {strides = array<i32>} : memref<14x416xi32, #tpu.memory_space<vmem>>, vector<16xi32>,
        %parallel_loop3A_269 = arith.constant -536870912 : i32
        %parallel_loop3A_270 = vector.broadcast %parallel_loop3A_269 : i32 to vector<16xi32>
        %parallel_loop3A_271 = arith.subi %parallel_loop3A_268, %parallel_loop3A_270 : vector<16xi32>
        %parallel_loop3A_272 = arith.constant 0 : i32
        %parallel_loop3A_273 = vector.broadcast %parallel_loop3A_272 : i32 to vector<16xi32>
        %parallel_loop3A_274 = arith.cmpi sgt, %parallel_loop3A_271, %parallel_loop3A_273 : vector<16xi32>
        %parallel_loop3A_275 = arith.cmpi slt, %parallel_loop3A_271, %parallel_loop3A_160 : vector<16xi32>
        %parallel_loop3A_276 = arith.andi %parallel_loop3A_274, %parallel_loop3A_275 : vector<16xi1>
        %parallel_loop3A_277 = arith.select %parallel_loop3A_276, %parallel_loop3A_271, %parallel_loop3A_160 : vector<16xi1>, vector<16xi32>
        %parallel_loop3A_278 = arith.constant 6 : i32
        %parallel_loop3A_279 = vector.broadcast %parallel_loop3A_278 : i32 to vector<16xi32>
        %parallel_loop3A_280 = arith.constant -1 : i32
        %parallel_loop3A_281 = arith.addi %parallel_loop3A_147, %parallel_loop3A_280 : i32
        %parallel_loop3A_282 = arith.constant 0 : i32
        %parallel_loop3A_283 = arith.addi %parallel_loop3A_155, %parallel_loop3A_282 : i32
        %parallel_loop3A_284 = arith.index_cast %parallel_loop3A_281 : i32 to index
        %parallel_loop3A_285 = arith.index_cast %parallel_loop3A_283 : i32 to index
        %parallel_loop3A_286 = tpu.vector_load %arg9[%parallel_loop3A_284, %parallel_loop3A_285] {strides = array<i32>} : memref<14x416xi32, #tpu.memory_space<vmem>>, vector<16xi32>,
        %parallel_loop3A_287 = arith.constant -268435456 : i32
        %parallel_loop3A_288 = vector.broadcast %parallel_loop3A_287 : i32 to vector<16xi32>
        %parallel_loop3A_289 = arith.subi %parallel_loop3A_286, %parallel_loop3A_288 : vector<16xi32>
        %parallel_loop3A_290 = arith.constant 0 : i32
        %parallel_loop3A_291 = vector.broadcast %parallel_loop3A_290 : i32 to vector<16xi32>
        %parallel_loop3A_292 = arith.cmpi sgt, %parallel_loop3A_289, %parallel_loop3A_291 : vector<16xi32>
        %parallel_loop3A_293 = arith.cmpi slt, %parallel_loop3A_289, %parallel_loop3A_160 : vector<16xi32>
        %parallel_loop3A_294 = arith.andi %parallel_loop3A_292, %parallel_loop3A_293 : vector<16xi1>
        %parallel_loop3A_295 = arith.select %parallel_loop3A_294, %parallel_loop3A_289, %parallel_loop3A_160 : vector<16xi1>, vector<16xi32>
        %parallel_loop3A_296 = arith.constant 7 : i32
        %parallel_loop3A_297 = vector.broadcast %parallel_loop3A_296 : i32 to vector<16xi32>
        %parallel_loop3A_298 = arith.constant -1 : i32
        %parallel_loop3A_299 = arith.addi %parallel_loop3A_147, %parallel_loop3A_298 : i32
        %parallel_loop3A_300 = arith.constant -1 : i32
        %parallel_loop3A_301 = arith.addi %parallel_loop3A_155, %parallel_loop3A_300 : i32
        %parallel_loop3A_302 = arith.index_cast %parallel_loop3A_299 : i32 to index
        %parallel_loop3A_303 = arith.index_cast %parallel_loop3A_301 : i32 to index
        %parallel_loop3A_304 = tpu.vector_load %arg9[%parallel_loop3A_302, %parallel_loop3A_303] {strides = array<i32>} : memref<14x416xi32, #tpu.memory_space<vmem>>, vector<16xi32>,
        %parallel_loop3A_305 = arith.constant 0 : i32
        %parallel_loop3A_306 = vector.broadcast %parallel_loop3A_305 : i32 to vector<16xi32>
        %parallel_loop3A_307 = arith.subi %parallel_loop3A_304, %parallel_loop3A_306 : vector<16xi32>
        %parallel_loop3A_308 = arith.constant 0 : i32
        %parallel_loop3A_309 = vector.broadcast %parallel_loop3A_308 : i32 to vector<16xi32>
        %parallel_loop3A_310 = arith.cmpi sgt, %parallel_loop3A_307, %parallel_loop3A_309 : vector<16xi32>
        %parallel_loop3A_311 = arith.cmpi slt, %parallel_loop3A_307, %parallel_loop3A_160 : vector<16xi32>
        %parallel_loop3A_312 = arith.andi %parallel_loop3A_310, %parallel_loop3A_311 : vector<16xi1>
        %parallel_loop3A_313 = arith.select %parallel_loop3A_312, %parallel_loop3A_307, %parallel_loop3A_160 : vector<16xi1>, vector<16xi32>
        %parallel_loop3A_314 = arith.constant 8 : i32
        %parallel_loop3A_315 = vector.broadcast %parallel_loop3A_314 : i32 to vector<16xi32>
        %parallel_loop3A_316 = arith.cmpi slt, %parallel_loop3A_194, %parallel_loop3A_176 : vector<16xi32>
        %parallel_loop3A_317 = arith.select %parallel_loop3A_316, %parallel_loop3A_194, %parallel_loop3A_176 : vector<16xi1>, vector<16xi32>
        %parallel_loop3A_318 = arith.select %parallel_loop3A_316, %parallel_loop3A_196, %parallel_loop3A_178 : vector<16xi1>, vector<16xi32>
        %parallel_loop3A_319 = arith.cmpi slt, %parallel_loop3A_230, %parallel_loop3A_212 : vector<16xi32>
        %parallel_loop3A_320 = arith.select %parallel_loop3A_319, %parallel_loop3A_230, %parallel_loop3A_212 : vector<16xi1>, vector<16xi32>
        %parallel_loop3A_321 = arith.select %parallel_loop3A_319, %parallel_loop3A_232, %parallel_loop3A_214 : vector<16xi1>, vector<16xi32>
        %parallel_loop3A_322 = arith.cmpi slt, %parallel_loop3A_259, %parallel_loop3A_241 : vector<16xi32>
        %parallel_loop3A_323 = arith.select %parallel_loop3A_322, %parallel_loop3A_259, %parallel_loop3A_241 : vector<16xi1>, vector<16xi32>
        %parallel_loop3A_324 = arith.select %parallel_loop3A_322, %parallel_loop3A_261, %parallel_loop3A_243 : vector<16xi1>, vector<16xi32>
        %parallel_loop3A_325 = arith.cmpi slt, %parallel_loop3A_295, %parallel_loop3A_277 : vector<16xi32>
        %parallel_loop3A_326 = arith.select %parallel_loop3A_325, %parallel_loop3A_295, %parallel_loop3A_277 : vector<16xi1>, vector<16xi32>
        %parallel_loop3A_327 = arith.select %parallel_loop3A_325, %parallel_loop3A_297, %parallel_loop3A_279 : vector<16xi1>, vector<16xi32>
        %parallel_loop3A_328 = arith.cmpi slt, %parallel_loop3A_320, %parallel_loop3A_317 : vector<16xi32>
        %parallel_loop3A_329 = arith.select %parallel_loop3A_328, %parallel_loop3A_320, %parallel_loop3A_317 : vector<16xi1>, vector<16xi32>
        %parallel_loop3A_330 = arith.select %parallel_loop3A_328, %parallel_loop3A_321, %parallel_loop3A_318 : vector<16xi1>, vector<16xi32>
        %parallel_loop3A_331 = arith.cmpi slt, %parallel_loop3A_326, %parallel_loop3A_323 : vector<16xi32>
        %parallel_loop3A_332 = arith.select %parallel_loop3A_331, %parallel_loop3A_326, %parallel_loop3A_323 : vector<16xi1>, vector<16xi32>
        %parallel_loop3A_333 = arith.select %parallel_loop3A_331, %parallel_loop3A_327, %parallel_loop3A_324 : vector<16xi1>, vector<16xi32>
        %parallel_loop3A_334 = arith.cmpi slt, %parallel_loop3A_332, %parallel_loop3A_329 : vector<16xi32>
        %parallel_loop3A_335 = arith.select %parallel_loop3A_334, %parallel_loop3A_332, %parallel_loop3A_329 : vector<16xi1>, vector<16xi32>
        %parallel_loop3A_336 = arith.select %parallel_loop3A_334, %parallel_loop3A_333, %parallel_loop3A_330 : vector<16xi1>, vector<16xi32>
        %parallel_loop3A_337 = arith.cmpi slt, %parallel_loop3A_313, %parallel_loop3A_335 : vector<16xi32>
        %parallel_loop3A_338 = arith.select %parallel_loop3A_337, %parallel_loop3A_313, %parallel_loop3A_335 : vector<16xi1>, vector<16xi32>
        %parallel_loop3A_339 = arith.select %parallel_loop3A_337, %parallel_loop3A_315, %parallel_loop3A_336 : vector<16xi1>, vector<16xi32>
        %parallel_loop3A_340 = arith.cmpi slt, %parallel_loop3A_338, %parallel_loop3A_160 : vector<16xi32>
        %parallel_loop3A_341 = arith.constant 4 : i32
        %parallel_loop3A_342 = vector.broadcast %parallel_loop3A_341 : i32 to vector<16xi32>
        %parallel_loop3A_343 = arith.select %parallel_loop3A_340, %parallel_loop3A_339, %parallel_loop3A_342 : vector<16xi1>, vector<16xi32>
        %parallel_loop3A_344 = arith.constant 11 : i32
        %parallel_loop3A_345 = vector.broadcast %parallel_loop3A_344 : i32 to vector<16xi32>
        %parallel_loop3A_346 = arith.muli %parallel_loop3A_343, %parallel_loop3A_345 : vector<16xi32>
        %parallel_loop3A_347 = arith.constant 5 : i32
        %parallel_loop3A_348 = vector.broadcast %parallel_loop3A_347 : i32 to vector<16xi32>
        %parallel_loop3A_349 = arith.shrsi %parallel_loop3A_346, %parallel_loop3A_348 : vector<16xi32>
        %parallel_loop3A_350 = arith.constant 3 : i32
        %parallel_loop3A_351 = vector.broadcast %parallel_loop3A_350 : i32 to vector<16xi32>
        %parallel_loop3A_352 = arith.muli %parallel_loop3A_351, %parallel_loop3A_349 : vector<16xi32>
        %parallel_loop3A_353 = arith.subi %parallel_loop3A_343, %parallel_loop3A_352 : vector<16xi32>
        %parallel_loop3A_354 = arith.constant 1 : i32
        %parallel_loop3A_355 = arith.addi %parallel_loop3A_147, %parallel_loop3A_354 : i32
        %parallel_loop3A_356 = vector.broadcast %parallel_loop3A_355 : i32 to vector<16xi32>
        %parallel_loop3A_357 = arith.subi %parallel_loop3A_356, %parallel_loop3A_349 : vector<16xi32>
        %parallel_loop3A_358 = arith.constant 1 : i32
        %parallel_loop3A_359 = arith.addi %parallel_loop3A_155, %parallel_loop3A_358 : i32
        %parallel_loop3A_360 = vector.broadcast %parallel_loop3A_359 : i32 to vector<16xi32>
        %parallel_loop3A_361 = arith.addi %iota3A, %parallel_loop3A_360 : vector<16xi32>
        %parallel_loop3A_362 = arith.subi %parallel_loop3A_361, %parallel_loop3A_353 : vector<16xi32>
        %parallel_loop3A_363 = tpu.vector_load_idx %arg6[%parallel_loop3A_357, %parallel_loop3A_362] : memref<14x416xf32, #tpu.memory_space<vmem>>[vector<16xi32>, vector<16xi32>], vector<16xf32>,
        %parallel_loop3A_364 = tpu.vector_load_idx %arg7[%parallel_loop3A_357, %parallel_loop3A_362] : memref<14x416xf32, #tpu.memory_space<vmem>>[vector<16xi32>, vector<16xi32>], vector<16xf32>,
        %parallel_loop3A_365 = arith.constant 1 : i32
        %parallel_loop3A_366 = vector.broadcast %parallel_loop3A_365 : i32 to vector<16xi32>
        %parallel_loop3A_367 = arith.addi %parallel_loop3A_357, %parallel_loop3A_366 : vector<16xi32>
        %parallel_loop3A_368 = tpu.vector_load_idx %arg5[%parallel_loop3A_367, %parallel_loop3A_362] : memref<16x416xf32, #tpu.memory_space<vmem>>[vector<16xi32>, vector<16xi32>], vector<16xf32>,
        %parallel_loop3A_369 = tpu.vector_load_idx %arg8[%parallel_loop3A_357, %parallel_loop3A_362] : memref<14x416xf32, #tpu.memory_space<vmem>>[vector<16xi32>, vector<16xi32>], vector<16xf32>,
        %parallel_loop3A_370 = arith.constant 1073741824 : i32
        %parallel_loop3A_371 = vector.broadcast %parallel_loop3A_370 : i32 to vector<16xi32>
        %parallel_loop3A_372 = arith.addi %parallel_loop3A_158, %parallel_loop3A_371 : vector<16xi32>
        %parallel_loop3A_373 = arith.constant 0 : i32
        %parallel_loop3A_374 = vector.broadcast %parallel_loop3A_373 : i32 to vector<16xi32>
        %parallel_loop3A_375 = arith.cmpi sgt, %parallel_loop3A_372, %parallel_loop3A_374 : vector<16xi32>
        %parallel_loop3A_376 = arith.constant 268435456 : i32
        %parallel_loop3A_377 = vector.broadcast %parallel_loop3A_376 : i32 to vector<16xi32>
        %parallel_loop3A_378 = arith.cmpi slt, %parallel_loop3A_372, %parallel_loop3A_377 : vector<16xi32>
        %parallel_loop3A_379 = arith.andi %parallel_loop3A_375, %parallel_loop3A_378 : vector<16xi1>
        %parallel_loop3A_380 = arith.constant 536870912 : i32
        %parallel_loop3A_381 = vector.broadcast %parallel_loop3A_380 : i32 to vector<16xi32>
        %parallel_loop3A_382 = arith.cmpi eq, %parallel_loop3A_158, %parallel_loop3A_381 : vector<16xi32>
        %parallel_loop3A_383 = arith.ori %parallel_loop3A_379, %parallel_loop3A_382 : vector<16xi1>
        %parallel_loop3A_384 = arith.ori %parallel_loop3A_340, %parallel_loop3A_379 : vector<16xi1>
        %parallel_loop3A_385 = arith.ori %parallel_loop3A_340, %parallel_loop3A_383 : vector<16xi1>
        %parallel_loop3A_386 = arith.constant 0.000000e+00 : f32
        %parallel_loop3A_387 = vector.broadcast %parallel_loop3A_386 : f32 to vector<16xf32>
        %parallel_loop3A_388 = arith.select %parallel_loop3A_384, %parallel_loop3A_363, %parallel_loop3A_387 : vector<16xi1>, vector<16xf32>
        %parallel_loop3A_389 = arith.constant 16 : i32
        %parallel_loop3A_390 = arith.muli %parallel_loop3A_389, %parallel_loop3A_151 : i32
        %parallel_loop3A_391 = arith.index_cast %parallel_loop3A_145 : i32 to index
        %parallel_loop3A_392 = arith.index_cast %parallel_loop3A_390 : i32 to index
        %parallel_loop3A_393 = tpu.vector_load %arg10[%parallel_loop3A_391, %parallel_loop3A_392] {strides = array<i32>} : memref<12x384xf32, #tpu.memory_space<vmem>>, vector<16xf32>,
        tpu.vector_store %arg10[%parallel_loop3A_391, %parallel_loop3A_392], %parallel_loop3A_388 {strides = array<i32>} : memref<12x384xf32, #tpu.memory_space<vmem>>, vector<16xf32>,
        %parallel_loop3A_394 = arith.select %parallel_loop3A_384, %parallel_loop3A_364, %parallel_loop3A_387 : vector<16xi1>, vector<16xf32>
        %parallel_loop3A_395 = arith.constant 16 : i32
        %parallel_loop3A_396 = arith.muli %parallel_loop3A_395, %parallel_loop3A_151 : i32
        %parallel_loop3A_397 = arith.index_cast %parallel_loop3A_145 : i32 to index
        %parallel_loop3A_398 = arith.index_cast %parallel_loop3A_396 : i32 to index
        %parallel_loop3A_399 = tpu.vector_load %arg11[%parallel_loop3A_397, %parallel_loop3A_398] {strides = array<i32>} : memref<12x384xf32, #tpu.memory_space<vmem>>, vector<16xf32>,
        tpu.vector_store %arg11[%parallel_loop3A_397, %parallel_loop3A_398], %parallel_loop3A_394 {strides = array<i32>} : memref<12x384xf32, #tpu.memory_space<vmem>>, vector<16xf32>,
        %parallel_loop3A_400 = arith.select %parallel_loop3A_384, %parallel_loop3A_368, %parallel_loop3A_387 : vector<16xi1>, vector<16xf32>
        %parallel_loop3A_401 = arith.constant 16 : i32
        %parallel_loop3A_402 = arith.muli %parallel_loop3A_401, %parallel_loop3A_151 : i32
        %parallel_loop3A_403 = arith.index_cast %parallel_loop3A_145 : i32 to index
        %parallel_loop3A_404 = arith.index_cast %parallel_loop3A_402 : i32 to index
        %parallel_loop3A_405 = tpu.vector_load %arg12[%parallel_loop3A_403, %parallel_loop3A_404] {strides = array<i32>} : memref<12x384xf32, #tpu.memory_space<vmem>>, vector<16xf32>,
        tpu.vector_store %arg12[%parallel_loop3A_403, %parallel_loop3A_404], %parallel_loop3A_400 {strides = array<i32>} : memref<12x384xf32, #tpu.memory_space<vmem>>, vector<16xf32>,
        %parallel_loop3A_406 = arith.select %parallel_loop3A_385, %parallel_loop3A_369, %parallel_loop3A_387 : vector<16xi1>, vector<16xf32>
        %parallel_loop3A_407 = arith.constant 16 : i32
        %parallel_loop3A_408 = arith.muli %parallel_loop3A_407, %parallel_loop3A_151 : i32
        %parallel_loop3A_409 = arith.index_cast %parallel_loop3A_145 : i32 to index
        %parallel_loop3A_410 = arith.index_cast %parallel_loop3A_408 : i32 to index
        %parallel_loop3A_411 = tpu.vector_load %arg13[%parallel_loop3A_409, %parallel_loop3A_410] {strides = array<i32>} : memref<12x384xf32, #tpu.memory_space<vmem>>, vector<16xf32>,
        tpu.vector_store %arg13[%parallel_loop3A_409, %parallel_loop3A_410], %parallel_loop3A_406 {strides = array<i32>} : memref<12x384xf32, #tpu.memory_space<vmem>>, vector<16xf32>,
      } {sc.loop_unroll_factor = 2 : i64, sc.parallel_access}
    } {sc.loop_unroll_factor = 1 : i64, sc.parallel_access}
    %mul3A_100 = arith.constant 4 : i32
    %mul3A_101 = arith.muli %arg0, %mul3A_100 : i32
    %mul3A_102 = arith.constant 384 : i32
    %mul3A_103 = arith.muli %mul3A_101, %mul3A_102 : i32
    %add3A_104 = arith.addi %mul3A_103, %add3A_1 : i32
    %add3A_105 = arith.constant 0 : i32
    %add3A_106 = arith.addi %add3A_104, %add3A_105 : i32
    %dma_start3A_107 = arith.constant 0 : i32
    %dma_start3A_108 = tpu.memref_slice %arg4[%add3A_106, %dma_start3A_107] : memref<3072x384xf32, #tpu.memory_space<hbm>> -> memref<12x384xf32, #tpu.memory_space<hbm>>
    %dma_start3A_109 = arith.constant 0 : i32
    %dma_start3A_110 = tpu.memref_slice %arg4[%add3A_106, %dma_start3A_109] : memref<3072x384xf32, #tpu.memory_space<hbm>> -> memref<12x384xf32, #tpu.memory_space<hbm>>
    tpu.enqueue_dma source(%arg10 : memref<12x384xf32, #tpu.memory_space<vmem>>) target(%dma_start3A_110 : memref<12x384xf32, #tpu.memory_space<hbm>>) target_semaphore(%arg15 : memref<!tpu.dma_semaphore, #tpu.memory_space<semaphore_mem>>)
    %add3A_111 = arith.constant 384 : i32
    %add3A_112 = arith.addi %add3A_104, %add3A_111 : i32
    %dma_start3A_113 = arith.constant 0 : i32
    %dma_start3A_114 = tpu.memref_slice %arg4[%add3A_112, %dma_start3A_113] : memref<3072x384xf32, #tpu.memory_space<hbm>> -> memref<12x384xf32, #tpu.memory_space<hbm>>
    %dma_start3A_115 = arith.constant 0 : i32
    %dma_start3A_116 = tpu.memref_slice %arg4[%add3A_112, %dma_start3A_115] : memref<3072x384xf32, #tpu.memory_space<hbm>> -> memref<12x384xf32, #tpu.memory_space<hbm>>
    tpu.enqueue_dma source(%arg11 : memref<12x384xf32, #tpu.memory_space<vmem>>) target(%dma_start3A_116 : memref<12x384xf32, #tpu.memory_space<hbm>>) target_semaphore(%arg15 : memref<!tpu.dma_semaphore, #tpu.memory_space<semaphore_mem>>)
    %add3A_117 = arith.constant 768 : i32
    %add3A_118 = arith.addi %add3A_104, %add3A_117 : i32
    %dma_start3A_119 = arith.constant 0 : i32
    %dma_start3A_120 = tpu.memref_slice %arg4[%add3A_118, %dma_start3A_119] : memref<3072x384xf32, #tpu.memory_space<hbm>> -> memref<12x384xf32, #tpu.memory_space<hbm>>
    %dma_start3A_121 = arith.constant 0 : i32
    %dma_start3A_122 = tpu.memref_slice %arg4[%add3A_118, %dma_start3A_121] : memref<3072x384xf32, #tpu.memory_space<hbm>> -> memref<12x384xf32, #tpu.memory_space<hbm>>
    tpu.enqueue_dma source(%arg12 : memref<12x384xf32, #tpu.memory_space<vmem>>) target(%dma_start3A_122 : memref<12x384xf32, #tpu.memory_space<hbm>>) target_semaphore(%arg15 : memref<!tpu.dma_semaphore, #tpu.memory_space<semaphore_mem>>)
    %add3A_123 = arith.constant 1152 : i32
    %add3A_124 = arith.addi %add3A_104, %add3A_123 : i32
    %dma_start3A_125 = arith.constant 0 : i32
    %dma_start3A_126 = tpu.memref_slice %arg4[%add3A_124, %dma_start3A_125] : memref<3072x384xf32, #tpu.memory_space<hbm>> -> memref<12x384xf32, #tpu.memory_space<hbm>>
    %dma_start3A_127 = arith.constant 0 : i32
    %dma_start3A_128 = tpu.memref_slice %arg4[%add3A_124, %dma_start3A_127] : memref<3072x384xf32, #tpu.memory_space<hbm>> -> memref<12x384xf32, #tpu.memory_space<hbm>>
    tpu.enqueue_dma source(%arg13 : memref<12x384xf32, #tpu.memory_space<vmem>>) target(%dma_start3A_128 : memref<12x384xf32, #tpu.memory_space<hbm>>) target_semaphore(%arg15 : memref<!tpu.dma_semaphore, #tpu.memory_space<semaphore_mem>>)
    %dma_wait3A_129 = arith.constant 0 : i32
    %dma_wait3A_130 = tpu.memref_slice %arg4[%add3A_106, %dma_wait3A_129] : memref<3072x384xf32, #tpu.memory_space<hbm>> -> memref<12x384xf32, #tpu.memory_space<hbm>>
    %dma_wait3A_131 = arith.constant 0 : i32
    %dma_wait3A_132 = tpu.memref_slice %arg4[%add3A_106, %dma_wait3A_131] : memref<3072x384xf32, #tpu.memory_space<hbm>> -> memref<12x384xf32, #tpu.memory_space<hbm>>
    tpu.wait_dma2 semaphore(%arg15 : memref<!tpu.dma_semaphore, #tpu.memory_space<semaphore_mem>>) src(%arg10 : memref<12x384xf32, #tpu.memory_space<vmem>>) dst(%dma_wait3A_132 : memref<12x384xf32, #tpu.memory_space<hbm>>)
    %dma_wait3A_133 = arith.constant 0 : i32
    %dma_wait3A_134 = tpu.memref_slice %arg4[%add3A_112, %dma_wait3A_133] : memref<3072x384xf32, #tpu.memory_space<hbm>> -> memref<12x384xf32, #tpu.memory_space<hbm>>
    %dma_wait3A_135 = arith.constant 0 : i32
    %dma_wait3A_136 = tpu.memref_slice %arg4[%add3A_112, %dma_wait3A_135] : memref<3072x384xf32, #tpu.memory_space<hbm>> -> memref<12x384xf32, #tpu.memory_space<hbm>>
    tpu.wait_dma2 semaphore(%arg15 : memref<!tpu.dma_semaphore, #tpu.memory_space<semaphore_mem>>) src(%arg11 : memref<12x384xf32, #tpu.memory_space<vmem>>) dst(%dma_wait3A_136 : memref<12x384xf32, #tpu.memory_space<hbm>>)
    %dma_wait3A_137 = arith.constant 0 : i32
    %dma_wait3A_138 = tpu.memref_slice %arg4[%add3A_118, %dma_wait3A_137] : memref<3072x384xf32, #tpu.memory_space<hbm>> -> memref<12x384xf32, #tpu.memory_space<hbm>>
    %dma_wait3A_139 = arith.constant 0 : i32
    %dma_wait3A_140 = tpu.memref_slice %arg4[%add3A_118, %dma_wait3A_139] : memref<3072x384xf32, #tpu.memory_space<hbm>> -> memref<12x384xf32, #tpu.memory_space<hbm>>
    tpu.wait_dma2 semaphore(%arg15 : memref<!tpu.dma_semaphore, #tpu.memory_space<semaphore_mem>>) src(%arg12 : memref<12x384xf32, #tpu.memory_space<vmem>>) dst(%dma_wait3A_140 : memref<12x384xf32, #tpu.memory_space<hbm>>)
    %dma_wait3A_141 = arith.constant 0 : i32
    %dma_wait3A_142 = tpu.memref_slice %arg4[%add3A_124, %dma_wait3A_141] : memref<3072x384xf32, #tpu.memory_space<hbm>> -> memref<12x384xf32, #tpu.memory_space<hbm>>
    %dma_wait3A_143 = arith.constant 0 : i32
    %dma_wait3A_144 = tpu.memref_slice %arg4[%add3A_124, %dma_wait3A_143] : memref<3072x384xf32, #tpu.memory_space<hbm>> -> memref<12x384xf32, #tpu.memory_space<hbm>>
    tpu.wait_dma2 semaphore(%arg15 : memref<!tpu.dma_semaphore, #tpu.memory_space<semaphore_mem>>) src(%arg13 : memref<12x384xf32, #tpu.memory_space<vmem>>) dst(%dma_wait3A_144 : memref<12x384xf32, #tpu.memory_space<hbm>>)
    return
  }
}

module attributes {stable_mosaic.version = 14 : i64} {
  func.func @smap_tc(%arg0: memref<2x4x388x416xf32, #tpu.memory_space<vmem>>, %arg1: memref<36xf32, #tpu.memory_space<smem>>, %arg2: memref<2x4x192x384xf32, #tpu.memory_space<vmem>>) attributes {dimension_semantics = [], scalar_prefetch = 0 : i64, scratch_operands = 0 : i64, tpu.core_type = #tpu.core_type<tc>} {
    %get3A = arith.constant 0 : index
    %get3A_0 = memref.load %arg1[%get3A] : memref<36xf32, #tpu.memory_space<smem>>
    %get3A_1 = arith.constant 1 : index
    %get3A_2 = memref.load %arg1[%get3A_1] : memref<36xf32, #tpu.memory_space<smem>>
    %get3A_3 = arith.constant 2 : index
    %get3A_4 = memref.load %arg1[%get3A_3] : memref<36xf32, #tpu.memory_space<smem>>
    %get3A_5 = arith.constant 3 : index
    %get3A_6 = memref.load %arg1[%get3A_5] : memref<36xf32, #tpu.memory_space<smem>>
    %get3A_7 = arith.constant 4 : index
    %get3A_8 = memref.load %arg1[%get3A_7] : memref<36xf32, #tpu.memory_space<smem>>
    %get3A_9 = arith.constant 5 : index
    %get3A_10 = memref.load %arg1[%get3A_9] : memref<36xf32, #tpu.memory_space<smem>>
    %get3A_11 = arith.constant 6 : index
    %get3A_12 = memref.load %arg1[%get3A_11] : memref<36xf32, #tpu.memory_space<smem>>
    %get3A_13 = arith.constant 7 : index
    %get3A_14 = memref.load %arg1[%get3A_13] : memref<36xf32, #tpu.memory_space<smem>>
    %get3A_15 = arith.constant 8 : index
    %get3A_16 = memref.load %arg1[%get3A_15] : memref<36xf32, #tpu.memory_space<smem>>
    %get3A_17 = arith.constant 9 : index
    %get3A_18 = memref.load %arg1[%get3A_17] : memref<36xf32, #tpu.memory_space<smem>>
    %get3A_19 = arith.constant 10 : index
    %get3A_20 = memref.load %arg1[%get3A_19] : memref<36xf32, #tpu.memory_space<smem>>
    %get3A_21 = arith.constant 11 : index
    %get3A_22 = memref.load %arg1[%get3A_21] : memref<36xf32, #tpu.memory_space<smem>>
    %get3A_23 = arith.constant 12 : index
    %get3A_24 = memref.load %arg1[%get3A_23] : memref<36xf32, #tpu.memory_space<smem>>
    %get3A_25 = arith.constant 13 : index
    %get3A_26 = memref.load %arg1[%get3A_25] : memref<36xf32, #tpu.memory_space<smem>>
    %get3A_27 = arith.constant 14 : index
    %get3A_28 = memref.load %arg1[%get3A_27] : memref<36xf32, #tpu.memory_space<smem>>
    %get3A_29 = arith.constant 15 : index
    %get3A_30 = memref.load %arg1[%get3A_29] : memref<36xf32, #tpu.memory_space<smem>>
    %get3A_31 = arith.constant 16 : index
    %get3A_32 = memref.load %arg1[%get3A_31] : memref<36xf32, #tpu.memory_space<smem>>
    %get3A_33 = arith.constant 17 : index
    %get3A_34 = memref.load %arg1[%get3A_33] : memref<36xf32, #tpu.memory_space<smem>>
    %get3A_35 = arith.constant 18 : index
    %get3A_36 = memref.load %arg1[%get3A_35] : memref<36xf32, #tpu.memory_space<smem>>
    %get3A_37 = arith.constant 19 : index
    %get3A_38 = memref.load %arg1[%get3A_37] : memref<36xf32, #tpu.memory_space<smem>>
    %get3A_39 = arith.constant 20 : index
    %get3A_40 = memref.load %arg1[%get3A_39] : memref<36xf32, #tpu.memory_space<smem>>
    %get3A_41 = arith.constant 21 : index
    %get3A_42 = memref.load %arg1[%get3A_41] : memref<36xf32, #tpu.memory_space<smem>>
    %get3A_43 = arith.constant 22 : index
    %get3A_44 = memref.load %arg1[%get3A_43] : memref<36xf32, #tpu.memory_space<smem>>
    %get3A_45 = arith.constant 23 : index
    %get3A_46 = memref.load %arg1[%get3A_45] : memref<36xf32, #tpu.memory_space<smem>>
    %get3A_47 = arith.constant 24 : index
    %get3A_48 = memref.load %arg1[%get3A_47] : memref<36xf32, #tpu.memory_space<smem>>
    %get3A_49 = arith.constant 25 : index
    %get3A_50 = memref.load %arg1[%get3A_49] : memref<36xf32, #tpu.memory_space<smem>>
    %get3A_51 = arith.constant 26 : index
    %get3A_52 = memref.load %arg1[%get3A_51] : memref<36xf32, #tpu.memory_space<smem>>
    %get3A_53 = arith.constant 27 : index
    %get3A_54 = memref.load %arg1[%get3A_53] : memref<36xf32, #tpu.memory_space<smem>>
    %get3A_55 = arith.constant 28 : index
    %get3A_56 = memref.load %arg1[%get3A_55] : memref<36xf32, #tpu.memory_space<smem>>
    %get3A_57 = arith.constant 29 : index
    %get3A_58 = memref.load %arg1[%get3A_57] : memref<36xf32, #tpu.memory_space<smem>>
    %get3A_59 = arith.constant 30 : index
    %get3A_60 = memref.load %arg1[%get3A_59] : memref<36xf32, #tpu.memory_space<smem>>
    %get3A_61 = arith.constant 31 : index
    %get3A_62 = memref.load %arg1[%get3A_61] : memref<36xf32, #tpu.memory_space<smem>>
    %get3A_63 = arith.constant 32 : index
    %get3A_64 = memref.load %arg1[%get3A_63] : memref<36xf32, #tpu.memory_space<smem>>
    %get3A_65 = arith.constant 33 : index
    %get3A_66 = memref.load %arg1[%get3A_65] : memref<36xf32, #tpu.memory_space<smem>>
    %get3A_67 = arith.constant 34 : index
    %get3A_68 = memref.load %arg1[%get3A_67] : memref<36xf32, #tpu.memory_space<smem>>
    %get3A_69 = arith.constant 35 : index
    %get3A_70 = memref.load %arg1[%get3A_69] : memref<36xf32, #tpu.memory_space<smem>>
    %iota3A = tpu.iota {dimensions = array<i32: 1>} : vector<194x400xi32>
    %convert_element_type3A = arith.sitofp %iota3A : vector<194x400xi32> to vector<194x400xf32>
    %sub3A = arith.constant 1.000000e+00 : f32
    %sub3A_71 = vector.broadcast %sub3A : f32 to vector<194x400xf32>
    %sub3A_72 = arith.subf %convert_element_type3A, %sub3A_71 : vector<194x400xf32>
    %iota3A_73 = tpu.iota {dimensions = array<i32: 0>} : vector<194x400xi32>
    %convert_element_type3A_74 = arith.sitofp %iota3A_73 : vector<194x400xi32> to vector<194x400xf32>
    %sub3A_75 = arith.constant 1.000000e+00 : f32
    %sub3A_76 = vector.broadcast %sub3A_75 : f32 to vector<194x400xf32>
    %sub3A_77 = arith.subf %convert_element_type3A_74, %sub3A_76 : vector<194x400xf32>
    %mul3A = vector.broadcast %get3A_0 : f32 to vector<194x400xf32>
    %mul3A_78 = arith.mulf %mul3A, %sub3A_72 : vector<194x400xf32>
    %mul3A_79 = vector.broadcast %get3A_2 : f32 to vector<194x400xf32>
    %mul3A_80 = arith.mulf %mul3A_79, %sub3A_77 : vector<194x400xf32>
    %add3A = vector.broadcast %get3A_4 : f32 to vector<194x400xf32>
    %add3A_81 = arith.addf %mul3A_80, %add3A : vector<194x400xf32>
    %add3A_82 = arith.addf %mul3A_78, %add3A_81 : vector<194x400xf32>
    %mul3A_83 = vector.broadcast %get3A_6 : f32 to vector<194x400xf32>
    %mul3A_84 = arith.mulf %mul3A_83, %sub3A_72 : vector<194x400xf32>
    %mul3A_85 = vector.broadcast %get3A_8 : f32 to vector<194x400xf32>
    %mul3A_86 = arith.mulf %mul3A_85, %sub3A_77 : vector<194x400xf32>
    %add3A_87 = vector.broadcast %get3A_10 : f32 to vector<194x400xf32>
    %add3A_88 = arith.addf %mul3A_86, %add3A_87 : vector<194x400xf32>
    %add3A_89 = arith.addf %mul3A_84, %add3A_88 : vector<194x400xf32>
    %mul3A_90 = vector.broadcast %get3A_12 : f32 to vector<194x400xf32>
    %mul3A_91 = arith.mulf %mul3A_90, %sub3A_72 : vector<194x400xf32>
    %mul3A_92 = vector.broadcast %get3A_14 : f32 to vector<194x400xf32>
    %mul3A_93 = arith.mulf %mul3A_92, %sub3A_77 : vector<194x400xf32>
    %add3A_94 = vector.broadcast %get3A_16 : f32 to vector<194x400xf32>
    %add3A_95 = arith.addf %mul3A_93, %add3A_94 : vector<194x400xf32>
    %add3A_96 = arith.addf %mul3A_91, %add3A_95 : vector<194x400xf32>
    %get3A_97 = arith.constant 0 : index
    %get3A_98 = arith.constant 0 : index
    %get3A_99 = arith.constant 0 : index
    %get3A_100 = arith.constant 0 : index
    %get3A_101 = vector.load %arg0[%get3A_97, %get3A_98, %get3A_99, %get3A_100] : memref<2x4x388x416xf32, #tpu.memory_space<vmem>>, vector<1x1x388x416xf32>
    %get3A_102 = vector.shape_cast %get3A_101 : vector<1x1x388x416xf32> to vector<388x416xf32>
    %get3A_103 = arith.constant 0 : index
    %get3A_104 = arith.constant 1 : index
    %get3A_105 = arith.constant 0 : index
    %get3A_106 = arith.constant 0 : index
    %get3A_107 = vector.load %arg0[%get3A_103, %get3A_104, %get3A_105, %get3A_106] : memref<2x4x388x416xf32, #tpu.memory_space<vmem>>, vector<1x1x388x416xf32>
    %get3A_108 = vector.shape_cast %get3A_107 : vector<1x1x388x416xf32> to vector<388x416xf32>
    %get3A_109 = arith.constant 0 : index
    %get3A_110 = arith.constant 2 : index
    %get3A_111 = arith.constant 0 : index
    %get3A_112 = arith.constant 0 : index
    %get3A_113 = vector.load %arg0[%get3A_109, %get3A_110, %get3A_111, %get3A_112] : memref<2x4x388x416xf32, #tpu.memory_space<vmem>>, vector<1x1x388x416xf32>
    %get3A_114 = vector.shape_cast %get3A_113 : vector<1x1x388x416xf32> to vector<388x416xf32>
    %get3A_115 = arith.constant 0 : index
    %get3A_116 = arith.constant 3 : index
    %get3A_117 = arith.constant 0 : index
    %get3A_118 = arith.constant 0 : index
    %get3A_119 = vector.load %arg0[%get3A_115, %get3A_116, %get3A_117, %get3A_118] : memref<2x4x388x416xf32, #tpu.memory_space<vmem>>, vector<1x1x388x416xf32>
    %get3A_120 = vector.shape_cast %get3A_119 : vector<1x1x388x416xf32> to vector<388x416xf32>
    %slice3A = vector.extract_strided_slice %get3A_102 {offsets = [1, 1], sizes = [194, 400], strides = [1, 1]} : vector<388x416xf32> to vector<194x400xf32>
    %slice3A_121 = vector.extract_strided_slice %get3A_108 {offsets = [1, 1], sizes = [194, 400], strides = [1, 1]} : vector<388x416xf32> to vector<194x400xf32>
    %slice3A_122 = vector.extract_strided_slice %get3A_114 {offsets = [1, 1], sizes = [194, 400], strides = [1, 1]} : vector<388x416xf32> to vector<194x400xf32>
    %slice3A_123 = vector.extract_strided_slice %get3A_120 {offsets = [1, 1], sizes = [194, 400], strides = [1, 1]} : vector<388x416xf32> to vector<194x400xf32>
    %slice3A_124 = vector.extract_strided_slice %get3A_114 {offsets = [0, 0], sizes = [194, 400], strides = [1, 1]} : vector<388x416xf32> to vector<194x400xf32>
    %add3A_125 = vector.broadcast %get3A_18 : f32 to vector<194x400xf32>
    %add3A_126 = arith.addf %add3A_82, %add3A_125 : vector<194x400xf32>
    %add3A_127 = vector.broadcast %get3A_36 : f32 to vector<194x400xf32>
    %add3A_128 = arith.addf %add3A_89, %add3A_127 : vector<194x400xf32>
    %add3A_129 = vector.broadcast %get3A_54 : f32 to vector<194x400xf32>
    %add3A_130 = arith.addf %add3A_96, %add3A_129 : vector<194x400xf32>
    %mul3A_131 = arith.mulf %add3A_126, %slice3A_124 : vector<194x400xf32>
    %sub3A_132 = arith.subf %mul3A_131, %slice3A : vector<194x400xf32>
    %mul3A_133 = arith.mulf %add3A_128, %slice3A_124 : vector<194x400xf32>
    %sub3A_134 = arith.subf %mul3A_133, %slice3A_121 : vector<194x400xf32>
    %mul3A_135 = arith.mulf %add3A_130, %slice3A_124 : vector<194x400xf32>
    %sub3A_136 = arith.subf %mul3A_135, %slice3A_122 : vector<194x400xf32>
    %mul3A_137 = arith.mulf %sub3A_132, %sub3A_132 : vector<194x400xf32>
    %mul3A_138 = arith.mulf %sub3A_134, %sub3A_134 : vector<194x400xf32>
    %add3A_139 = arith.addf %mul3A_137, %mul3A_138 : vector<194x400xf32>
    %mul3A_140 = arith.mulf %sub3A_136, %sub3A_136 : vector<194x400xf32>
    %add3A_141 = arith.addf %add3A_139, %mul3A_140 : vector<194x400xf32>
    %broadcast_in_dim3A = arith.constant 0 : i32
    %broadcast_in_dim3A_142 = vector.broadcast %broadcast_in_dim3A : i32 to vector<194x400xi32>
    %slice3A_143 = vector.extract_strided_slice %get3A_114 {offsets = [0, 1], sizes = [194, 400], strides = [1, 1]} : vector<388x416xf32> to vector<194x400xf32>
    %add3A_144 = vector.broadcast %get3A_20 : f32 to vector<194x400xf32>
    %add3A_145 = arith.addf %add3A_82, %add3A_144 : vector<194x400xf32>
    %add3A_146 = vector.broadcast %get3A_38 : f32 to vector<194x400xf32>
    %add3A_147 = arith.addf %add3A_89, %add3A_146 : vector<194x400xf32>
    %add3A_148 = vector.broadcast %get3A_56 : f32 to vector<194x400xf32>
    %add3A_149 = arith.addf %add3A_96, %add3A_148 : vector<194x400xf32>
    %mul3A_150 = arith.mulf %add3A_145, %slice3A_143 : vector<194x400xf32>
    %sub3A_151 = arith.subf %mul3A_150, %slice3A : vector<194x400xf32>
    %mul3A_152 = arith.mulf %add3A_147, %slice3A_143 : vector<194x400xf32>
    %sub3A_153 = arith.subf %mul3A_152, %slice3A_121 : vector<194x400xf32>
    %mul3A_154 = arith.mulf %add3A_149, %slice3A_143 : vector<194x400xf32>
    %sub3A_155 = arith.subf %mul3A_154, %slice3A_122 : vector<194x400xf32>
    %mul3A_156 = arith.mulf %sub3A_151, %sub3A_151 : vector<194x400xf32>
    %mul3A_157 = arith.mulf %sub3A_153, %sub3A_153 : vector<194x400xf32>
    %add3A_158 = arith.addf %mul3A_156, %mul3A_157 : vector<194x400xf32>
    %mul3A_159 = arith.mulf %sub3A_155, %sub3A_155 : vector<194x400xf32>
    %add3A_160 = arith.addf %add3A_158, %mul3A_159 : vector<194x400xf32>
    %broadcast_in_dim3A_161 = arith.constant 1 : i32
    %broadcast_in_dim3A_162 = vector.broadcast %broadcast_in_dim3A_161 : i32 to vector<194x400xi32>
    %slice3A_163 = vector.extract_strided_slice %get3A_114 {offsets = [0, 2], sizes = [194, 400], strides = [1, 1]} : vector<388x416xf32> to vector<194x400xf32>
    %add3A_164 = vector.broadcast %get3A_22 : f32 to vector<194x400xf32>
    %add3A_165 = arith.addf %add3A_82, %add3A_164 : vector<194x400xf32>
    %add3A_166 = vector.broadcast %get3A_40 : f32 to vector<194x400xf32>
    %add3A_167 = arith.addf %add3A_89, %add3A_166 : vector<194x400xf32>
    %add3A_168 = vector.broadcast %get3A_58 : f32 to vector<194x400xf32>
    %add3A_169 = arith.addf %add3A_96, %add3A_168 : vector<194x400xf32>
    %mul3A_170 = arith.mulf %add3A_165, %slice3A_163 : vector<194x400xf32>
    %sub3A_171 = arith.subf %mul3A_170, %slice3A : vector<194x400xf32>
    %mul3A_172 = arith.mulf %add3A_167, %slice3A_163 : vector<194x400xf32>
    %sub3A_173 = arith.subf %mul3A_172, %slice3A_121 : vector<194x400xf32>
    %mul3A_174 = arith.mulf %add3A_169, %slice3A_163 : vector<194x400xf32>
    %sub3A_175 = arith.subf %mul3A_174, %slice3A_122 : vector<194x400xf32>
    %mul3A_176 = arith.mulf %sub3A_171, %sub3A_171 : vector<194x400xf32>
    %mul3A_177 = arith.mulf %sub3A_173, %sub3A_173 : vector<194x400xf32>
    %add3A_178 = arith.addf %mul3A_176, %mul3A_177 : vector<194x400xf32>
    %mul3A_179 = arith.mulf %sub3A_175, %sub3A_175 : vector<194x400xf32>
    %add3A_180 = arith.addf %add3A_178, %mul3A_179 : vector<194x400xf32>
    %broadcast_in_dim3A_181 = arith.constant 2 : i32
    %broadcast_in_dim3A_182 = vector.broadcast %broadcast_in_dim3A_181 : i32 to vector<194x400xi32>
    %slice3A_183 = vector.extract_strided_slice %get3A_114 {offsets = [1, 0], sizes = [194, 400], strides = [1, 1]} : vector<388x416xf32> to vector<194x400xf32>
    %add3A_184 = vector.broadcast %get3A_24 : f32 to vector<194x400xf32>
    %add3A_185 = arith.addf %add3A_82, %add3A_184 : vector<194x400xf32>
    %add3A_186 = vector.broadcast %get3A_42 : f32 to vector<194x400xf32>
    %add3A_187 = arith.addf %add3A_89, %add3A_186 : vector<194x400xf32>
    %add3A_188 = vector.broadcast %get3A_60 : f32 to vector<194x400xf32>
    %add3A_189 = arith.addf %add3A_96, %add3A_188 : vector<194x400xf32>
    %mul3A_190 = arith.mulf %add3A_185, %slice3A_183 : vector<194x400xf32>
    %sub3A_191 = arith.subf %mul3A_190, %slice3A : vector<194x400xf32>
    %mul3A_192 = arith.mulf %add3A_187, %slice3A_183 : vector<194x400xf32>
    %sub3A_193 = arith.subf %mul3A_192, %slice3A_121 : vector<194x400xf32>
    %mul3A_194 = arith.mulf %add3A_189, %slice3A_183 : vector<194x400xf32>
    %sub3A_195 = arith.subf %mul3A_194, %slice3A_122 : vector<194x400xf32>
    %mul3A_196 = arith.mulf %sub3A_191, %sub3A_191 : vector<194x400xf32>
    %mul3A_197 = arith.mulf %sub3A_193, %sub3A_193 : vector<194x400xf32>
    %add3A_198 = arith.addf %mul3A_196, %mul3A_197 : vector<194x400xf32>
    %mul3A_199 = arith.mulf %sub3A_195, %sub3A_195 : vector<194x400xf32>
    %add3A_200 = arith.addf %add3A_198, %mul3A_199 : vector<194x400xf32>
    %broadcast_in_dim3A_201 = arith.constant 3 : i32
    %broadcast_in_dim3A_202 = vector.broadcast %broadcast_in_dim3A_201 : i32 to vector<194x400xi32>
    %slice3A_203 = vector.extract_strided_slice %get3A_114 {offsets = [1, 1], sizes = [194, 400], strides = [1, 1]} : vector<388x416xf32> to vector<194x400xf32>
    %add3A_204 = vector.broadcast %get3A_26 : f32 to vector<194x400xf32>
    %add3A_205 = arith.addf %add3A_82, %add3A_204 : vector<194x400xf32>
    %add3A_206 = vector.broadcast %get3A_44 : f32 to vector<194x400xf32>
    %add3A_207 = arith.addf %add3A_89, %add3A_206 : vector<194x400xf32>
    %add3A_208 = vector.broadcast %get3A_62 : f32 to vector<194x400xf32>
    %add3A_209 = arith.addf %add3A_96, %add3A_208 : vector<194x400xf32>
    %mul3A_210 = arith.mulf %add3A_205, %slice3A_203 : vector<194x400xf32>
    %sub3A_211 = arith.subf %mul3A_210, %slice3A : vector<194x400xf32>
    %mul3A_212 = arith.mulf %add3A_207, %slice3A_203 : vector<194x400xf32>
    %sub3A_213 = arith.subf %mul3A_212, %slice3A_121 : vector<194x400xf32>
    %mul3A_214 = arith.mulf %add3A_209, %slice3A_203 : vector<194x400xf32>
    %sub3A_215 = arith.subf %mul3A_214, %slice3A_122 : vector<194x400xf32>
    %mul3A_216 = arith.mulf %sub3A_211, %sub3A_211 : vector<194x400xf32>
    %mul3A_217 = arith.mulf %sub3A_213, %sub3A_213 : vector<194x400xf32>
    %add3A_218 = arith.addf %mul3A_216, %mul3A_217 : vector<194x400xf32>
    %mul3A_219 = arith.mulf %sub3A_215, %sub3A_215 : vector<194x400xf32>
    %add3A_220 = arith.addf %add3A_218, %mul3A_219 : vector<194x400xf32>
    %broadcast_in_dim3A_221 = arith.constant 4 : i32
    %broadcast_in_dim3A_222 = vector.broadcast %broadcast_in_dim3A_221 : i32 to vector<194x400xi32>
    %slice3A_223 = vector.extract_strided_slice %get3A_114 {offsets = [1, 2], sizes = [194, 400], strides = [1, 1]} : vector<388x416xf32> to vector<194x400xf32>
    %add3A_224 = vector.broadcast %get3A_28 : f32 to vector<194x400xf32>
    %add3A_225 = arith.addf %add3A_82, %add3A_224 : vector<194x400xf32>
    %add3A_226 = vector.broadcast %get3A_46 : f32 to vector<194x400xf32>
    %add3A_227 = arith.addf %add3A_89, %add3A_226 : vector<194x400xf32>
    %add3A_228 = vector.broadcast %get3A_64 : f32 to vector<194x400xf32>
    %add3A_229 = arith.addf %add3A_96, %add3A_228 : vector<194x400xf32>
    %mul3A_230 = arith.mulf %add3A_225, %slice3A_223 : vector<194x400xf32>
    %sub3A_231 = arith.subf %mul3A_230, %slice3A : vector<194x400xf32>
    %mul3A_232 = arith.mulf %add3A_227, %slice3A_223 : vector<194x400xf32>
    %sub3A_233 = arith.subf %mul3A_232, %slice3A_121 : vector<194x400xf32>
    %mul3A_234 = arith.mulf %add3A_229, %slice3A_223 : vector<194x400xf32>
    %sub3A_235 = arith.subf %mul3A_234, %slice3A_122 : vector<194x400xf32>
    %mul3A_236 = arith.mulf %sub3A_231, %sub3A_231 : vector<194x400xf32>
    %mul3A_237 = arith.mulf %sub3A_233, %sub3A_233 : vector<194x400xf32>
    %add3A_238 = arith.addf %mul3A_236, %mul3A_237 : vector<194x400xf32>
    %mul3A_239 = arith.mulf %sub3A_235, %sub3A_235 : vector<194x400xf32>
    %add3A_240 = arith.addf %add3A_238, %mul3A_239 : vector<194x400xf32>
    %broadcast_in_dim3A_241 = arith.constant 5 : i32
    %broadcast_in_dim3A_242 = vector.broadcast %broadcast_in_dim3A_241 : i32 to vector<194x400xi32>
    %slice3A_243 = vector.extract_strided_slice %get3A_114 {offsets = [2, 0], sizes = [194, 400], strides = [1, 1]} : vector<388x416xf32> to vector<194x400xf32>
    %add3A_244 = vector.broadcast %get3A_30 : f32 to vector<194x400xf32>
    %add3A_245 = arith.addf %add3A_82, %add3A_244 : vector<194x400xf32>
    %add3A_246 = vector.broadcast %get3A_48 : f32 to vector<194x400xf32>
    %add3A_247 = arith.addf %add3A_89, %add3A_246 : vector<194x400xf32>
    %add3A_248 = vector.broadcast %get3A_66 : f32 to vector<194x400xf32>
    %add3A_249 = arith.addf %add3A_96, %add3A_248 : vector<194x400xf32>
    %mul3A_250 = arith.mulf %add3A_245, %slice3A_243 : vector<194x400xf32>
    %sub3A_251 = arith.subf %mul3A_250, %slice3A : vector<194x400xf32>
    %mul3A_252 = arith.mulf %add3A_247, %slice3A_243 : vector<194x400xf32>
    %sub3A_253 = arith.subf %mul3A_252, %slice3A_121 : vector<194x400xf32>
    %mul3A_254 = arith.mulf %add3A_249, %slice3A_243 : vector<194x400xf32>
    %sub3A_255 = arith.subf %mul3A_254, %slice3A_122 : vector<194x400xf32>
    %mul3A_256 = arith.mulf %sub3A_251, %sub3A_251 : vector<194x400xf32>
    %mul3A_257 = arith.mulf %sub3A_253, %sub3A_253 : vector<194x400xf32>
    %add3A_258 = arith.addf %mul3A_256, %mul3A_257 : vector<194x400xf32>
    %mul3A_259 = arith.mulf %sub3A_255, %sub3A_255 : vector<194x400xf32>
    %add3A_260 = arith.addf %add3A_258, %mul3A_259 : vector<194x400xf32>
    %broadcast_in_dim3A_261 = arith.constant 6 : i32
    %broadcast_in_dim3A_262 = vector.broadcast %broadcast_in_dim3A_261 : i32 to vector<194x400xi32>
    %slice3A_263 = vector.extract_strided_slice %get3A_114 {offsets = [2, 1], sizes = [194, 400], strides = [1, 1]} : vector<388x416xf32> to vector<194x400xf32>
    %add3A_264 = vector.broadcast %get3A_32 : f32 to vector<194x400xf32>
    %add3A_265 = arith.addf %add3A_82, %add3A_264 : vector<194x400xf32>
    %add3A_266 = vector.broadcast %get3A_50 : f32 to vector<194x400xf32>
    %add3A_267 = arith.addf %add3A_89, %add3A_266 : vector<194x400xf32>
    %add3A_268 = vector.broadcast %get3A_68 : f32 to vector<194x400xf32>
    %add3A_269 = arith.addf %add3A_96, %add3A_268 : vector<194x400xf32>
    %mul3A_270 = arith.mulf %add3A_265, %slice3A_263 : vector<194x400xf32>
    %sub3A_271 = arith.subf %mul3A_270, %slice3A : vector<194x400xf32>
    %mul3A_272 = arith.mulf %add3A_267, %slice3A_263 : vector<194x400xf32>
    %sub3A_273 = arith.subf %mul3A_272, %slice3A_121 : vector<194x400xf32>
    %mul3A_274 = arith.mulf %add3A_269, %slice3A_263 : vector<194x400xf32>
    %sub3A_275 = arith.subf %mul3A_274, %slice3A_122 : vector<194x400xf32>
    %mul3A_276 = arith.mulf %sub3A_271, %sub3A_271 : vector<194x400xf32>
    %mul3A_277 = arith.mulf %sub3A_273, %sub3A_273 : vector<194x400xf32>
    %add3A_278 = arith.addf %mul3A_276, %mul3A_277 : vector<194x400xf32>
    %mul3A_279 = arith.mulf %sub3A_275, %sub3A_275 : vector<194x400xf32>
    %add3A_280 = arith.addf %add3A_278, %mul3A_279 : vector<194x400xf32>
    %broadcast_in_dim3A_281 = arith.constant 7 : i32
    %broadcast_in_dim3A_282 = vector.broadcast %broadcast_in_dim3A_281 : i32 to vector<194x400xi32>
    %slice3A_283 = vector.extract_strided_slice %get3A_114 {offsets = [2, 2], sizes = [194, 400], strides = [1, 1]} : vector<388x416xf32> to vector<194x400xf32>
    %add3A_284 = vector.broadcast %get3A_34 : f32 to vector<194x400xf32>
    %add3A_285 = arith.addf %add3A_82, %add3A_284 : vector<194x400xf32>
    %add3A_286 = vector.broadcast %get3A_52 : f32 to vector<194x400xf32>
    %add3A_287 = arith.addf %add3A_89, %add3A_286 : vector<194x400xf32>
    %add3A_288 = vector.broadcast %get3A_70 : f32 to vector<194x400xf32>
    %add3A_289 = arith.addf %add3A_96, %add3A_288 : vector<194x400xf32>
    %mul3A_290 = arith.mulf %add3A_285, %slice3A_283 : vector<194x400xf32>
    %sub3A_291 = arith.subf %mul3A_290, %slice3A : vector<194x400xf32>
    %mul3A_292 = arith.mulf %add3A_287, %slice3A_283 : vector<194x400xf32>
    %sub3A_293 = arith.subf %mul3A_292, %slice3A_121 : vector<194x400xf32>
    %mul3A_294 = arith.mulf %add3A_289, %slice3A_283 : vector<194x400xf32>
    %sub3A_295 = arith.subf %mul3A_294, %slice3A_122 : vector<194x400xf32>
    %mul3A_296 = arith.mulf %sub3A_291, %sub3A_291 : vector<194x400xf32>
    %mul3A_297 = arith.mulf %sub3A_293, %sub3A_293 : vector<194x400xf32>
    %add3A_298 = arith.addf %mul3A_296, %mul3A_297 : vector<194x400xf32>
    %mul3A_299 = arith.mulf %sub3A_295, %sub3A_295 : vector<194x400xf32>
    %add3A_300 = arith.addf %add3A_298, %mul3A_299 : vector<194x400xf32>
    %broadcast_in_dim3A_301 = arith.constant 8 : i32
    %broadcast_in_dim3A_302 = vector.broadcast %broadcast_in_dim3A_301 : i32 to vector<194x400xi32>
    %lt3A = arith.cmpf olt, %add3A_160, %add3A_141 : vector<194x400xf32>
    %select_n3A = arith.select %lt3A, %add3A_160, %add3A_141 : vector<194x400xi1>, vector<194x400xf32>
    %select_n3A_303 = arith.select %lt3A, %broadcast_in_dim3A_162, %broadcast_in_dim3A_142 : vector<194x400xi1>, vector<194x400xi32>
    %lt3A_304 = arith.cmpf olt, %add3A_200, %add3A_180 : vector<194x400xf32>
    %select_n3A_305 = arith.select %lt3A_304, %add3A_200, %add3A_180 : vector<194x400xi1>, vector<194x400xf32>
    %select_n3A_306 = arith.select %lt3A_304, %broadcast_in_dim3A_202, %broadcast_in_dim3A_182 : vector<194x400xi1>, vector<194x400xi32>
    %lt3A_307 = arith.cmpf olt, %add3A_240, %add3A_220 : vector<194x400xf32>
    %select_n3A_308 = arith.select %lt3A_307, %add3A_240, %add3A_220 : vector<194x400xi1>, vector<194x400xf32>
    %select_n3A_309 = arith.select %lt3A_307, %broadcast_in_dim3A_242, %broadcast_in_dim3A_222 : vector<194x400xi1>, vector<194x400xi32>
    %lt3A_310 = arith.cmpf olt, %add3A_280, %add3A_260 : vector<194x400xf32>
    %select_n3A_311 = arith.select %lt3A_310, %add3A_280, %add3A_260 : vector<194x400xi1>, vector<194x400xf32>
    %select_n3A_312 = arith.select %lt3A_310, %broadcast_in_dim3A_282, %broadcast_in_dim3A_262 : vector<194x400xi1>, vector<194x400xi32>
    %lt3A_313 = arith.cmpf olt, %select_n3A_305, %select_n3A : vector<194x400xf32>
    %select_n3A_314 = arith.select %lt3A_313, %select_n3A_305, %select_n3A : vector<194x400xi1>, vector<194x400xf32>
    %select_n3A_315 = arith.select %lt3A_313, %select_n3A_306, %select_n3A_303 : vector<194x400xi1>, vector<194x400xi32>
    %lt3A_316 = arith.cmpf olt, %select_n3A_311, %select_n3A_308 : vector<194x400xf32>
    %select_n3A_317 = arith.select %lt3A_316, %select_n3A_311, %select_n3A_308 : vector<194x400xi1>, vector<194x400xf32>
    %select_n3A_318 = arith.select %lt3A_316, %select_n3A_312, %select_n3A_309 : vector<194x400xi1>, vector<194x400xi32>
    %lt3A_319 = arith.cmpf olt, %select_n3A_317, %select_n3A_314 : vector<194x400xf32>
    %select_n3A_320 = arith.select %lt3A_319, %select_n3A_317, %select_n3A_314 : vector<194x400xi1>, vector<194x400xf32>
    %select_n3A_321 = arith.select %lt3A_319, %select_n3A_318, %select_n3A_315 : vector<194x400xi1>, vector<194x400xi32>
    %lt3A_322 = arith.cmpf olt, %add3A_300, %select_n3A_320 : vector<194x400xf32>
    %select_n3A_323 = arith.select %lt3A_322, %broadcast_in_dim3A_302, %select_n3A_321 : vector<194x400xi1>, vector<194x400xi32>
    %gt3A = arith.constant 5.000000e-01 : f32
    %gt3A_324 = vector.broadcast %gt3A : f32 to vector<194x400xf32>
    %gt3A_325 = arith.cmpf ogt, %slice3A_123, %gt3A_324 : vector<194x400xf32>
    %gt3A_326 = arith.constant 0.000000e+00 : f32
    %gt3A_327 = vector.broadcast %gt3A_326 : f32 to vector<194x400xf32>
    %gt3A_328 = arith.cmpf ogt, %slice3A_122, %gt3A_327 : vector<194x400xf32>
    %jit3A = arith.constant 4 : i32
    %broadcast_in_dim3A_329 = vector.broadcast %jit3A : i32 to vector<194x400xi32>
    %select_n3A_330 = arith.select %gt3A_328, %select_n3A_323, %broadcast_in_dim3A_329 : vector<194x400xi1>, vector<194x400xi32>
    %jit3A_331 = arith.constant 9 : i32
    %broadcast_in_dim3A_332 = vector.broadcast %jit3A_331 : i32 to vector<194x400xi32>
    %select_n3A_333 = arith.select %gt3A_325, %select_n3A_330, %broadcast_in_dim3A_332 : vector<194x400xi1>, vector<194x400xi32>
    %and3A = arith.andi %gt3A_325, %gt3A_328 : vector<194x400xi1>
    %jit3A_334 = arith.constant 4 : i32
    %broadcast_in_dim3A_335 = vector.broadcast %jit3A_334 : i32 to vector<194x400xi32>
    %select_n3A_336 = arith.select %and3A, %select_n3A_323, %broadcast_in_dim3A_335 : vector<194x400xi1>, vector<194x400xi32>
    %slice3A_337 = vector.extract_strided_slice %select_n3A_333 {offsets = [1, 1], sizes = [192, 384], strides = [1, 1]} : vector<194x400xi32> to vector<192x384xi32>
    %slice3A_338 = vector.extract_strided_slice %select_n3A_336 {offsets = [1, 1], sizes = [192, 384], strides = [1, 1]} : vector<194x400xi32> to vector<192x384xi32>
    %broadcast_in_dim3A_339 = arith.constant 1.000000e+10 : f32
    %broadcast_in_dim3A_340 = vector.broadcast %broadcast_in_dim3A_339 : f32 to vector<192x384xf32>
    %broadcast_in_dim3A_341 = arith.constant 0.000000e+00 : f32
    %broadcast_in_dim3A_342 = vector.broadcast %broadcast_in_dim3A_341 : f32 to vector<192x384xf32>
    %eq3A = arith.constant 4 : i32
    %eq3A_343 = vector.broadcast %eq3A : i32 to vector<192x384xi32>
    %eq3A_344 = arith.cmpi eq, %slice3A_337, %eq3A_343 : vector<192x384xi32>
    %slice3A_345 = vector.extract_strided_slice %get3A_102 {offsets = [2, 2], sizes = [192, 384], strides = [1, 1]} : vector<388x416xf32> to vector<192x384xf32>
    %select_n3A_346 = arith.select %eq3A_344, %slice3A_345, %broadcast_in_dim3A_342 : vector<192x384xi1>, vector<192x384xf32>
    %slice3A_347 = vector.extract_strided_slice %get3A_108 {offsets = [2, 2], sizes = [192, 384], strides = [1, 1]} : vector<388x416xf32> to vector<192x384xf32>
    %select_n3A_348 = arith.select %eq3A_344, %slice3A_347, %broadcast_in_dim3A_342 : vector<192x384xi1>, vector<192x384xf32>
    %slice3A_349 = vector.extract_strided_slice %get3A_114 {offsets = [2, 2], sizes = [192, 384], strides = [1, 1]} : vector<388x416xf32> to vector<192x384xf32>
    %select_n3A_350 = arith.select %eq3A_344, %slice3A_349, %broadcast_in_dim3A_342 : vector<192x384xi1>, vector<192x384xf32>
    %eq3A_351 = arith.constant 4 : i32
    %eq3A_352 = vector.broadcast %eq3A_351 : i32 to vector<192x384xi32>
    %eq3A_353 = arith.cmpi eq, %slice3A_338, %eq3A_352 : vector<192x384xi32>
    %slice3A_354 = vector.extract_strided_slice %get3A_120 {offsets = [2, 2], sizes = [192, 384], strides = [1, 1]} : vector<388x416xf32> to vector<192x384xf32>
    %select_n3A_355 = arith.select %eq3A_353, %slice3A_354, %broadcast_in_dim3A_342 : vector<192x384xi1>, vector<192x384xf32>
    %slice3A_356 = vector.extract_strided_slice %select_n3A_333 {offsets = [2, 2], sizes = [192, 384], strides = [1, 1]} : vector<194x400xi32> to vector<192x384xi32>
    %slice3A_357 = vector.extract_strided_slice %get3A_114 {offsets = [3, 3], sizes = [192, 384], strides = [1, 1]} : vector<388x416xf32> to vector<192x384xf32>
    %eq3A_358 = arith.constant 0 : i32
    %eq3A_359 = vector.broadcast %eq3A_358 : i32 to vector<192x384xi32>
    %eq3A_360 = arith.cmpi eq, %slice3A_356, %eq3A_359 : vector<192x384xi32>
    %select_n3A_361 = arith.select %eq3A_360, %slice3A_357, %broadcast_in_dim3A_342 : vector<192x384xi1>, vector<192x384xf32>
    %gt3A_362 = arith.constant 0.000000e+00 : f32
    %gt3A_363 = vector.broadcast %gt3A_362 : f32 to vector<192x384xf32>
    %gt3A_364 = arith.cmpf ogt, %select_n3A_361, %gt3A_363 : vector<192x384xf32>
    %select_n3A_365 = arith.select %gt3A_364, %select_n3A_361, %broadcast_in_dim3A_340 : vector<192x384xi1>, vector<192x384xf32>
    %lt3A_366 = arith.cmpf olt, %select_n3A_365, %broadcast_in_dim3A_340 : vector<192x384xf32>
    %select_n3A_367 = arith.select %lt3A_366, %select_n3A_365, %broadcast_in_dim3A_340 : vector<192x384xi1>, vector<192x384xf32>
    %slice3A_368 = vector.extract_strided_slice %get3A_102 {offsets = [3, 3], sizes = [192, 384], strides = [1, 1]} : vector<388x416xf32> to vector<192x384xf32>
    %select_n3A_369 = arith.select %lt3A_366, %slice3A_368, %select_n3A_346 : vector<192x384xi1>, vector<192x384xf32>
    %slice3A_370 = vector.extract_strided_slice %get3A_108 {offsets = [3, 3], sizes = [192, 384], strides = [1, 1]} : vector<388x416xf32> to vector<192x384xf32>
    %select_n3A_371 = arith.select %lt3A_366, %slice3A_370, %select_n3A_348 : vector<192x384xi1>, vector<192x384xf32>
    %select_n3A_372 = arith.select %lt3A_366, %slice3A_357, %select_n3A_350 : vector<192x384xi1>, vector<192x384xf32>
    %slice3A_373 = vector.extract_strided_slice %get3A_120 {offsets = [3, 3], sizes = [192, 384], strides = [1, 1]} : vector<388x416xf32> to vector<192x384xf32>
    %select_n3A_374 = arith.select %lt3A_366, %slice3A_373, %select_n3A_355 : vector<192x384xi1>, vector<192x384xf32>
    %slice3A_375 = vector.extract_strided_slice %select_n3A_333 {offsets = [2, 1], sizes = [192, 384], strides = [1, 1]} : vector<194x400xi32> to vector<192x384xi32>
    %slice3A_376 = vector.extract_strided_slice %get3A_114 {offsets = [3, 2], sizes = [192, 384], strides = [1, 1]} : vector<388x416xf32> to vector<192x384xf32>
    %eq3A_377 = arith.constant 1 : i32
    %eq3A_378 = vector.broadcast %eq3A_377 : i32 to vector<192x384xi32>
    %eq3A_379 = arith.cmpi eq, %slice3A_375, %eq3A_378 : vector<192x384xi32>
    %select_n3A_380 = arith.select %eq3A_379, %slice3A_376, %broadcast_in_dim3A_342 : vector<192x384xi1>, vector<192x384xf32>
    %gt3A_381 = arith.constant 0.000000e+00 : f32
    %gt3A_382 = vector.broadcast %gt3A_381 : f32 to vector<192x384xf32>
    %gt3A_383 = arith.cmpf ogt, %select_n3A_380, %gt3A_382 : vector<192x384xf32>
    %select_n3A_384 = arith.select %gt3A_383, %select_n3A_380, %broadcast_in_dim3A_340 : vector<192x384xi1>, vector<192x384xf32>
    %lt3A_385 = arith.cmpf olt, %select_n3A_384, %select_n3A_367 : vector<192x384xf32>
    %select_n3A_386 = arith.select %lt3A_385, %select_n3A_384, %select_n3A_367 : vector<192x384xi1>, vector<192x384xf32>
    %slice3A_387 = vector.extract_strided_slice %get3A_102 {offsets = [3, 2], sizes = [192, 384], strides = [1, 1]} : vector<388x416xf32> to vector<192x384xf32>
    %select_n3A_388 = arith.select %lt3A_385, %slice3A_387, %select_n3A_369 : vector<192x384xi1>, vector<192x384xf32>
    %slice3A_389 = vector.extract_strided_slice %get3A_108 {offsets = [3, 2], sizes = [192, 384], strides = [1, 1]} : vector<388x416xf32> to vector<192x384xf32>
    %select_n3A_390 = arith.select %lt3A_385, %slice3A_389, %select_n3A_371 : vector<192x384xi1>, vector<192x384xf32>
    %select_n3A_391 = arith.select %lt3A_385, %slice3A_376, %select_n3A_372 : vector<192x384xi1>, vector<192x384xf32>
    %slice3A_392 = vector.extract_strided_slice %get3A_120 {offsets = [3, 2], sizes = [192, 384], strides = [1, 1]} : vector<388x416xf32> to vector<192x384xf32>
    %select_n3A_393 = arith.select %lt3A_385, %slice3A_392, %select_n3A_374 : vector<192x384xi1>, vector<192x384xf32>
    %slice3A_394 = vector.extract_strided_slice %select_n3A_333 {offsets = [2, 0], sizes = [192, 384], strides = [1, 1]} : vector<194x400xi32> to vector<192x384xi32>
    %slice3A_395 = vector.extract_strided_slice %get3A_114 {offsets = [3, 1], sizes = [192, 384], strides = [1, 1]} : vector<388x416xf32> to vector<192x384xf32>
    %eq3A_396 = arith.constant 2 : i32
    %eq3A_397 = vector.broadcast %eq3A_396 : i32 to vector<192x384xi32>
    %eq3A_398 = arith.cmpi eq, %slice3A_394, %eq3A_397 : vector<192x384xi32>
    %select_n3A_399 = arith.select %eq3A_398, %slice3A_395, %broadcast_in_dim3A_342 : vector<192x384xi1>, vector<192x384xf32>
    %gt3A_400 = arith.constant 0.000000e+00 : f32
    %gt3A_401 = vector.broadcast %gt3A_400 : f32 to vector<192x384xf32>
    %gt3A_402 = arith.cmpf ogt, %select_n3A_399, %gt3A_401 : vector<192x384xf32>
    %select_n3A_403 = arith.select %gt3A_402, %select_n3A_399, %broadcast_in_dim3A_340 : vector<192x384xi1>, vector<192x384xf32>
    %lt3A_404 = arith.cmpf olt, %select_n3A_403, %select_n3A_386 : vector<192x384xf32>
    %select_n3A_405 = arith.select %lt3A_404, %select_n3A_403, %select_n3A_386 : vector<192x384xi1>, vector<192x384xf32>
    %slice3A_406 = vector.extract_strided_slice %get3A_102 {offsets = [3, 1], sizes = [192, 384], strides = [1, 1]} : vector<388x416xf32> to vector<192x384xf32>
    %select_n3A_407 = arith.select %lt3A_404, %slice3A_406, %select_n3A_388 : vector<192x384xi1>, vector<192x384xf32>
    %slice3A_408 = vector.extract_strided_slice %get3A_108 {offsets = [3, 1], sizes = [192, 384], strides = [1, 1]} : vector<388x416xf32> to vector<192x384xf32>
    %select_n3A_409 = arith.select %lt3A_404, %slice3A_408, %select_n3A_390 : vector<192x384xi1>, vector<192x384xf32>
    %select_n3A_410 = arith.select %lt3A_404, %slice3A_395, %select_n3A_391 : vector<192x384xi1>, vector<192x384xf32>
    %slice3A_411 = vector.extract_strided_slice %get3A_120 {offsets = [3, 1], sizes = [192, 384], strides = [1, 1]} : vector<388x416xf32> to vector<192x384xf32>
    %select_n3A_412 = arith.select %lt3A_404, %slice3A_411, %select_n3A_393 : vector<192x384xi1>, vector<192x384xf32>
    %slice3A_413 = vector.extract_strided_slice %select_n3A_333 {offsets = [1, 2], sizes = [192, 384], strides = [1, 1]} : vector<194x400xi32> to vector<192x384xi32>
    %slice3A_414 = vector.extract_strided_slice %get3A_114 {offsets = [2, 3], sizes = [192, 384], strides = [1, 1]} : vector<388x416xf32> to vector<192x384xf32>
    %eq3A_415 = arith.constant 3 : i32
    %eq3A_416 = vector.broadcast %eq3A_415 : i32 to vector<192x384xi32>
    %eq3A_417 = arith.cmpi eq, %slice3A_413, %eq3A_416 : vector<192x384xi32>
    %select_n3A_418 = arith.select %eq3A_417, %slice3A_414, %broadcast_in_dim3A_342 : vector<192x384xi1>, vector<192x384xf32>
    %gt3A_419 = arith.constant 0.000000e+00 : f32
    %gt3A_420 = vector.broadcast %gt3A_419 : f32 to vector<192x384xf32>
    %gt3A_421 = arith.cmpf ogt, %select_n3A_418, %gt3A_420 : vector<192x384xf32>
    %select_n3A_422 = arith.select %gt3A_421, %select_n3A_418, %broadcast_in_dim3A_340 : vector<192x384xi1>, vector<192x384xf32>
    %lt3A_423 = arith.cmpf olt, %select_n3A_422, %select_n3A_405 : vector<192x384xf32>
    %select_n3A_424 = arith.select %lt3A_423, %select_n3A_422, %select_n3A_405 : vector<192x384xi1>, vector<192x384xf32>
    %slice3A_425 = vector.extract_strided_slice %get3A_102 {offsets = [2, 3], sizes = [192, 384], strides = [1, 1]} : vector<388x416xf32> to vector<192x384xf32>
    %select_n3A_426 = arith.select %lt3A_423, %slice3A_425, %select_n3A_407 : vector<192x384xi1>, vector<192x384xf32>
    %slice3A_427 = vector.extract_strided_slice %get3A_108 {offsets = [2, 3], sizes = [192, 384], strides = [1, 1]} : vector<388x416xf32> to vector<192x384xf32>
    %select_n3A_428 = arith.select %lt3A_423, %slice3A_427, %select_n3A_409 : vector<192x384xi1>, vector<192x384xf32>
    %select_n3A_429 = arith.select %lt3A_423, %slice3A_414, %select_n3A_410 : vector<192x384xi1>, vector<192x384xf32>
    %slice3A_430 = vector.extract_strided_slice %get3A_120 {offsets = [2, 3], sizes = [192, 384], strides = [1, 1]} : vector<388x416xf32> to vector<192x384xf32>
    %select_n3A_431 = arith.select %lt3A_423, %slice3A_430, %select_n3A_412 : vector<192x384xi1>, vector<192x384xf32>
    %slice3A_432 = vector.extract_strided_slice %select_n3A_333 {offsets = [1, 1], sizes = [192, 384], strides = [1, 1]} : vector<194x400xi32> to vector<192x384xi32>
    %slice3A_433 = vector.extract_strided_slice %get3A_114 {offsets = [2, 2], sizes = [192, 384], strides = [1, 1]} : vector<388x416xf32> to vector<192x384xf32>
    %eq3A_434 = arith.constant 4 : i32
    %eq3A_435 = vector.broadcast %eq3A_434 : i32 to vector<192x384xi32>
    %eq3A_436 = arith.cmpi eq, %slice3A_432, %eq3A_435 : vector<192x384xi32>
    %select_n3A_437 = arith.select %eq3A_436, %slice3A_433, %broadcast_in_dim3A_342 : vector<192x384xi1>, vector<192x384xf32>
    %gt3A_438 = arith.constant 0.000000e+00 : f32
    %gt3A_439 = vector.broadcast %gt3A_438 : f32 to vector<192x384xf32>
    %gt3A_440 = arith.cmpf ogt, %select_n3A_437, %gt3A_439 : vector<192x384xf32>
    %select_n3A_441 = arith.select %gt3A_440, %select_n3A_437, %broadcast_in_dim3A_340 : vector<192x384xi1>, vector<192x384xf32>
    %lt3A_442 = arith.cmpf olt, %select_n3A_441, %select_n3A_424 : vector<192x384xf32>
    %select_n3A_443 = arith.select %lt3A_442, %select_n3A_441, %select_n3A_424 : vector<192x384xi1>, vector<192x384xf32>
    %slice3A_444 = vector.extract_strided_slice %get3A_102 {offsets = [2, 2], sizes = [192, 384], strides = [1, 1]} : vector<388x416xf32> to vector<192x384xf32>
    %select_n3A_445 = arith.select %lt3A_442, %slice3A_444, %select_n3A_426 : vector<192x384xi1>, vector<192x384xf32>
    %slice3A_446 = vector.extract_strided_slice %get3A_108 {offsets = [2, 2], sizes = [192, 384], strides = [1, 1]} : vector<388x416xf32> to vector<192x384xf32>
    %select_n3A_447 = arith.select %lt3A_442, %slice3A_446, %select_n3A_428 : vector<192x384xi1>, vector<192x384xf32>
    %select_n3A_448 = arith.select %lt3A_442, %slice3A_433, %select_n3A_429 : vector<192x384xi1>, vector<192x384xf32>
    %slice3A_449 = vector.extract_strided_slice %get3A_120 {offsets = [2, 2], sizes = [192, 384], strides = [1, 1]} : vector<388x416xf32> to vector<192x384xf32>
    %select_n3A_450 = arith.select %lt3A_442, %slice3A_449, %select_n3A_431 : vector<192x384xi1>, vector<192x384xf32>
    %slice3A_451 = vector.extract_strided_slice %select_n3A_333 {offsets = [1, 0], sizes = [192, 384], strides = [1, 1]} : vector<194x400xi32> to vector<192x384xi32>
    %slice3A_452 = vector.extract_strided_slice %get3A_114 {offsets = [2, 1], sizes = [192, 384], strides = [1, 1]} : vector<388x416xf32> to vector<192x384xf32>
    %eq3A_453 = arith.constant 5 : i32
    %eq3A_454 = vector.broadcast %eq3A_453 : i32 to vector<192x384xi32>
    %eq3A_455 = arith.cmpi eq, %slice3A_451, %eq3A_454 : vector<192x384xi32>
    %select_n3A_456 = arith.select %eq3A_455, %slice3A_452, %broadcast_in_dim3A_342 : vector<192x384xi1>, vector<192x384xf32>
    %gt3A_457 = arith.constant 0.000000e+00 : f32
    %gt3A_458 = vector.broadcast %gt3A_457 : f32 to vector<192x384xf32>
    %gt3A_459 = arith.cmpf ogt, %select_n3A_456, %gt3A_458 : vector<192x384xf32>
    %select_n3A_460 = arith.select %gt3A_459, %select_n3A_456, %broadcast_in_dim3A_340 : vector<192x384xi1>, vector<192x384xf32>
    %lt3A_461 = arith.cmpf olt, %select_n3A_460, %select_n3A_443 : vector<192x384xf32>
    %select_n3A_462 = arith.select %lt3A_461, %select_n3A_460, %select_n3A_443 : vector<192x384xi1>, vector<192x384xf32>
    %slice3A_463 = vector.extract_strided_slice %get3A_102 {offsets = [2, 1], sizes = [192, 384], strides = [1, 1]} : vector<388x416xf32> to vector<192x384xf32>
    %select_n3A_464 = arith.select %lt3A_461, %slice3A_463, %select_n3A_445 : vector<192x384xi1>, vector<192x384xf32>
    %slice3A_465 = vector.extract_strided_slice %get3A_108 {offsets = [2, 1], sizes = [192, 384], strides = [1, 1]} : vector<388x416xf32> to vector<192x384xf32>
    %select_n3A_466 = arith.select %lt3A_461, %slice3A_465, %select_n3A_447 : vector<192x384xi1>, vector<192x384xf32>
    %select_n3A_467 = arith.select %lt3A_461, %slice3A_452, %select_n3A_448 : vector<192x384xi1>, vector<192x384xf32>
    %slice3A_468 = vector.extract_strided_slice %get3A_120 {offsets = [2, 1], sizes = [192, 384], strides = [1, 1]} : vector<388x416xf32> to vector<192x384xf32>
    %select_n3A_469 = arith.select %lt3A_461, %slice3A_468, %select_n3A_450 : vector<192x384xi1>, vector<192x384xf32>
    %slice3A_470 = vector.extract_strided_slice %select_n3A_333 {offsets = [0, 2], sizes = [192, 384], strides = [1, 1]} : vector<194x400xi32> to vector<192x384xi32>
    %slice3A_471 = vector.extract_strided_slice %get3A_114 {offsets = [1, 3], sizes = [192, 384], strides = [1, 1]} : vector<388x416xf32> to vector<192x384xf32>
    %eq3A_472 = arith.constant 6 : i32
    %eq3A_473 = vector.broadcast %eq3A_472 : i32 to vector<192x384xi32>
    %eq3A_474 = arith.cmpi eq, %slice3A_470, %eq3A_473 : vector<192x384xi32>
    %select_n3A_475 = arith.select %eq3A_474, %slice3A_471, %broadcast_in_dim3A_342 : vector<192x384xi1>, vector<192x384xf32>
    %gt3A_476 = arith.constant 0.000000e+00 : f32
    %gt3A_477 = vector.broadcast %gt3A_476 : f32 to vector<192x384xf32>
    %gt3A_478 = arith.cmpf ogt, %select_n3A_475, %gt3A_477 : vector<192x384xf32>
    %select_n3A_479 = arith.select %gt3A_478, %select_n3A_475, %broadcast_in_dim3A_340 : vector<192x384xi1>, vector<192x384xf32>
    %lt3A_480 = arith.cmpf olt, %select_n3A_479, %select_n3A_462 : vector<192x384xf32>
    %select_n3A_481 = arith.select %lt3A_480, %select_n3A_479, %select_n3A_462 : vector<192x384xi1>, vector<192x384xf32>
    %slice3A_482 = vector.extract_strided_slice %get3A_102 {offsets = [1, 3], sizes = [192, 384], strides = [1, 1]} : vector<388x416xf32> to vector<192x384xf32>
    %select_n3A_483 = arith.select %lt3A_480, %slice3A_482, %select_n3A_464 : vector<192x384xi1>, vector<192x384xf32>
    %slice3A_484 = vector.extract_strided_slice %get3A_108 {offsets = [1, 3], sizes = [192, 384], strides = [1, 1]} : vector<388x416xf32> to vector<192x384xf32>
    %select_n3A_485 = arith.select %lt3A_480, %slice3A_484, %select_n3A_466 : vector<192x384xi1>, vector<192x384xf32>
    %select_n3A_486 = arith.select %lt3A_480, %slice3A_471, %select_n3A_467 : vector<192x384xi1>, vector<192x384xf32>
    %slice3A_487 = vector.extract_strided_slice %get3A_120 {offsets = [1, 3], sizes = [192, 384], strides = [1, 1]} : vector<388x416xf32> to vector<192x384xf32>
    %select_n3A_488 = arith.select %lt3A_480, %slice3A_487, %select_n3A_469 : vector<192x384xi1>, vector<192x384xf32>
    %slice3A_489 = vector.extract_strided_slice %select_n3A_333 {offsets = [0, 1], sizes = [192, 384], strides = [1, 1]} : vector<194x400xi32> to vector<192x384xi32>
    %slice3A_490 = vector.extract_strided_slice %get3A_114 {offsets = [1, 2], sizes = [192, 384], strides = [1, 1]} : vector<388x416xf32> to vector<192x384xf32>
    %eq3A_491 = arith.constant 7 : i32
    %eq3A_492 = vector.broadcast %eq3A_491 : i32 to vector<192x384xi32>
    %eq3A_493 = arith.cmpi eq, %slice3A_489, %eq3A_492 : vector<192x384xi32>
    %select_n3A_494 = arith.select %eq3A_493, %slice3A_490, %broadcast_in_dim3A_342 : vector<192x384xi1>, vector<192x384xf32>
    %gt3A_495 = arith.constant 0.000000e+00 : f32
    %gt3A_496 = vector.broadcast %gt3A_495 : f32 to vector<192x384xf32>
    %gt3A_497 = arith.cmpf ogt, %select_n3A_494, %gt3A_496 : vector<192x384xf32>
    %select_n3A_498 = arith.select %gt3A_497, %select_n3A_494, %broadcast_in_dim3A_340 : vector<192x384xi1>, vector<192x384xf32>
    %lt3A_499 = arith.cmpf olt, %select_n3A_498, %select_n3A_481 : vector<192x384xf32>
    %select_n3A_500 = arith.select %lt3A_499, %select_n3A_498, %select_n3A_481 : vector<192x384xi1>, vector<192x384xf32>
    %slice3A_501 = vector.extract_strided_slice %get3A_102 {offsets = [1, 2], sizes = [192, 384], strides = [1, 1]} : vector<388x416xf32> to vector<192x384xf32>
    %select_n3A_502 = arith.select %lt3A_499, %slice3A_501, %select_n3A_483 : vector<192x384xi1>, vector<192x384xf32>
    %slice3A_503 = vector.extract_strided_slice %get3A_108 {offsets = [1, 2], sizes = [192, 384], strides = [1, 1]} : vector<388x416xf32> to vector<192x384xf32>
    %select_n3A_504 = arith.select %lt3A_499, %slice3A_503, %select_n3A_485 : vector<192x384xi1>, vector<192x384xf32>
    %select_n3A_505 = arith.select %lt3A_499, %slice3A_490, %select_n3A_486 : vector<192x384xi1>, vector<192x384xf32>
    %slice3A_506 = vector.extract_strided_slice %get3A_120 {offsets = [1, 2], sizes = [192, 384], strides = [1, 1]} : vector<388x416xf32> to vector<192x384xf32>
    %select_n3A_507 = arith.select %lt3A_499, %slice3A_506, %select_n3A_488 : vector<192x384xi1>, vector<192x384xf32>
    %slice3A_508 = vector.extract_strided_slice %select_n3A_333 {offsets = [0, 0], sizes = [192, 384], strides = [1, 1]} : vector<194x400xi32> to vector<192x384xi32>
    %slice3A_509 = vector.extract_strided_slice %get3A_114 {offsets = [1, 1], sizes = [192, 384], strides = [1, 1]} : vector<388x416xf32> to vector<192x384xf32>
    %eq3A_510 = arith.constant 8 : i32
    %eq3A_511 = vector.broadcast %eq3A_510 : i32 to vector<192x384xi32>
    %eq3A_512 = arith.cmpi eq, %slice3A_508, %eq3A_511 : vector<192x384xi32>
    %select_n3A_513 = arith.select %eq3A_512, %slice3A_509, %broadcast_in_dim3A_342 : vector<192x384xi1>, vector<192x384xf32>
    %gt3A_514 = arith.constant 0.000000e+00 : f32
    %gt3A_515 = vector.broadcast %gt3A_514 : f32 to vector<192x384xf32>
    %gt3A_516 = arith.cmpf ogt, %select_n3A_513, %gt3A_515 : vector<192x384xf32>
    %select_n3A_517 = arith.select %gt3A_516, %select_n3A_513, %broadcast_in_dim3A_340 : vector<192x384xi1>, vector<192x384xf32>
    %lt3A_518 = arith.cmpf olt, %select_n3A_517, %select_n3A_500 : vector<192x384xf32>
    %slice3A_519 = vector.extract_strided_slice %get3A_102 {offsets = [1, 1], sizes = [192, 384], strides = [1, 1]} : vector<388x416xf32> to vector<192x384xf32>
    %select_n3A_520 = arith.select %lt3A_518, %slice3A_519, %select_n3A_502 : vector<192x384xi1>, vector<192x384xf32>
    %slice3A_521 = vector.extract_strided_slice %get3A_108 {offsets = [1, 1], sizes = [192, 384], strides = [1, 1]} : vector<388x416xf32> to vector<192x384xf32>
    %select_n3A_522 = arith.select %lt3A_518, %slice3A_521, %select_n3A_504 : vector<192x384xi1>, vector<192x384xf32>
    %select_n3A_523 = arith.select %lt3A_518, %slice3A_509, %select_n3A_505 : vector<192x384xi1>, vector<192x384xf32>
    %slice3A_524 = vector.extract_strided_slice %get3A_120 {offsets = [1, 1], sizes = [192, 384], strides = [1, 1]} : vector<388x416xf32> to vector<192x384xf32>
    %select_n3A_525 = arith.select %lt3A_518, %slice3A_524, %select_n3A_507 : vector<192x384xi1>, vector<192x384xf32>
    %swap3A = arith.constant 0 : index
    %swap3A_526 = arith.constant 0 : index
    %swap3A_527 = arith.constant 0 : index
    %swap3A_528 = arith.constant 0 : index
    %swap3A_529 = vector.load %arg2[%swap3A, %swap3A_526, %swap3A_527, %swap3A_528] : memref<2x4x192x384xf32, #tpu.memory_space<vmem>>, vector<1x1x192x384xf32>
    %swap3A_530 = vector.shape_cast %swap3A_529 : vector<1x1x192x384xf32> to vector<192x384xf32>
    %swap3A_531 = vector.shape_cast %select_n3A_520 : vector<192x384xf32> to vector<1x1x192x384xf32>
    tpu.vector_store %arg2[%swap3A, %swap3A_526, %swap3A_527, %swap3A_528], %swap3A_531 {strides = array<i32>} : memref<2x4x192x384xf32, #tpu.memory_space<vmem>>, vector<1x1x192x384xf32>,
    %swap3A_532 = arith.constant 0 : index
    %swap3A_533 = arith.constant 1 : index
    %swap3A_534 = arith.constant 0 : index
    %swap3A_535 = arith.constant 0 : index
    %swap3A_536 = vector.load %arg2[%swap3A_532, %swap3A_533, %swap3A_534, %swap3A_535] : memref<2x4x192x384xf32, #tpu.memory_space<vmem>>, vector<1x1x192x384xf32>
    %swap3A_537 = vector.shape_cast %swap3A_536 : vector<1x1x192x384xf32> to vector<192x384xf32>
    %swap3A_538 = vector.shape_cast %select_n3A_522 : vector<192x384xf32> to vector<1x1x192x384xf32>
    tpu.vector_store %arg2[%swap3A_532, %swap3A_533, %swap3A_534, %swap3A_535], %swap3A_538 {strides = array<i32>} : memref<2x4x192x384xf32, #tpu.memory_space<vmem>>, vector<1x1x192x384xf32>,
    %swap3A_539 = arith.constant 0 : index
    %swap3A_540 = arith.constant 2 : index
    %swap3A_541 = arith.constant 0 : index
    %swap3A_542 = arith.constant 0 : index
    %swap3A_543 = vector.load %arg2[%swap3A_539, %swap3A_540, %swap3A_541, %swap3A_542] : memref<2x4x192x384xf32, #tpu.memory_space<vmem>>, vector<1x1x192x384xf32>
    %swap3A_544 = vector.shape_cast %swap3A_543 : vector<1x1x192x384xf32> to vector<192x384xf32>
    %swap3A_545 = vector.shape_cast %select_n3A_523 : vector<192x384xf32> to vector<1x1x192x384xf32>
    tpu.vector_store %arg2[%swap3A_539, %swap3A_540, %swap3A_541, %swap3A_542], %swap3A_545 {strides = array<i32>} : memref<2x4x192x384xf32, #tpu.memory_space<vmem>>, vector<1x1x192x384xf32>,
    %swap3A_546 = arith.constant 0 : index
    %swap3A_547 = arith.constant 3 : index
    %swap3A_548 = arith.constant 0 : index
    %swap3A_549 = arith.constant 0 : index
    %swap3A_550 = vector.load %arg2[%swap3A_546, %swap3A_547, %swap3A_548, %swap3A_549] : memref<2x4x192x384xf32, #tpu.memory_space<vmem>>, vector<1x1x192x384xf32>
    %swap3A_551 = vector.shape_cast %swap3A_550 : vector<1x1x192x384xf32> to vector<192x384xf32>
    %swap3A_552 = vector.shape_cast %select_n3A_525 : vector<192x384xf32> to vector<1x1x192x384xf32>
    tpu.vector_store %arg2[%swap3A_546, %swap3A_547, %swap3A_548, %swap3A_549], %swap3A_552 {strides = array<i32>} : memref<2x4x192x384xf32, #tpu.memory_space<vmem>>, vector<1x1x192x384xf32>,
    %get3A_553 = arith.constant 1 : index
    %get3A_554 = arith.constant 0 : index
    %get3A_555 = arith.constant 0 : index
    %get3A_556 = arith.constant 0 : index
    %get3A_557 = vector.load %arg0[%get3A_553, %get3A_554, %get3A_555, %get3A_556] : memref<2x4x388x416xf32, #tpu.memory_space<vmem>>, vector<1x1x388x416xf32>
    %get3A_558 = vector.shape_cast %get3A_557 : vector<1x1x388x416xf32> to vector<388x416xf32>
    %get3A_559 = arith.constant 1 : index
    %get3A_560 = arith.constant 1 : index
    %get3A_561 = arith.constant 0 : index
    %get3A_562 = arith.constant 0 : index
    %get3A_563 = vector.load %arg0[%get3A_559, %get3A_560, %get3A_561, %get3A_562] : memref<2x4x388x416xf32, #tpu.memory_space<vmem>>, vector<1x1x388x416xf32>
    %get3A_564 = vector.shape_cast %get3A_563 : vector<1x1x388x416xf32> to vector<388x416xf32>
    %get3A_565 = arith.constant 1 : index
    %get3A_566 = arith.constant 2 : index
    %get3A_567 = arith.constant 0 : index
    %get3A_568 = arith.constant 0 : index
    %get3A_569 = vector.load %arg0[%get3A_565, %get3A_566, %get3A_567, %get3A_568] : memref<2x4x388x416xf32, #tpu.memory_space<vmem>>, vector<1x1x388x416xf32>
    %get3A_570 = vector.shape_cast %get3A_569 : vector<1x1x388x416xf32> to vector<388x416xf32>
    %get3A_571 = arith.constant 1 : index
    %get3A_572 = arith.constant 3 : index
    %get3A_573 = arith.constant 0 : index
    %get3A_574 = arith.constant 0 : index
    %get3A_575 = vector.load %arg0[%get3A_571, %get3A_572, %get3A_573, %get3A_574] : memref<2x4x388x416xf32, #tpu.memory_space<vmem>>, vector<1x1x388x416xf32>
    %get3A_576 = vector.shape_cast %get3A_575 : vector<1x1x388x416xf32> to vector<388x416xf32>
    %slice3A_577 = vector.extract_strided_slice %get3A_558 {offsets = [1, 1], sizes = [194, 400], strides = [1, 1]} : vector<388x416xf32> to vector<194x400xf32>
    %slice3A_578 = vector.extract_strided_slice %get3A_564 {offsets = [1, 1], sizes = [194, 400], strides = [1, 1]} : vector<388x416xf32> to vector<194x400xf32>
    %slice3A_579 = vector.extract_strided_slice %get3A_570 {offsets = [1, 1], sizes = [194, 400], strides = [1, 1]} : vector<388x416xf32> to vector<194x400xf32>
    %slice3A_580 = vector.extract_strided_slice %get3A_576 {offsets = [1, 1], sizes = [194, 400], strides = [1, 1]} : vector<388x416xf32> to vector<194x400xf32>
    %slice3A_581 = vector.extract_strided_slice %get3A_570 {offsets = [0, 0], sizes = [194, 400], strides = [1, 1]} : vector<388x416xf32> to vector<194x400xf32>
    %add3A_582 = vector.broadcast %get3A_18 : f32 to vector<194x400xf32>
    %add3A_583 = arith.addf %add3A_82, %add3A_582 : vector<194x400xf32>
    %add3A_584 = vector.broadcast %get3A_36 : f32 to vector<194x400xf32>
    %add3A_585 = arith.addf %add3A_89, %add3A_584 : vector<194x400xf32>
    %add3A_586 = vector.broadcast %get3A_54 : f32 to vector<194x400xf32>
    %add3A_587 = arith.addf %add3A_96, %add3A_586 : vector<194x400xf32>
    %mul3A_588 = arith.mulf %add3A_583, %slice3A_581 : vector<194x400xf32>
    %sub3A_589 = arith.subf %mul3A_588, %slice3A_577 : vector<194x400xf32>
    %mul3A_590 = arith.mulf %add3A_585, %slice3A_581 : vector<194x400xf32>
    %sub3A_591 = arith.subf %mul3A_590, %slice3A_578 : vector<194x400xf32>
    %mul3A_592 = arith.mulf %add3A_587, %slice3A_581 : vector<194x400xf32>
    %sub3A_593 = arith.subf %mul3A_592, %slice3A_579 : vector<194x400xf32>
    %mul3A_594 = arith.mulf %sub3A_589, %sub3A_589 : vector<194x400xf32>
    %mul3A_595 = arith.mulf %sub3A_591, %sub3A_591 : vector<194x400xf32>
    %add3A_596 = arith.addf %mul3A_594, %mul3A_595 : vector<194x400xf32>
    %mul3A_597 = arith.mulf %sub3A_593, %sub3A_593 : vector<194x400xf32>
    %add3A_598 = arith.addf %add3A_596, %mul3A_597 : vector<194x400xf32>
    %broadcast_in_dim3A_599 = arith.constant 0 : i32
    %broadcast_in_dim3A_600 = vector.broadcast %broadcast_in_dim3A_599 : i32 to vector<194x400xi32>
    %slice3A_601 = vector.extract_strided_slice %get3A_570 {offsets = [0, 1], sizes = [194, 400], strides = [1, 1]} : vector<388x416xf32> to vector<194x400xf32>
    %add3A_602 = vector.broadcast %get3A_20 : f32 to vector<194x400xf32>
    %add3A_603 = arith.addf %add3A_82, %add3A_602 : vector<194x400xf32>
    %add3A_604 = vector.broadcast %get3A_38 : f32 to vector<194x400xf32>
    %add3A_605 = arith.addf %add3A_89, %add3A_604 : vector<194x400xf32>
    %add3A_606 = vector.broadcast %get3A_56 : f32 to vector<194x400xf32>
    %add3A_607 = arith.addf %add3A_96, %add3A_606 : vector<194x400xf32>
    %mul3A_608 = arith.mulf %add3A_603, %slice3A_601 : vector<194x400xf32>
    %sub3A_609 = arith.subf %mul3A_608, %slice3A_577 : vector<194x400xf32>
    %mul3A_610 = arith.mulf %add3A_605, %slice3A_601 : vector<194x400xf32>
    %sub3A_611 = arith.subf %mul3A_610, %slice3A_578 : vector<194x400xf32>
    %mul3A_612 = arith.mulf %add3A_607, %slice3A_601 : vector<194x400xf32>
    %sub3A_613 = arith.subf %mul3A_612, %slice3A_579 : vector<194x400xf32>
    %mul3A_614 = arith.mulf %sub3A_609, %sub3A_609 : vector<194x400xf32>
    %mul3A_615 = arith.mulf %sub3A_611, %sub3A_611 : vector<194x400xf32>
    %add3A_616 = arith.addf %mul3A_614, %mul3A_615 : vector<194x400xf32>
    %mul3A_617 = arith.mulf %sub3A_613, %sub3A_613 : vector<194x400xf32>
    %add3A_618 = arith.addf %add3A_616, %mul3A_617 : vector<194x400xf32>
    %broadcast_in_dim3A_619 = arith.constant 1 : i32
    %broadcast_in_dim3A_620 = vector.broadcast %broadcast_in_dim3A_619 : i32 to vector<194x400xi32>
    %slice3A_621 = vector.extract_strided_slice %get3A_570 {offsets = [0, 2], sizes = [194, 400], strides = [1, 1]} : vector<388x416xf32> to vector<194x400xf32>
    %add3A_622 = vector.broadcast %get3A_22 : f32 to vector<194x400xf32>
    %add3A_623 = arith.addf %add3A_82, %add3A_622 : vector<194x400xf32>
    %add3A_624 = vector.broadcast %get3A_40 : f32 to vector<194x400xf32>
    %add3A_625 = arith.addf %add3A_89, %add3A_624 : vector<194x400xf32>
    %add3A_626 = vector.broadcast %get3A_58 : f32 to vector<194x400xf32>
    %add3A_627 = arith.addf %add3A_96, %add3A_626 : vector<194x400xf32>
    %mul3A_628 = arith.mulf %add3A_623, %slice3A_621 : vector<194x400xf32>
    %sub3A_629 = arith.subf %mul3A_628, %slice3A_577 : vector<194x400xf32>
    %mul3A_630 = arith.mulf %add3A_625, %slice3A_621 : vector<194x400xf32>
    %sub3A_631 = arith.subf %mul3A_630, %slice3A_578 : vector<194x400xf32>
    %mul3A_632 = arith.mulf %add3A_627, %slice3A_621 : vector<194x400xf32>
    %sub3A_633 = arith.subf %mul3A_632, %slice3A_579 : vector<194x400xf32>
    %mul3A_634 = arith.mulf %sub3A_629, %sub3A_629 : vector<194x400xf32>
    %mul3A_635 = arith.mulf %sub3A_631, %sub3A_631 : vector<194x400xf32>
    %add3A_636 = arith.addf %mul3A_634, %mul3A_635 : vector<194x400xf32>
    %mul3A_637 = arith.mulf %sub3A_633, %sub3A_633 : vector<194x400xf32>
    %add3A_638 = arith.addf %add3A_636, %mul3A_637 : vector<194x400xf32>
    %broadcast_in_dim3A_639 = arith.constant 2 : i32
    %broadcast_in_dim3A_640 = vector.broadcast %broadcast_in_dim3A_639 : i32 to vector<194x400xi32>
    %slice3A_641 = vector.extract_strided_slice %get3A_570 {offsets = [1, 0], sizes = [194, 400], strides = [1, 1]} : vector<388x416xf32> to vector<194x400xf32>
    %add3A_642 = vector.broadcast %get3A_24 : f32 to vector<194x400xf32>
    %add3A_643 = arith.addf %add3A_82, %add3A_642 : vector<194x400xf32>
    %add3A_644 = vector.broadcast %get3A_42 : f32 to vector<194x400xf32>
    %add3A_645 = arith.addf %add3A_89, %add3A_644 : vector<194x400xf32>
    %add3A_646 = vector.broadcast %get3A_60 : f32 to vector<194x400xf32>
    %add3A_647 = arith.addf %add3A_96, %add3A_646 : vector<194x400xf32>
    %mul3A_648 = arith.mulf %add3A_643, %slice3A_641 : vector<194x400xf32>
    %sub3A_649 = arith.subf %mul3A_648, %slice3A_577 : vector<194x400xf32>
    %mul3A_650 = arith.mulf %add3A_645, %slice3A_641 : vector<194x400xf32>
    %sub3A_651 = arith.subf %mul3A_650, %slice3A_578 : vector<194x400xf32>
    %mul3A_652 = arith.mulf %add3A_647, %slice3A_641 : vector<194x400xf32>
    %sub3A_653 = arith.subf %mul3A_652, %slice3A_579 : vector<194x400xf32>
    %mul3A_654 = arith.mulf %sub3A_649, %sub3A_649 : vector<194x400xf32>
    %mul3A_655 = arith.mulf %sub3A_651, %sub3A_651 : vector<194x400xf32>
    %add3A_656 = arith.addf %mul3A_654, %mul3A_655 : vector<194x400xf32>
    %mul3A_657 = arith.mulf %sub3A_653, %sub3A_653 : vector<194x400xf32>
    %add3A_658 = arith.addf %add3A_656, %mul3A_657 : vector<194x400xf32>
    %broadcast_in_dim3A_659 = arith.constant 3 : i32
    %broadcast_in_dim3A_660 = vector.broadcast %broadcast_in_dim3A_659 : i32 to vector<194x400xi32>
    %slice3A_661 = vector.extract_strided_slice %get3A_570 {offsets = [1, 1], sizes = [194, 400], strides = [1, 1]} : vector<388x416xf32> to vector<194x400xf32>
    %add3A_662 = vector.broadcast %get3A_26 : f32 to vector<194x400xf32>
    %add3A_663 = arith.addf %add3A_82, %add3A_662 : vector<194x400xf32>
    %add3A_664 = vector.broadcast %get3A_44 : f32 to vector<194x400xf32>
    %add3A_665 = arith.addf %add3A_89, %add3A_664 : vector<194x400xf32>
    %add3A_666 = vector.broadcast %get3A_62 : f32 to vector<194x400xf32>
    %add3A_667 = arith.addf %add3A_96, %add3A_666 : vector<194x400xf32>
    %mul3A_668 = arith.mulf %add3A_663, %slice3A_661 : vector<194x400xf32>
    %sub3A_669 = arith.subf %mul3A_668, %slice3A_577 : vector<194x400xf32>
    %mul3A_670 = arith.mulf %add3A_665, %slice3A_661 : vector<194x400xf32>
    %sub3A_671 = arith.subf %mul3A_670, %slice3A_578 : vector<194x400xf32>
    %mul3A_672 = arith.mulf %add3A_667, %slice3A_661 : vector<194x400xf32>
    %sub3A_673 = arith.subf %mul3A_672, %slice3A_579 : vector<194x400xf32>
    %mul3A_674 = arith.mulf %sub3A_669, %sub3A_669 : vector<194x400xf32>
    %mul3A_675 = arith.mulf %sub3A_671, %sub3A_671 : vector<194x400xf32>
    %add3A_676 = arith.addf %mul3A_674, %mul3A_675 : vector<194x400xf32>
    %mul3A_677 = arith.mulf %sub3A_673, %sub3A_673 : vector<194x400xf32>
    %add3A_678 = arith.addf %add3A_676, %mul3A_677 : vector<194x400xf32>
    %broadcast_in_dim3A_679 = arith.constant 4 : i32
    %broadcast_in_dim3A_680 = vector.broadcast %broadcast_in_dim3A_679 : i32 to vector<194x400xi32>
    %slice3A_681 = vector.extract_strided_slice %get3A_570 {offsets = [1, 2], sizes = [194, 400], strides = [1, 1]} : vector<388x416xf32> to vector<194x400xf32>
    %add3A_682 = vector.broadcast %get3A_28 : f32 to vector<194x400xf32>
    %add3A_683 = arith.addf %add3A_82, %add3A_682 : vector<194x400xf32>
    %add3A_684 = vector.broadcast %get3A_46 : f32 to vector<194x400xf32>
    %add3A_685 = arith.addf %add3A_89, %add3A_684 : vector<194x400xf32>
    %add3A_686 = vector.broadcast %get3A_64 : f32 to vector<194x400xf32>
    %add3A_687 = arith.addf %add3A_96, %add3A_686 : vector<194x400xf32>
    %mul3A_688 = arith.mulf %add3A_683, %slice3A_681 : vector<194x400xf32>
    %sub3A_689 = arith.subf %mul3A_688, %slice3A_577 : vector<194x400xf32>
    %mul3A_690 = arith.mulf %add3A_685, %slice3A_681 : vector<194x400xf32>
    %sub3A_691 = arith.subf %mul3A_690, %slice3A_578 : vector<194x400xf32>
    %mul3A_692 = arith.mulf %add3A_687, %slice3A_681 : vector<194x400xf32>
    %sub3A_693 = arith.subf %mul3A_692, %slice3A_579 : vector<194x400xf32>
    %mul3A_694 = arith.mulf %sub3A_689, %sub3A_689 : vector<194x400xf32>
    %mul3A_695 = arith.mulf %sub3A_691, %sub3A_691 : vector<194x400xf32>
    %add3A_696 = arith.addf %mul3A_694, %mul3A_695 : vector<194x400xf32>
    %mul3A_697 = arith.mulf %sub3A_693, %sub3A_693 : vector<194x400xf32>
    %add3A_698 = arith.addf %add3A_696, %mul3A_697 : vector<194x400xf32>
    %broadcast_in_dim3A_699 = arith.constant 5 : i32
    %broadcast_in_dim3A_700 = vector.broadcast %broadcast_in_dim3A_699 : i32 to vector<194x400xi32>
    %slice3A_701 = vector.extract_strided_slice %get3A_570 {offsets = [2, 0], sizes = [194, 400], strides = [1, 1]} : vector<388x416xf32> to vector<194x400xf32>
    %add3A_702 = vector.broadcast %get3A_30 : f32 to vector<194x400xf32>
    %add3A_703 = arith.addf %add3A_82, %add3A_702 : vector<194x400xf32>
    %add3A_704 = vector.broadcast %get3A_48 : f32 to vector<194x400xf32>
    %add3A_705 = arith.addf %add3A_89, %add3A_704 : vector<194x400xf32>
    %add3A_706 = vector.broadcast %get3A_66 : f32 to vector<194x400xf32>
    %add3A_707 = arith.addf %add3A_96, %add3A_706 : vector<194x400xf32>
    %mul3A_708 = arith.mulf %add3A_703, %slice3A_701 : vector<194x400xf32>
    %sub3A_709 = arith.subf %mul3A_708, %slice3A_577 : vector<194x400xf32>
    %mul3A_710 = arith.mulf %add3A_705, %slice3A_701 : vector<194x400xf32>
    %sub3A_711 = arith.subf %mul3A_710, %slice3A_578 : vector<194x400xf32>
    %mul3A_712 = arith.mulf %add3A_707, %slice3A_701 : vector<194x400xf32>
    %sub3A_713 = arith.subf %mul3A_712, %slice3A_579 : vector<194x400xf32>
    %mul3A_714 = arith.mulf %sub3A_709, %sub3A_709 : vector<194x400xf32>
    %mul3A_715 = arith.mulf %sub3A_711, %sub3A_711 : vector<194x400xf32>
    %add3A_716 = arith.addf %mul3A_714, %mul3A_715 : vector<194x400xf32>
    %mul3A_717 = arith.mulf %sub3A_713, %sub3A_713 : vector<194x400xf32>
    %add3A_718 = arith.addf %add3A_716, %mul3A_717 : vector<194x400xf32>
    %broadcast_in_dim3A_719 = arith.constant 6 : i32
    %broadcast_in_dim3A_720 = vector.broadcast %broadcast_in_dim3A_719 : i32 to vector<194x400xi32>
    %slice3A_721 = vector.extract_strided_slice %get3A_570 {offsets = [2, 1], sizes = [194, 400], strides = [1, 1]} : vector<388x416xf32> to vector<194x400xf32>
    %add3A_722 = vector.broadcast %get3A_32 : f32 to vector<194x400xf32>
    %add3A_723 = arith.addf %add3A_82, %add3A_722 : vector<194x400xf32>
    %add3A_724 = vector.broadcast %get3A_50 : f32 to vector<194x400xf32>
    %add3A_725 = arith.addf %add3A_89, %add3A_724 : vector<194x400xf32>
    %add3A_726 = vector.broadcast %get3A_68 : f32 to vector<194x400xf32>
    %add3A_727 = arith.addf %add3A_96, %add3A_726 : vector<194x400xf32>
    %mul3A_728 = arith.mulf %add3A_723, %slice3A_721 : vector<194x400xf32>
    %sub3A_729 = arith.subf %mul3A_728, %slice3A_577 : vector<194x400xf32>
    %mul3A_730 = arith.mulf %add3A_725, %slice3A_721 : vector<194x400xf32>
    %sub3A_731 = arith.subf %mul3A_730, %slice3A_578 : vector<194x400xf32>
    %mul3A_732 = arith.mulf %add3A_727, %slice3A_721 : vector<194x400xf32>
    %sub3A_733 = arith.subf %mul3A_732, %slice3A_579 : vector<194x400xf32>
    %mul3A_734 = arith.mulf %sub3A_729, %sub3A_729 : vector<194x400xf32>
    %mul3A_735 = arith.mulf %sub3A_731, %sub3A_731 : vector<194x400xf32>
    %add3A_736 = arith.addf %mul3A_734, %mul3A_735 : vector<194x400xf32>
    %mul3A_737 = arith.mulf %sub3A_733, %sub3A_733 : vector<194x400xf32>
    %add3A_738 = arith.addf %add3A_736, %mul3A_737 : vector<194x400xf32>
    %broadcast_in_dim3A_739 = arith.constant 7 : i32
    %broadcast_in_dim3A_740 = vector.broadcast %broadcast_in_dim3A_739 : i32 to vector<194x400xi32>
    %slice3A_741 = vector.extract_strided_slice %get3A_570 {offsets = [2, 2], sizes = [194, 400], strides = [1, 1]} : vector<388x416xf32> to vector<194x400xf32>
    %add3A_742 = vector.broadcast %get3A_34 : f32 to vector<194x400xf32>
    %add3A_743 = arith.addf %add3A_82, %add3A_742 : vector<194x400xf32>
    %add3A_744 = vector.broadcast %get3A_52 : f32 to vector<194x400xf32>
    %add3A_745 = arith.addf %add3A_89, %add3A_744 : vector<194x400xf32>
    %add3A_746 = vector.broadcast %get3A_70 : f32 to vector<194x400xf32>
    %add3A_747 = arith.addf %add3A_96, %add3A_746 : vector<194x400xf32>
    %mul3A_748 = arith.mulf %add3A_743, %slice3A_741 : vector<194x400xf32>
    %sub3A_749 = arith.subf %mul3A_748, %slice3A_577 : vector<194x400xf32>
    %mul3A_750 = arith.mulf %add3A_745, %slice3A_741 : vector<194x400xf32>
    %sub3A_751 = arith.subf %mul3A_750, %slice3A_578 : vector<194x400xf32>
    %mul3A_752 = arith.mulf %add3A_747, %slice3A_741 : vector<194x400xf32>
    %sub3A_753 = arith.subf %mul3A_752, %slice3A_579 : vector<194x400xf32>
    %mul3A_754 = arith.mulf %sub3A_749, %sub3A_749 : vector<194x400xf32>
    %mul3A_755 = arith.mulf %sub3A_751, %sub3A_751 : vector<194x400xf32>
    %add3A_756 = arith.addf %mul3A_754, %mul3A_755 : vector<194x400xf32>
    %mul3A_757 = arith.mulf %sub3A_753, %sub3A_753 : vector<194x400xf32>
    %add3A_758 = arith.addf %add3A_756, %mul3A_757 : vector<194x400xf32>
    %broadcast_in_dim3A_759 = arith.constant 8 : i32
    %broadcast_in_dim3A_760 = vector.broadcast %broadcast_in_dim3A_759 : i32 to vector<194x400xi32>
    %lt3A_761 = arith.cmpf olt, %add3A_618, %add3A_598 : vector<194x400xf32>
    %select_n3A_762 = arith.select %lt3A_761, %add3A_618, %add3A_598 : vector<194x400xi1>, vector<194x400xf32>
    %select_n3A_763 = arith.select %lt3A_761, %broadcast_in_dim3A_620, %broadcast_in_dim3A_600 : vector<194x400xi1>, vector<194x400xi32>
    %lt3A_764 = arith.cmpf olt, %add3A_658, %add3A_638 : vector<194x400xf32>
    %select_n3A_765 = arith.select %lt3A_764, %add3A_658, %add3A_638 : vector<194x400xi1>, vector<194x400xf32>
    %select_n3A_766 = arith.select %lt3A_764, %broadcast_in_dim3A_660, %broadcast_in_dim3A_640 : vector<194x400xi1>, vector<194x400xi32>
    %lt3A_767 = arith.cmpf olt, %add3A_698, %add3A_678 : vector<194x400xf32>
    %select_n3A_768 = arith.select %lt3A_767, %add3A_698, %add3A_678 : vector<194x400xi1>, vector<194x400xf32>
    %select_n3A_769 = arith.select %lt3A_767, %broadcast_in_dim3A_700, %broadcast_in_dim3A_680 : vector<194x400xi1>, vector<194x400xi32>
    %lt3A_770 = arith.cmpf olt, %add3A_738, %add3A_718 : vector<194x400xf32>
    %select_n3A_771 = arith.select %lt3A_770, %add3A_738, %add3A_718 : vector<194x400xi1>, vector<194x400xf32>
    %select_n3A_772 = arith.select %lt3A_770, %broadcast_in_dim3A_740, %broadcast_in_dim3A_720 : vector<194x400xi1>, vector<194x400xi32>
    %lt3A_773 = arith.cmpf olt, %select_n3A_765, %select_n3A_762 : vector<194x400xf32>
    %select_n3A_774 = arith.select %lt3A_773, %select_n3A_765, %select_n3A_762 : vector<194x400xi1>, vector<194x400xf32>
    %select_n3A_775 = arith.select %lt3A_773, %select_n3A_766, %select_n3A_763 : vector<194x400xi1>, vector<194x400xi32>
    %lt3A_776 = arith.cmpf olt, %select_n3A_771, %select_n3A_768 : vector<194x400xf32>
    %select_n3A_777 = arith.select %lt3A_776, %select_n3A_771, %select_n3A_768 : vector<194x400xi1>, vector<194x400xf32>
    %select_n3A_778 = arith.select %lt3A_776, %select_n3A_772, %select_n3A_769 : vector<194x400xi1>, vector<194x400xi32>
    %lt3A_779 = arith.cmpf olt, %select_n3A_777, %select_n3A_774 : vector<194x400xf32>
    %select_n3A_780 = arith.select %lt3A_779, %select_n3A_777, %select_n3A_774 : vector<194x400xi1>, vector<194x400xf32>
    %select_n3A_781 = arith.select %lt3A_779, %select_n3A_778, %select_n3A_775 : vector<194x400xi1>, vector<194x400xi32>
    %lt3A_782 = arith.cmpf olt, %add3A_758, %select_n3A_780 : vector<194x400xf32>
    %select_n3A_783 = arith.select %lt3A_782, %broadcast_in_dim3A_760, %select_n3A_781 : vector<194x400xi1>, vector<194x400xi32>
    %gt3A_784 = arith.constant 5.000000e-01 : f32
    %gt3A_785 = vector.broadcast %gt3A_784 : f32 to vector<194x400xf32>
    %gt3A_786 = arith.cmpf ogt, %slice3A_580, %gt3A_785 : vector<194x400xf32>
    %gt3A_787 = arith.constant 0.000000e+00 : f32
    %gt3A_788 = vector.broadcast %gt3A_787 : f32 to vector<194x400xf32>
    %gt3A_789 = arith.cmpf ogt, %slice3A_579, %gt3A_788 : vector<194x400xf32>
    %jit3A_790 = arith.constant 4 : i32
    %broadcast_in_dim3A_791 = vector.broadcast %jit3A_790 : i32 to vector<194x400xi32>
    %select_n3A_792 = arith.select %gt3A_789, %select_n3A_783, %broadcast_in_dim3A_791 : vector<194x400xi1>, vector<194x400xi32>
    %jit3A_793 = arith.constant 9 : i32
    %broadcast_in_dim3A_794 = vector.broadcast %jit3A_793 : i32 to vector<194x400xi32>
    %select_n3A_795 = arith.select %gt3A_786, %select_n3A_792, %broadcast_in_dim3A_794 : vector<194x400xi1>, vector<194x400xi32>
    %and3A_796 = arith.andi %gt3A_786, %gt3A_789 : vector<194x400xi1>
    %jit3A_797 = arith.constant 4 : i32
    %broadcast_in_dim3A_798 = vector.broadcast %jit3A_797 : i32 to vector<194x400xi32>
    %select_n3A_799 = arith.select %and3A_796, %select_n3A_783, %broadcast_in_dim3A_798 : vector<194x400xi1>, vector<194x400xi32>
    %slice3A_800 = vector.extract_strided_slice %select_n3A_795 {offsets = [1, 1], sizes = [192, 384], strides = [1, 1]} : vector<194x400xi32> to vector<192x384xi32>
    %slice3A_801 = vector.extract_strided_slice %select_n3A_799 {offsets = [1, 1], sizes = [192, 384], strides = [1, 1]} : vector<194x400xi32> to vector<192x384xi32>
    %broadcast_in_dim3A_802 = arith.constant 1.000000e+10 : f32
    %broadcast_in_dim3A_803 = vector.broadcast %broadcast_in_dim3A_802 : f32 to vector<192x384xf32>
    %broadcast_in_dim3A_804 = arith.constant 0.000000e+00 : f32
    %broadcast_in_dim3A_805 = vector.broadcast %broadcast_in_dim3A_804 : f32 to vector<192x384xf32>
    %eq3A_806 = arith.constant 4 : i32
    %eq3A_807 = vector.broadcast %eq3A_806 : i32 to vector<192x384xi32>
    %eq3A_808 = arith.cmpi eq, %slice3A_800, %eq3A_807 : vector<192x384xi32>
    %slice3A_809 = vector.extract_strided_slice %get3A_558 {offsets = [2, 2], sizes = [192, 384], strides = [1, 1]} : vector<388x416xf32> to vector<192x384xf32>
    %select_n3A_810 = arith.select %eq3A_808, %slice3A_809, %broadcast_in_dim3A_805 : vector<192x384xi1>, vector<192x384xf32>
    %slice3A_811 = vector.extract_strided_slice %get3A_564 {offsets = [2, 2], sizes = [192, 384], strides = [1, 1]} : vector<388x416xf32> to vector<192x384xf32>
    %select_n3A_812 = arith.select %eq3A_808, %slice3A_811, %broadcast_in_dim3A_805 : vector<192x384xi1>, vector<192x384xf32>
    %slice3A_813 = vector.extract_strided_slice %get3A_570 {offsets = [2, 2], sizes = [192, 384], strides = [1, 1]} : vector<388x416xf32> to vector<192x384xf32>
    %select_n3A_814 = arith.select %eq3A_808, %slice3A_813, %broadcast_in_dim3A_805 : vector<192x384xi1>, vector<192x384xf32>
    %eq3A_815 = arith.constant 4 : i32
    %eq3A_816 = vector.broadcast %eq3A_815 : i32 to vector<192x384xi32>
    %eq3A_817 = arith.cmpi eq, %slice3A_801, %eq3A_816 : vector<192x384xi32>
    %slice3A_818 = vector.extract_strided_slice %get3A_576 {offsets = [2, 2], sizes = [192, 384], strides = [1, 1]} : vector<388x416xf32> to vector<192x384xf32>
    %select_n3A_819 = arith.select %eq3A_817, %slice3A_818, %broadcast_in_dim3A_805 : vector<192x384xi1>, vector<192x384xf32>
    %slice3A_820 = vector.extract_strided_slice %select_n3A_795 {offsets = [2, 2], sizes = [192, 384], strides = [1, 1]} : vector<194x400xi32> to vector<192x384xi32>
    %slice3A_821 = vector.extract_strided_slice %get3A_570 {offsets = [3, 3], sizes = [192, 384], strides = [1, 1]} : vector<388x416xf32> to vector<192x384xf32>
    %eq3A_822 = arith.constant 0 : i32
    %eq3A_823 = vector.broadcast %eq3A_822 : i32 to vector<192x384xi32>
    %eq3A_824 = arith.cmpi eq, %slice3A_820, %eq3A_823 : vector<192x384xi32>
    %select_n3A_825 = arith.select %eq3A_824, %slice3A_821, %broadcast_in_dim3A_805 : vector<192x384xi1>, vector<192x384xf32>
    %gt3A_826 = arith.constant 0.000000e+00 : f32
    %gt3A_827 = vector.broadcast %gt3A_826 : f32 to vector<192x384xf32>
    %gt3A_828 = arith.cmpf ogt, %select_n3A_825, %gt3A_827 : vector<192x384xf32>
    %select_n3A_829 = arith.select %gt3A_828, %select_n3A_825, %broadcast_in_dim3A_803 : vector<192x384xi1>, vector<192x384xf32>
    %lt3A_830 = arith.cmpf olt, %select_n3A_829, %broadcast_in_dim3A_803 : vector<192x384xf32>
    %select_n3A_831 = arith.select %lt3A_830, %select_n3A_829, %broadcast_in_dim3A_803 : vector<192x384xi1>, vector<192x384xf32>
    %slice3A_832 = vector.extract_strided_slice %get3A_558 {offsets = [3, 3], sizes = [192, 384], strides = [1, 1]} : vector<388x416xf32> to vector<192x384xf32>
    %select_n3A_833 = arith.select %lt3A_830, %slice3A_832, %select_n3A_810 : vector<192x384xi1>, vector<192x384xf32>
    %slice3A_834 = vector.extract_strided_slice %get3A_564 {offsets = [3, 3], sizes = [192, 384], strides = [1, 1]} : vector<388x416xf32> to vector<192x384xf32>
    %select_n3A_835 = arith.select %lt3A_830, %slice3A_834, %select_n3A_812 : vector<192x384xi1>, vector<192x384xf32>
    %select_n3A_836 = arith.select %lt3A_830, %slice3A_821, %select_n3A_814 : vector<192x384xi1>, vector<192x384xf32>
    %slice3A_837 = vector.extract_strided_slice %get3A_576 {offsets = [3, 3], sizes = [192, 384], strides = [1, 1]} : vector<388x416xf32> to vector<192x384xf32>
    %select_n3A_838 = arith.select %lt3A_830, %slice3A_837, %select_n3A_819 : vector<192x384xi1>, vector<192x384xf32>
    %slice3A_839 = vector.extract_strided_slice %select_n3A_795 {offsets = [2, 1], sizes = [192, 384], strides = [1, 1]} : vector<194x400xi32> to vector<192x384xi32>
    %slice3A_840 = vector.extract_strided_slice %get3A_570 {offsets = [3, 2], sizes = [192, 384], strides = [1, 1]} : vector<388x416xf32> to vector<192x384xf32>
    %eq3A_841 = arith.constant 1 : i32
    %eq3A_842 = vector.broadcast %eq3A_841 : i32 to vector<192x384xi32>
    %eq3A_843 = arith.cmpi eq, %slice3A_839, %eq3A_842 : vector<192x384xi32>
    %select_n3A_844 = arith.select %eq3A_843, %slice3A_840, %broadcast_in_dim3A_805 : vector<192x384xi1>, vector<192x384xf32>
    %gt3A_845 = arith.constant 0.000000e+00 : f32
    %gt3A_846 = vector.broadcast %gt3A_845 : f32 to vector<192x384xf32>
    %gt3A_847 = arith.cmpf ogt, %select_n3A_844, %gt3A_846 : vector<192x384xf32>
    %select_n3A_848 = arith.select %gt3A_847, %select_n3A_844, %broadcast_in_dim3A_803 : vector<192x384xi1>, vector<192x384xf32>
    %lt3A_849 = arith.cmpf olt, %select_n3A_848, %select_n3A_831 : vector<192x384xf32>
    %select_n3A_850 = arith.select %lt3A_849, %select_n3A_848, %select_n3A_831 : vector<192x384xi1>, vector<192x384xf32>
    %slice3A_851 = vector.extract_strided_slice %get3A_558 {offsets = [3, 2], sizes = [192, 384], strides = [1, 1]} : vector<388x416xf32> to vector<192x384xf32>
    %select_n3A_852 = arith.select %lt3A_849, %slice3A_851, %select_n3A_833 : vector<192x384xi1>, vector<192x384xf32>
    %slice3A_853 = vector.extract_strided_slice %get3A_564 {offsets = [3, 2], sizes = [192, 384], strides = [1, 1]} : vector<388x416xf32> to vector<192x384xf32>
    %select_n3A_854 = arith.select %lt3A_849, %slice3A_853, %select_n3A_835 : vector<192x384xi1>, vector<192x384xf32>
    %select_n3A_855 = arith.select %lt3A_849, %slice3A_840, %select_n3A_836 : vector<192x384xi1>, vector<192x384xf32>
    %slice3A_856 = vector.extract_strided_slice %get3A_576 {offsets = [3, 2], sizes = [192, 384], strides = [1, 1]} : vector<388x416xf32> to vector<192x384xf32>
    %select_n3A_857 = arith.select %lt3A_849, %slice3A_856, %select_n3A_838 : vector<192x384xi1>, vector<192x384xf32>
    %slice3A_858 = vector.extract_strided_slice %select_n3A_795 {offsets = [2, 0], sizes = [192, 384], strides = [1, 1]} : vector<194x400xi32> to vector<192x384xi32>
    %slice3A_859 = vector.extract_strided_slice %get3A_570 {offsets = [3, 1], sizes = [192, 384], strides = [1, 1]} : vector<388x416xf32> to vector<192x384xf32>
    %eq3A_860 = arith.constant 2 : i32
    %eq3A_861 = vector.broadcast %eq3A_860 : i32 to vector<192x384xi32>
    %eq3A_862 = arith.cmpi eq, %slice3A_858, %eq3A_861 : vector<192x384xi32>
    %select_n3A_863 = arith.select %eq3A_862, %slice3A_859, %broadcast_in_dim3A_805 : vector<192x384xi1>, vector<192x384xf32>
    %gt3A_864 = arith.constant 0.000000e+00 : f32
    %gt3A_865 = vector.broadcast %gt3A_864 : f32 to vector<192x384xf32>
    %gt3A_866 = arith.cmpf ogt, %select_n3A_863, %gt3A_865 : vector<192x384xf32>
    %select_n3A_867 = arith.select %gt3A_866, %select_n3A_863, %broadcast_in_dim3A_803 : vector<192x384xi1>, vector<192x384xf32>
    %lt3A_868 = arith.cmpf olt, %select_n3A_867, %select_n3A_850 : vector<192x384xf32>
    %select_n3A_869 = arith.select %lt3A_868, %select_n3A_867, %select_n3A_850 : vector<192x384xi1>, vector<192x384xf32>
    %slice3A_870 = vector.extract_strided_slice %get3A_558 {offsets = [3, 1], sizes = [192, 384], strides = [1, 1]} : vector<388x416xf32> to vector<192x384xf32>
    %select_n3A_871 = arith.select %lt3A_868, %slice3A_870, %select_n3A_852 : vector<192x384xi1>, vector<192x384xf32>
    %slice3A_872 = vector.extract_strided_slice %get3A_564 {offsets = [3, 1], sizes = [192, 384], strides = [1, 1]} : vector<388x416xf32> to vector<192x384xf32>
    %select_n3A_873 = arith.select %lt3A_868, %slice3A_872, %select_n3A_854 : vector<192x384xi1>, vector<192x384xf32>
    %select_n3A_874 = arith.select %lt3A_868, %slice3A_859, %select_n3A_855 : vector<192x384xi1>, vector<192x384xf32>
    %slice3A_875 = vector.extract_strided_slice %get3A_576 {offsets = [3, 1], sizes = [192, 384], strides = [1, 1]} : vector<388x416xf32> to vector<192x384xf32>
    %select_n3A_876 = arith.select %lt3A_868, %slice3A_875, %select_n3A_857 : vector<192x384xi1>, vector<192x384xf32>
    %slice3A_877 = vector.extract_strided_slice %select_n3A_795 {offsets = [1, 2], sizes = [192, 384], strides = [1, 1]} : vector<194x400xi32> to vector<192x384xi32>
    %slice3A_878 = vector.extract_strided_slice %get3A_570 {offsets = [2, 3], sizes = [192, 384], strides = [1, 1]} : vector<388x416xf32> to vector<192x384xf32>
    %eq3A_879 = arith.constant 3 : i32
    %eq3A_880 = vector.broadcast %eq3A_879 : i32 to vector<192x384xi32>
    %eq3A_881 = arith.cmpi eq, %slice3A_877, %eq3A_880 : vector<192x384xi32>
    %select_n3A_882 = arith.select %eq3A_881, %slice3A_878, %broadcast_in_dim3A_805 : vector<192x384xi1>, vector<192x384xf32>
    %gt3A_883 = arith.constant 0.000000e+00 : f32
    %gt3A_884 = vector.broadcast %gt3A_883 : f32 to vector<192x384xf32>
    %gt3A_885 = arith.cmpf ogt, %select_n3A_882, %gt3A_884 : vector<192x384xf32>
    %select_n3A_886 = arith.select %gt3A_885, %select_n3A_882, %broadcast_in_dim3A_803 : vector<192x384xi1>, vector<192x384xf32>
    %lt3A_887 = arith.cmpf olt, %select_n3A_886, %select_n3A_869 : vector<192x384xf32>
    %select_n3A_888 = arith.select %lt3A_887, %select_n3A_886, %select_n3A_869 : vector<192x384xi1>, vector<192x384xf32>
    %slice3A_889 = vector.extract_strided_slice %get3A_558 {offsets = [2, 3], sizes = [192, 384], strides = [1, 1]} : vector<388x416xf32> to vector<192x384xf32>
    %select_n3A_890 = arith.select %lt3A_887, %slice3A_889, %select_n3A_871 : vector<192x384xi1>, vector<192x384xf32>
    %slice3A_891 = vector.extract_strided_slice %get3A_564 {offsets = [2, 3], sizes = [192, 384], strides = [1, 1]} : vector<388x416xf32> to vector<192x384xf32>
    %select_n3A_892 = arith.select %lt3A_887, %slice3A_891, %select_n3A_873 : vector<192x384xi1>, vector<192x384xf32>
    %select_n3A_893 = arith.select %lt3A_887, %slice3A_878, %select_n3A_874 : vector<192x384xi1>, vector<192x384xf32>
    %slice3A_894 = vector.extract_strided_slice %get3A_576 {offsets = [2, 3], sizes = [192, 384], strides = [1, 1]} : vector<388x416xf32> to vector<192x384xf32>
    %select_n3A_895 = arith.select %lt3A_887, %slice3A_894, %select_n3A_876 : vector<192x384xi1>, vector<192x384xf32>
    %slice3A_896 = vector.extract_strided_slice %select_n3A_795 {offsets = [1, 1], sizes = [192, 384], strides = [1, 1]} : vector<194x400xi32> to vector<192x384xi32>
    %slice3A_897 = vector.extract_strided_slice %get3A_570 {offsets = [2, 2], sizes = [192, 384], strides = [1, 1]} : vector<388x416xf32> to vector<192x384xf32>
    %eq3A_898 = arith.constant 4 : i32
    %eq3A_899 = vector.broadcast %eq3A_898 : i32 to vector<192x384xi32>
    %eq3A_900 = arith.cmpi eq, %slice3A_896, %eq3A_899 : vector<192x384xi32>
    %select_n3A_901 = arith.select %eq3A_900, %slice3A_897, %broadcast_in_dim3A_805 : vector<192x384xi1>, vector<192x384xf32>
    %gt3A_902 = arith.constant 0.000000e+00 : f32
    %gt3A_903 = vector.broadcast %gt3A_902 : f32 to vector<192x384xf32>
    %gt3A_904 = arith.cmpf ogt, %select_n3A_901, %gt3A_903 : vector<192x384xf32>
    %select_n3A_905 = arith.select %gt3A_904, %select_n3A_901, %broadcast_in_dim3A_803 : vector<192x384xi1>, vector<192x384xf32>
    %lt3A_906 = arith.cmpf olt, %select_n3A_905, %select_n3A_888 : vector<192x384xf32>
    %select_n3A_907 = arith.select %lt3A_906, %select_n3A_905, %select_n3A_888 : vector<192x384xi1>, vector<192x384xf32>
    %slice3A_908 = vector.extract_strided_slice %get3A_558 {offsets = [2, 2], sizes = [192, 384], strides = [1, 1]} : vector<388x416xf32> to vector<192x384xf32>
    %select_n3A_909 = arith.select %lt3A_906, %slice3A_908, %select_n3A_890 : vector<192x384xi1>, vector<192x384xf32>
    %slice3A_910 = vector.extract_strided_slice %get3A_564 {offsets = [2, 2], sizes = [192, 384], strides = [1, 1]} : vector<388x416xf32> to vector<192x384xf32>
    %select_n3A_911 = arith.select %lt3A_906, %slice3A_910, %select_n3A_892 : vector<192x384xi1>, vector<192x384xf32>
    %select_n3A_912 = arith.select %lt3A_906, %slice3A_897, %select_n3A_893 : vector<192x384xi1>, vector<192x384xf32>
    %slice3A_913 = vector.extract_strided_slice %get3A_576 {offsets = [2, 2], sizes = [192, 384], strides = [1, 1]} : vector<388x416xf32> to vector<192x384xf32>
    %select_n3A_914 = arith.select %lt3A_906, %slice3A_913, %select_n3A_895 : vector<192x384xi1>, vector<192x384xf32>
    %slice3A_915 = vector.extract_strided_slice %select_n3A_795 {offsets = [1, 0], sizes = [192, 384], strides = [1, 1]} : vector<194x400xi32> to vector<192x384xi32>
    %slice3A_916 = vector.extract_strided_slice %get3A_570 {offsets = [2, 1], sizes = [192, 384], strides = [1, 1]} : vector<388x416xf32> to vector<192x384xf32>
    %eq3A_917 = arith.constant 5 : i32
    %eq3A_918 = vector.broadcast %eq3A_917 : i32 to vector<192x384xi32>
    %eq3A_919 = arith.cmpi eq, %slice3A_915, %eq3A_918 : vector<192x384xi32>
    %select_n3A_920 = arith.select %eq3A_919, %slice3A_916, %broadcast_in_dim3A_805 : vector<192x384xi1>, vector<192x384xf32>
    %gt3A_921 = arith.constant 0.000000e+00 : f32
    %gt3A_922 = vector.broadcast %gt3A_921 : f32 to vector<192x384xf32>
    %gt3A_923 = arith.cmpf ogt, %select_n3A_920, %gt3A_922 : vector<192x384xf32>
    %select_n3A_924 = arith.select %gt3A_923, %select_n3A_920, %broadcast_in_dim3A_803 : vector<192x384xi1>, vector<192x384xf32>
    %lt3A_925 = arith.cmpf olt, %select_n3A_924, %select_n3A_907 : vector<192x384xf32>
    %select_n3A_926 = arith.select %lt3A_925, %select_n3A_924, %select_n3A_907 : vector<192x384xi1>, vector<192x384xf32>
    %slice3A_927 = vector.extract_strided_slice %get3A_558 {offsets = [2, 1], sizes = [192, 384], strides = [1, 1]} : vector<388x416xf32> to vector<192x384xf32>
    %select_n3A_928 = arith.select %lt3A_925, %slice3A_927, %select_n3A_909 : vector<192x384xi1>, vector<192x384xf32>
    %slice3A_929 = vector.extract_strided_slice %get3A_564 {offsets = [2, 1], sizes = [192, 384], strides = [1, 1]} : vector<388x416xf32> to vector<192x384xf32>
    %select_n3A_930 = arith.select %lt3A_925, %slice3A_929, %select_n3A_911 : vector<192x384xi1>, vector<192x384xf32>
    %select_n3A_931 = arith.select %lt3A_925, %slice3A_916, %select_n3A_912 : vector<192x384xi1>, vector<192x384xf32>
    %slice3A_932 = vector.extract_strided_slice %get3A_576 {offsets = [2, 1], sizes = [192, 384], strides = [1, 1]} : vector<388x416xf32> to vector<192x384xf32>
    %select_n3A_933 = arith.select %lt3A_925, %slice3A_932, %select_n3A_914 : vector<192x384xi1>, vector<192x384xf32>
    %slice3A_934 = vector.extract_strided_slice %select_n3A_795 {offsets = [0, 2], sizes = [192, 384], strides = [1, 1]} : vector<194x400xi32> to vector<192x384xi32>
    %slice3A_935 = vector.extract_strided_slice %get3A_570 {offsets = [1, 3], sizes = [192, 384], strides = [1, 1]} : vector<388x416xf32> to vector<192x384xf32>
    %eq3A_936 = arith.constant 6 : i32
    %eq3A_937 = vector.broadcast %eq3A_936 : i32 to vector<192x384xi32>
    %eq3A_938 = arith.cmpi eq, %slice3A_934, %eq3A_937 : vector<192x384xi32>
    %select_n3A_939 = arith.select %eq3A_938, %slice3A_935, %broadcast_in_dim3A_805 : vector<192x384xi1>, vector<192x384xf32>
    %gt3A_940 = arith.constant 0.000000e+00 : f32
    %gt3A_941 = vector.broadcast %gt3A_940 : f32 to vector<192x384xf32>
    %gt3A_942 = arith.cmpf ogt, %select_n3A_939, %gt3A_941 : vector<192x384xf32>
    %select_n3A_943 = arith.select %gt3A_942, %select_n3A_939, %broadcast_in_dim3A_803 : vector<192x384xi1>, vector<192x384xf32>
    %lt3A_944 = arith.cmpf olt, %select_n3A_943, %select_n3A_926 : vector<192x384xf32>
    %select_n3A_945 = arith.select %lt3A_944, %select_n3A_943, %select_n3A_926 : vector<192x384xi1>, vector<192x384xf32>
    %slice3A_946 = vector.extract_strided_slice %get3A_558 {offsets = [1, 3], sizes = [192, 384], strides = [1, 1]} : vector<388x416xf32> to vector<192x384xf32>
    %select_n3A_947 = arith.select %lt3A_944, %slice3A_946, %select_n3A_928 : vector<192x384xi1>, vector<192x384xf32>
    %slice3A_948 = vector.extract_strided_slice %get3A_564 {offsets = [1, 3], sizes = [192, 384], strides = [1, 1]} : vector<388x416xf32> to vector<192x384xf32>
    %select_n3A_949 = arith.select %lt3A_944, %slice3A_948, %select_n3A_930 : vector<192x384xi1>, vector<192x384xf32>
    %select_n3A_950 = arith.select %lt3A_944, %slice3A_935, %select_n3A_931 : vector<192x384xi1>, vector<192x384xf32>
    %slice3A_951 = vector.extract_strided_slice %get3A_576 {offsets = [1, 3], sizes = [192, 384], strides = [1, 1]} : vector<388x416xf32> to vector<192x384xf32>
    %select_n3A_952 = arith.select %lt3A_944, %slice3A_951, %select_n3A_933 : vector<192x384xi1>, vector<192x384xf32>
    %slice3A_953 = vector.extract_strided_slice %select_n3A_795 {offsets = [0, 1], sizes = [192, 384], strides = [1, 1]} : vector<194x400xi32> to vector<192x384xi32>
    %slice3A_954 = vector.extract_strided_slice %get3A_570 {offsets = [1, 2], sizes = [192, 384], strides = [1, 1]} : vector<388x416xf32> to vector<192x384xf32>
    %eq3A_955 = arith.constant 7 : i32
    %eq3A_956 = vector.broadcast %eq3A_955 : i32 to vector<192x384xi32>
    %eq3A_957 = arith.cmpi eq, %slice3A_953, %eq3A_956 : vector<192x384xi32>
    %select_n3A_958 = arith.select %eq3A_957, %slice3A_954, %broadcast_in_dim3A_805 : vector<192x384xi1>, vector<192x384xf32>
    %gt3A_959 = arith.constant 0.000000e+00 : f32
    %gt3A_960 = vector.broadcast %gt3A_959 : f32 to vector<192x384xf32>
    %gt3A_961 = arith.cmpf ogt, %select_n3A_958, %gt3A_960 : vector<192x384xf32>
    %select_n3A_962 = arith.select %gt3A_961, %select_n3A_958, %broadcast_in_dim3A_803 : vector<192x384xi1>, vector<192x384xf32>
    %lt3A_963 = arith.cmpf olt, %select_n3A_962, %select_n3A_945 : vector<192x384xf32>
    %select_n3A_964 = arith.select %lt3A_963, %select_n3A_962, %select_n3A_945 : vector<192x384xi1>, vector<192x384xf32>
    %slice3A_965 = vector.extract_strided_slice %get3A_558 {offsets = [1, 2], sizes = [192, 384], strides = [1, 1]} : vector<388x416xf32> to vector<192x384xf32>
    %select_n3A_966 = arith.select %lt3A_963, %slice3A_965, %select_n3A_947 : vector<192x384xi1>, vector<192x384xf32>
    %slice3A_967 = vector.extract_strided_slice %get3A_564 {offsets = [1, 2], sizes = [192, 384], strides = [1, 1]} : vector<388x416xf32> to vector<192x384xf32>
    %select_n3A_968 = arith.select %lt3A_963, %slice3A_967, %select_n3A_949 : vector<192x384xi1>, vector<192x384xf32>
    %select_n3A_969 = arith.select %lt3A_963, %slice3A_954, %select_n3A_950 : vector<192x384xi1>, vector<192x384xf32>
    %slice3A_970 = vector.extract_strided_slice %get3A_576 {offsets = [1, 2], sizes = [192, 384], strides = [1, 1]} : vector<388x416xf32> to vector<192x384xf32>
    %select_n3A_971 = arith.select %lt3A_963, %slice3A_970, %select_n3A_952 : vector<192x384xi1>, vector<192x384xf32>
    %slice3A_972 = vector.extract_strided_slice %select_n3A_795 {offsets = [0, 0], sizes = [192, 384], strides = [1, 1]} : vector<194x400xi32> to vector<192x384xi32>
    %slice3A_973 = vector.extract_strided_slice %get3A_570 {offsets = [1, 1], sizes = [192, 384], strides = [1, 1]} : vector<388x416xf32> to vector<192x384xf32>
    %eq3A_974 = arith.constant 8 : i32
    %eq3A_975 = vector.broadcast %eq3A_974 : i32 to vector<192x384xi32>
    %eq3A_976 = arith.cmpi eq, %slice3A_972, %eq3A_975 : vector<192x384xi32>
    %select_n3A_977 = arith.select %eq3A_976, %slice3A_973, %broadcast_in_dim3A_805 : vector<192x384xi1>, vector<192x384xf32>
    %gt3A_978 = arith.constant 0.000000e+00 : f32
    %gt3A_979 = vector.broadcast %gt3A_978 : f32 to vector<192x384xf32>
    %gt3A_980 = arith.cmpf ogt, %select_n3A_977, %gt3A_979 : vector<192x384xf32>
    %select_n3A_981 = arith.select %gt3A_980, %select_n3A_977, %broadcast_in_dim3A_803 : vector<192x384xi1>, vector<192x384xf32>
    %lt3A_982 = arith.cmpf olt, %select_n3A_981, %select_n3A_964 : vector<192x384xf32>
    %slice3A_983 = vector.extract_strided_slice %get3A_558 {offsets = [1, 1], sizes = [192, 384], strides = [1, 1]} : vector<388x416xf32> to vector<192x384xf32>
    %select_n3A_984 = arith.select %lt3A_982, %slice3A_983, %select_n3A_966 : vector<192x384xi1>, vector<192x384xf32>
    %slice3A_985 = vector.extract_strided_slice %get3A_564 {offsets = [1, 1], sizes = [192, 384], strides = [1, 1]} : vector<388x416xf32> to vector<192x384xf32>
    %select_n3A_986 = arith.select %lt3A_982, %slice3A_985, %select_n3A_968 : vector<192x384xi1>, vector<192x384xf32>
    %select_n3A_987 = arith.select %lt3A_982, %slice3A_973, %select_n3A_969 : vector<192x384xi1>, vector<192x384xf32>
    %slice3A_988 = vector.extract_strided_slice %get3A_576 {offsets = [1, 1], sizes = [192, 384], strides = [1, 1]} : vector<388x416xf32> to vector<192x384xf32>
    %select_n3A_989 = arith.select %lt3A_982, %slice3A_988, %select_n3A_971 : vector<192x384xi1>, vector<192x384xf32>
    %swap3A_990 = arith.constant 1 : index
    %swap3A_991 = arith.constant 0 : index
    %swap3A_992 = arith.constant 0 : index
    %swap3A_993 = arith.constant 0 : index
    %swap3A_994 = vector.load %arg2[%swap3A_990, %swap3A_991, %swap3A_992, %swap3A_993] : memref<2x4x192x384xf32, #tpu.memory_space<vmem>>, vector<1x1x192x384xf32>
    %swap3A_995 = vector.shape_cast %swap3A_994 : vector<1x1x192x384xf32> to vector<192x384xf32>
    %swap3A_996 = vector.shape_cast %select_n3A_984 : vector<192x384xf32> to vector<1x1x192x384xf32>
    tpu.vector_store %arg2[%swap3A_990, %swap3A_991, %swap3A_992, %swap3A_993], %swap3A_996 {strides = array<i32>} : memref<2x4x192x384xf32, #tpu.memory_space<vmem>>, vector<1x1x192x384xf32>,
    %swap3A_997 = arith.constant 1 : index
    %swap3A_998 = arith.constant 1 : index
    %swap3A_999 = arith.constant 0 : index
    %swap3A_1000 = arith.constant 0 : index
    %swap3A_1001 = vector.load %arg2[%swap3A_997, %swap3A_998, %swap3A_999, %swap3A_1000] : memref<2x4x192x384xf32, #tpu.memory_space<vmem>>, vector<1x1x192x384xf32>
    %swap3A_1002 = vector.shape_cast %swap3A_1001 : vector<1x1x192x384xf32> to vector<192x384xf32>
    %swap3A_1003 = vector.shape_cast %select_n3A_986 : vector<192x384xf32> to vector<1x1x192x384xf32>
    tpu.vector_store %arg2[%swap3A_997, %swap3A_998, %swap3A_999, %swap3A_1000], %swap3A_1003 {strides = array<i32>} : memref<2x4x192x384xf32, #tpu.memory_space<vmem>>, vector<1x1x192x384xf32>,
    %swap3A_1004 = arith.constant 1 : index
    %swap3A_1005 = arith.constant 2 : index
    %swap3A_1006 = arith.constant 0 : index
    %swap3A_1007 = arith.constant 0 : index
    %swap3A_1008 = vector.load %arg2[%swap3A_1004, %swap3A_1005, %swap3A_1006, %swap3A_1007] : memref<2x4x192x384xf32, #tpu.memory_space<vmem>>, vector<1x1x192x384xf32>
    %swap3A_1009 = vector.shape_cast %swap3A_1008 : vector<1x1x192x384xf32> to vector<192x384xf32>
    %swap3A_1010 = vector.shape_cast %select_n3A_987 : vector<192x384xf32> to vector<1x1x192x384xf32>
    tpu.vector_store %arg2[%swap3A_1004, %swap3A_1005, %swap3A_1006, %swap3A_1007], %swap3A_1010 {strides = array<i32>} : memref<2x4x192x384xf32, #tpu.memory_space<vmem>>, vector<1x1x192x384xf32>,
    %swap3A_1011 = arith.constant 1 : index
    %swap3A_1012 = arith.constant 3 : index
    %swap3A_1013 = arith.constant 0 : index
    %swap3A_1014 = arith.constant 0 : index
    %swap3A_1015 = vector.load %arg2[%swap3A_1011, %swap3A_1012, %swap3A_1013, %swap3A_1014] : memref<2x4x192x384xf32, #tpu.memory_space<vmem>>, vector<1x1x192x384xf32>
    %swap3A_1016 = vector.shape_cast %swap3A_1015 : vector<1x1x192x384xf32> to vector<192x384xf32>
    %swap3A_1017 = vector.shape_cast %select_n3A_989 : vector<192x384xf32> to vector<1x1x192x384xf32>
    tpu.vector_store %arg2[%swap3A_1011, %swap3A_1012, %swap3A_1013, %swap3A_1014], %swap3A_1017 {strides = array<i32>} : memref<2x4x192x384xf32, #tpu.memory_space<vmem>>, vector<1x1x192x384xf32>,
    return
  }
}

</mosaic_0001>

<sc_bundles>
// kernel: smap_sc.3.cloned.1.call-start
scs
__scs_entry_jumppad:
0x0: {  	(pc) =	sbr.rel $0x88, $3  }
0x1: {  	(tag) =	ssettag $0x0;
	lr =	simm.s32 $0x1  }
0x2: {  	[smem:$0x3F9F] =	sst lr;
	_ =	strace $0xD0000000  }
0x3: {  	_ = 	snop  }
0x4: {  	_ = 	snop  }
0x5: {  	_ = 	snop  }
0x6: {  	_ = 	snop  }
0x7: {  	_ = 	snop  }
__scs_overlays_trampoline_lowered:
0x8: {  	[smem:$0x3FAE] =	sst s0  }
0x9: {  	[smem:$0x3FAF] =	sst s1  }
0xa: {  	[smem:$0x3FB0] =	sst s2  }
0xb: {  	[smem:$0x3FB1] =	sst s3  }
0xc: {  	[smem:$0x3FB2] =	sst s4  }
0xd: {  	[smem:$0x3FB3] =	sst s5  }
0xe: {  	[smem:$0x3FB4] =	sst s6  }
0xf: {  	[smem:$0x3FB5] =	sst s7  }
0x10: {  	[smem:$0x3FB6] =	sst s8  }
0x11: {  	[smem:$0x3FB7] =	sst s9;
	s0 =	simm.s32 @!p0 $0x0  }
0x12: {  	s1 =	sld [smem:$0x3F9D];
	s0 =	simm.s32 @p0 $0x1  }
0x13: {  	[smem:$0x3FB8] =	sst s0;
	s0 =	simm.s32 @!p1 $0x0  }
0x14: {  	s2 =	sld [smem:$0x3F9C];
	s0 =	simm.s32 @p1 $0x1  }
0x15: {  	[smem:$0x3FB9] =	sst s0;
	s0 =	simm.s32 @!p2 $0x0  }
0x16: {  	s3 =	sld [smem:$0x3FDB];
	s0 =	simm.s32 @p2 $0x1  }
0x17: {  	s4 =	simm.s32 $0x1BF5;
	[smem:$0x3FBB] =	sst s0  }
0x18: {  	s0 =	sld [smem:$0x3F9E];
	_ =	swait.ge [sflag:s4], $0x0  }
0x19: {  	s7 =	sld [smem:$0x3F9F]  }
0x1a: {  	s8 =	sadd.s32 $0xFFFFE003, lr  }
0x1b: {  	s9 =	sadd.s32 $0xFFFFFEF7, lr;
	s5 =	simm.s32 $0xFFFFFFFF;
	p2 =	slt.u32 s8, $0xFFFFF086  }
0x1c: {  	p1 =	slt.u32 s9, $0xF7A;
	s5 =	simm.s32 @!p2 $0x0  }
0x1d: {  	s5 =	simm.s32 @p1 $0x1;
	p0 =	seq.s32 s7, s2  }
0x1e: {  	s7 =	smul.u32 @!p0 $0xF7A, s2;
	p2 =	seq.s32 @!p0 s5, $0x0  }
0x1f: {  	s9 =	smul.u32 $0xF7A, s1;
	s8 =	simm.s32 @!p0 $0x1BF5;
	p2 =	por !p2, p0  }
0x20: {  	[sflag:s8] =	ssyncset.s32 @!p0 $0xFFFFF086;
	s6 =	sadd.s32 @!p0 s3, s7;
	s7 =	simm.s32 @!p0 $0x108  }
0x21: {  	s3 =	sadd.s32 s3, s9;
	s6 =	sadd.s32 @!p0 $0x88, s6;
	s7 =	simm.s32 @p2 $0x1082  }
0x22: {  	[simem:s7], [sflag:s8] =	dma.local @!p0 [hbm:s6], $0xF7A  }
0x23: {  	s9 =	sor.u32 $0xD0000000, s2;
	s6 =	simm.s32 $0x108;
	_ =	swait.ge @!p0 [sflag:s8], $0x0  }
0x24: {  	s3 =	sadd.s32 $0x88, s3;
	s6 =	simm.s32 @!p1 $0x1082;
	[sflag:s4] =	ssyncset.s32 $0xFFFFF086  }
0x25: {  	[simem:s6], [sflag:s4] =	dma.local [hbm:s3], $0xF7A  }
0x26: {  	[smem:$0x3F9F] =	sst s1;
	(tag) =	ssettag s2;
	_ =	strace s9  }
0x27: {  	s1 =	sld [smem:$0x3FAF]  }
0x28: {  	s2 =	sld [smem:$0x3FB0]  }
0x29: {  	s4 =	sld [smem:$0x3FB2]  }
0x2a: {  	p0 =	seq.s32 s5, $0x0;
	s5 =	sld [smem:$0x3FB3]  }
0x2b: {  	s6 =	sld [smem:$0x3FB4]  }
0x2c: {  	s7 =	sld [smem:$0x3FB5]  }
0x2d: {  	s3 =	simm.s32 $0x108;
	s8 =	sld [smem:$0x3FB6]  }
0x2e: {  	s3 =	simm.s32 @!p0 $0x1082;
	s9 =	sld [smem:$0x3FB7]  }
0x2f: {  	lr =	sadd.s32 s0, s3;
	s0 =	sld [smem:$0x3FAE]  }
0x30: {  	s3 =	sld [smem:$0x3FB1]  }
0x31: {  	[smem:$0x3FBA] =	sst s10  }
0x32: {  	s10 =	sld [smem:$0x3FB8];
	_ =	sdelay $0x3  }
0x33: {  	p0 =	seq.s32 s10, $0x1;
	s10 =	sld [smem:$0x3FBA];
	_ =	sdelay $0x3  }
0x34: {  	[smem:$0x3FBA] =	sst s10  }
0x35: {  	s10 =	sld [smem:$0x3FB9];
	_ =	sdelay $0x3  }
0x36: {  	p1 =	seq.s32 s10, $0x1;
	s10 =	sld [smem:$0x3FBA];
	_ =	sdelay $0x3  }
0x37: {  	[smem:$0x3FBA] =	sst s10  }
0x38: {  	s10 =	sld [smem:$0x3FBB]  }
0x39: {  	_ = 	snop;
	(pc) =	sbr.ind lr, $3  }
0x3a: {  	_ = 	snop  }
0x3b: {  	_ = 	snop  }
0x3c: {  	p2 =	seq.s32 s10, $0x1;
	s10 =	sld [smem:$0x3FBA]  }
0x3d: {  	_ =	shalt  }
0x3e: {  	_ =	shalt  }
0x3f: {  	_ =	shalt  }
0x40: {  	_ =	shalt  }
0x41: {  	_ =	shalt  }
0x42: {  	_ =	shalt  }
0x43: {  	_ =	shalt  }
0x44: {  	_ =	shalt  }
0x45: {  	_ =	shalt  }
0x46: {  	_ =	shalt  }
0x47: {  	_ =	shalt  }
0x48: {  	_ =	shalt  }
0x49: {  	_ =	shalt  }
0x4a: {  	_ =	shalt  }
0x4b: {  	_ =	shalt  }
0x4c: {  	_ =	shalt  }
0x4d: {  	_ =	shalt  }
0x4e: {  	_ =	shalt  }
0x4f: {  	_ =	shalt  }
0x50: {  	_ =	shalt  }
0x51: {  	_ =	shalt  }
0x52: {  	_ =	shalt  }
0x53: {  	_ =	shalt  }
0x54: {  	_ =	shalt  }
0x55: {  	_ =	shalt  }
0x56: {  	_ =	shalt  }
0x57: {  	_ =	shalt  }
0x58: {  	_ =	shalt  }
0x59: {  	_ =	shalt  }
0x5a: {  	_ =	shalt  }
0x5b: {  	_ =	shalt  }
0x5c: {  	_ =	shalt  }
0x5d: {  	_ =	shalt  }
0x5e: {  	_ =	shalt  }
0x5f: {  	_ =	shalt  }
0x60: {  	_ =	shalt  }
0x61: {  	_ =	shalt  }
0x62: {  	_ =	shalt  }
0x63: {  	_ =	shalt  }
0x64: {  	_ =	shalt  }
0x65: {  	_ =	shalt  }
0x66: {  	_ =	shalt  }
0x67: {  	_ =	shalt  }
0x68: {  	_ =	shalt  }
0x69: {  	_ =	shalt  }
0x6a: {  	_ =	shalt  }
0x6b: {  	_ =	shalt  }
0x6c: {  	_ =	shalt  }
0x6d: {  	_ =	shalt  }
0x6e: {  	_ =	shalt  }
0x6f: {  	_ =	shalt  }
0x70: {  	_ =	shalt  }
0x71: {  	_ =	shalt  }
0x72: {  	_ =	shalt  }
0x73: {  	_ =	shalt  }
0x74: {  	_ =	shalt  }
0x75: {  	_ =	shalt  }
0x76: {  	_ =	shalt  }
0x77: {  	_ =	shalt  }
0x78: {  	_ =	shalt  }
0x79: {  	_ =	shalt  }
0x7a: {  	_ =	shalt  }
0x7b: {  	_ =	shalt  }
0x7c: {  	_ =	shalt  }
0x7d: {  	_ =	shalt  }
0x7e: {  	_ =	shalt  }
0x7f: {  	_ =	shalt  }
0x80: {  	_ =	shalt  }
0x81: {  	_ =	shalt  }
0x82: {  	_ =	shalt  }
0x83: {  	_ =	shalt  }
0x84: {  	_ =	shalt  }
0x85: {  	_ =	shalt  }
0x86: {  	_ =	shalt  }
0x87: {  	_ =	shalt  }
.Lfunc_end0:
.L_simem_size_0:
called_computation_lowered:
.L_overlay_start_0:
0x88: {  	s2 =	sld [smem:$0x3FD9]  }
0x89: {  	s3 =	sld [smem:$0x3FFE];
	_ =	sdelay $0x1  }
0x8a: {  	s1 =	srdreg.scid  }
0x8b: {  	s0 =	sand.u32 $0x1, s1  }
0x8c: {  	s17 =	sshll.u32 s0, $0xA;
	s2 =	sadd.s32 s3, s2  }
0x8d: {  	s2 =	sadd.s32 s2, s17  }
0x8e: {  	[smem:$0x3FC6] =	sst s2  }
0x8f: {  	_ = 	snop  }
0x90: {  	s2 =	sld [smem:$0x3FD0];
	(tm) =	ssettm $0x1  }
0x91: {  	s18 =	sld [smem:$0x3FFB];
	_ =	sdelay $0x3  }
0x92: {  	_ =	strace s18  }
0x93: {  	s3 =	sld [smem:$0x3FFC];
	_ =	sdelay $0x3  }
0x94: {  	_ =	strace s3  }
0x95: {  	s3 =	sld [smem:$0x3FFD];
	_ =	sdelay $0x3  }
0x96: {  	_ =	strace s3  }
0x97: {  	_ =	strace $0x8FFFFFFF  }
0x98: {  	s19 =	sld [smem:$0x3FDB];
	_ =	sdelay $0x1  }
0x99: {  	s4 =	simm.s32 $_scs_section_size  }
0x9a: {  	s5 =	simm.s32 $_size__tile_overlayer_lowered;
	s6 =	simm.s32 $_tile_overlayer_lowered  }
0x9b: {  	s22 =	simm.s32 $0x1BFF;
	s21 =	sshll.u32 s6, $0x1;
	s3 =	sadd.s32 s4, s19  }
0x9c: {  	s7 =	simm.s32 $0x0;
	s20 =	sshll.u32 s5, $0x1;
	s5 =	sadd.s32 s21, s3  }
0x9d: {  	[timem:s7], [sflag:s22] =	dma.local [hbm:s5], s20  }
0x9e: {  	_ =	swait.ge [sflag:s22], s20  }
0x9f: {  	s4 =	ssub.s32 $0x0, s20;
	[sflag:s22] =	ssyncset.done $0x0  }
0xa0: {  	[sflag:s22] =	ssyncadd.s32 s4;
	_ =	sdelay $0x1  }
0xa1: {  	s23 =	simm.s32 $0x1B8B  }
0xa2: {  	_ =	swait.ge [sflag:s23], $0x1  }
0xa3: {  	[sflag:s23] =	ssyncset.done $0x0  }
0xa4: {  	s25 =	simm.s32 $0x1B8E;
	s24 =	sld [smem:$0x3FFE];
	[sflag:s23] =	ssyncadd.s32 $0xFFFFFFFF  }
0xa5: {  	s26 =	simm.s32 $execute0_lowered;
	[smem:$0x3FD2] =	sst s25  }
0xa6: {  	s5 =	sshll.u32 s26, $0x1;
	_ =	strace $0x80000046;
	[dreg:$0x1] =	wrdreg $0xFFFFFFFF  }
0xa7: {  	s28 =	simm.s32 $_size_execute0_lowered;
	s3 =	sadd.s32 s3, s5;
	[dreg:$0x0] =	wrdreg $0x0  }
0xa8: {  	s5 =	sshll.u32 s28, $0x1;
	[dreg:$0x2] =	wrdreg s3  }
0xa9: {  	[dreg:$0x3] =	wrdreg s5  }
0xaa: {  	[dreg:$0x4] =	wrdreg $0xC0  }
0xab: {  	_ =	task [dreg:s7], $0x5FFFF  }
0xac: {  	[dreg:$0x1] =	wrdreg $0xFFFFFFFF  }
0xad: {  	[dreg:$0x0] =	wrdreg $0x60  }
0xae: {  	[dreg:$0x2] =	wrdreg s24  }
0xaf: {  	[dreg:$0x3] =	wrdreg s2  }
0xb0: {  	[dreg:$0x4] =	wrdreg $0x9  }
0xb1: {  	_ =	task.clear_ibuf [dreg:s7], $0x5FFFF;
	_ =	strace $0x90000046  }
0xb2: {  	s29 =	simm.s32 $0x9;
	_ =	strace $0x80000048  }
0xb3: {  	_ =	swait.ge [sflag:s29], $0x1  }
0xb4: {  	[sflag:s29] =	ssyncadd.s32 $0xFFFFFFFF  }
0xb5: {  	_ =	strace $0x90000048  }
0xb6: {  	_ =	sfence  }
0xb7: {  	s30 =	sld [smem:$0x0];
	_ =	sdelay $0x2  }
0xb8: {  	s31 =	sshll.u32 s1, $0xD;
	s1 =	sshrl.u32 s1, $0x2  }
0xb9: {  	s3 =	sand.u32 $0x4000, s31;
	s1 =	sadd.s32 s1, s30  }
0xba: {  	s0 =	sor.u32 s3, s0;
	s1 =	sshll.u32 s1, $0x11  }
0xbb: {  	s0 =	sor.u32 s1, s0  }
0xbc: {  	s0 =	sadd.s32 $0x8F2B, s0  }
0xbd: {  	[sflag:s0] =	ssyncadd.remote.s32 $0x1  }
0xbe: {  	_ =	sfence.sel $0xFFFF  }
0xbf: {  	[dreg:$0x0] =	wrdreg $0xFFFFFFFF;
	(pc) =	sbr.abs _section_cstart, $3  }
0xc0: {  	[dreg:$0x1] =	wrdreg $0xFFFFFFFF  }
0xc1: {  	_ =	task.clear_ibuf [dreg:s7], $0x2FFFF;
	_ =	strace $0x9FFFFFFF  }
0xc2: {  	(tm) =	ssettm $0x7FFFFFFF  }
0xc3: {  	_ =	shalt  }
tec
execute0_lowered:
.L_overlay_start_1:
0x0: {  	(tag) =	ssettag $0x1  }
0x1: {  	s0 =	srdreg.scid;
	s1 =	stileid.u32;
	v0 =	vimm.f32 $3.980000000e+02;
	vm0 =	vcmask $0x300  }
0x2: {  	vm1 =	vcmask $0x704;
	v1 =	vimm.f32 $1.500000000e+01;
	s0 =	sand.u32 $0x1, s0;
	s1 =	smul.u32 $0xC, s1;
	v0 =	vsel vm0, $0x43BF8000, v0  }
0x3: {  	vm2 =	vcmask $0xB08;
	v1 =	vsel vm0, $0x0, v1;
	s4 =	smul.u32 $0x610, s0;
	v0 =	vsel vm1, $0x43C00000, v0  }
0x4: {  	s2 =	rddreg [dreg:$0x0];
	vm4 =	vcmask $0xF0C;
	v1 =	vsel vm1, $0x3F800000, v1;
	s5 =	sadd.s32 $0xC0, s1;
	v0 =	vsel vm2, $0x43C08000, v0  }
0x5: {  	vm5 =	vcmask $0x1310;
	s7 =	ssub.s32 $0x2, s0;
	s0 =	smul.u32 $0x600, s0;
	v1 =	vsel vm2, $0x40000000, v1;
	s4 =	sadd.s32 s4, s5;
	v0 =	vsel vm4, $0x43C10000, v0  }
0x6: {  	s3 =	simm.s32 $0x0;
	vm6 =	vcmask $0x1714;
	s15 =	simm.s32 $0x1A00;
	v1 =	vsel vm4, $0x40400000, v1;
	s6 =	smul.u32 $0x1A0, s4;
	v0 =	vsel vm5, $0x43C18000, v0  }
0x7: {  	vm7 =	vcmask $0x1B18;
	s16 =	simm.s32 $0x30C0;
	s0 =	sor.u32 s0, s5;
	v1 =	vsel vm5, $0x40800000, v1;
	s4 =	smul.u32 $0x34, s4;
	v0 =	vsel vm6, $0x43C20000, v0  }
0x8: {  	vm8 =	vcmask $0x1F1C;
	s17 =	simm.s32 $0x4780;
	s18 =	simm.s32 $0x1;
	s24 =	smul.u32 $0x180, s0;
	v1 =	vsel vm6, $0x40A00000, v1;
	v0 =	vsel vm7, $0x43C28000, v0  }
0x9: {  	vm9 =	vcmask $0x2320;
	[smem:$0x7FF] =	sst s3;
	s8 =	sadd.s32 $0xC00, s2;
	s0 =	smul.u32 $0x30, s0;
	v1 =	vsel vm7, $0x40C00000, v1;
	v0 =	vsel vm8, $0x43C30000, v0  }
0xa: {  	vm10 =	vcmask $0x2724;
	s2 =	sadd.s32 $0x28400, s2;
	_ =	strace $0x80000047;
	s9 =	sshrl.u32 s7, $0x1;
	v1 =	vsel vm8, $0x40E00000, v1;
	v0 =	vsel vm9, $0x43C38000, v0  }
0xb: {  	vm11 =	vcmask $0x2B28;
	s6 =	sshrl.u32 s6, $0x3;
	s4 =	sadd.s32 s8, s4;
	s0 =	sadd.s32 s2, s0;
	v1 =	vsel vm9, $0x41000000, v1;
	v0 =	vsel vm10, $0x43C40000, v0  }
0xc: {  	vm12 =	vcmask $0x2F2C;
	s6 =	sadd.s32 s8, s6;
	s4 =	sadd.s32 $0x9DA0, s4;
	[dreg:$0x7] =	wrdreg s0;
	v1 =	vsel vm10, $0x41100000, v1;
	v0 =	vsel vm11, $0x43C48000, v0  }
0xd: {  	vm13 =	vcmask $0x3330;
	s23 =	ssub.s32 s7, s9;
	s25 =	sadd.s32 $0x34, s6;
	[dreg:$0x5] =	wrdreg s4;
	v1 =	vsel vm11, $0x41200000, v1;
	v0 =	vsel vm12, $0x43C50000, v0  }
0xe: {  	vm14 =	vcmask $0x3734;
	s28 =	sshrl.u32 s24, $0x3;
	s26 =	sadd.s32 $0x4F04, s6;
	[dreg:$0x3] =	wrdreg s25;
	v1 =	vsel vm12, $0x41300000, v1;
	v0 =	vsel vm13, $0x43C58000, v0  }
0xf: {  	vm15 =	vcmask $0x3B38;
	s29 =	sadd.s32 s2, s28;
	s6 =	sadd.s32 $0xECA4, s6;
	[dreg:$0x4] =	wrdreg s26;
	v1 =	vsel vm13, $0x41400000, v1;
	v0 =	vsel vm14, $0x43C60000, v0  }
0x10: {  	s13 =	smax.u32 s23, $0x1;
	s30 =	sadd.s32 $0x4800, s29;
	[dreg:$0x6] =	wrdreg s6;
	v63 =	vsel vm14, $0x41500000, v1;
	v0 =	vsel vm15, $0x43C68000, v0  }
0x11: {  	s23 =	simm.s32 $0x0;
	s31 =	sadd.s32 $0x9000, s29;
	[dreg:$0x8] =	wrdreg s30;
	v25 =	vsel vm15, $0x41600000, v63;
	[tilespmem:$0x1FFE0] =	vst v0  }
0x12: {  	s8 =	sadd.s32 $0xBF, s1;
	s12 =	sadd.s32 $0xD800, s29;
	[dreg:$0x9] =	wrdreg s31;
	[tilespmem:$0x1FFF0] =	vst v25  }
.LBB2_1:
0x13: {  	s0 =	rddreg [dreg:$0x1];
	s1 =	simm.s32 $0xBD00  }
0x14: {  	[tilespmem:s1], [sflag:$0x1] =	stream.linear.gather [hbm4b:s0+s3], $0x240, $0x38;
	[tilespmem:$0xBF40] =	vst v63  }
0x15: {  	s28 =	rddreg [dreg:$0x3]  }
0x16: {  	[tilespmem:s15], [sflag:$0x1] =	stream.linear.gather [hbm4b:s28+s3], $0x16C0, $0x38;
	[tilespmem:$0xBF40] =	vst v63  }
0x17: {  	s29 =	rddreg [dreg:$0x4]  }
0x18: {  	[tilespmem:s16], [sflag:$0x1] =	stream.linear.gather [hbm4b:s29+s3], $0x16C0, $0x38;
	[tilespmem:$0xBF40] =	vst v63  }
0x19: {  	s30 =	rddreg [dreg:$0x5]  }
0x1a: {  	[tilespmem:s3], [sflag:$0x1] =	stream.linear.gather [hbm4b:s30+s3], $0x1A00, $0x38;
	[tilespmem:$0xBF40] =	vst v63  }
0x1b: {  	s31 =	rddreg [dreg:$0x6]  }
0x1c: {  	[tilespmem:s17], [sflag:$0x1] =	stream.linear.gather [hbm4b:s31+s3], $0x16C0, $0x38;
	[tilespmem:$0xBF40] =	vst v63  }
0x1d: {  	_ =	swait.ge [sflag:s18], $0x240  }
0x1e: {  	[sflag:s18] =	ssyncset.done $0x0  }
0x1f: {  	[sflag:s18] =	ssyncadd.s32 $0xFFFFFDC0  }
0x20: {  	_ =	swait.ge [sflag:s18], $0x16C0  }
0x21: {  	[sflag:s18] =	ssyncset.done $0x0  }
0x22: {  	[sflag:s18] =	ssyncadd.s32 $0xFFFFE940  }
0x23: {  	_ =	swait.ge [sflag:s18], $0x16C0  }
0x24: {  	[sflag:s18] =	ssyncset.done $0x0  }
0x25: {  	[sflag:s18] =	ssyncadd.s32 $0xFFFFE940  }
0x26: {  	_ =	swait.ge [sflag:s18], $0x1A00  }
0x27: {  	[sflag:s18] =	ssyncset.done $0x0  }
0x28: {  	[sflag:s18] =	ssyncadd.s32 $0xFFFFE600  }
0x29: {  	_ =	swait.ge [sflag:s18], $0x16C0  }
0x2a: {  	[sflag:s18] =	ssyncset.done $0x0  }
0x2b: {  	[sflag:s18] =	ssyncadd.s32 $0xFFFFE940  }
0x2c: {  	v0 =	vld [tilespmem:$0xBD10];
	_ =	sdelay $0x4  }
0x2d: {  	[tilespmem:$0x1FF20] =	vst v0;
	v0 =	vld [tilespmem:$0xBD20];
	_ =	sdelay $0x4  }
0x2e: {  	[tilespmem:$0x1FF30] =	vst v0;
	v0 =	vld [tilespmem:$0xBD40];
	_ =	sdelay $0x4  }
0x2f: {  	[tilespmem:$0x1FF40] =	vst v0;
	v0 =	vld [tilespmem:$0xBD50];
	_ =	sdelay $0x4  }
0x30: {  	[tilespmem:$0x1FF50] =	vst v0;
	v0 =	vld [tilespmem:$0xBD70];
	_ =	sdelay $0x3  }
0x31: {  	v3 =	vld [tilespmem:$0xBD00]  }
0x32: {  	[tilespmem:$0x1FF60] =	vst v0;
	v0 =	vld [tilespmem:$0x1FFE0];
	_ =	sdelay $0x4  }
0x33: {  	v4 =	vld [tilespmem:$0xBD30];
	v1 =	vmul.f32 v0, v3  }
0x34: {  	v5 =	vld [tilespmem:$0xBD60]  }
0x35: {  	[tilespmem:$0x1FF70] =	vst v1;
	v1 =	vld [tilespmem:$0xBD80];
	_ =	sdelay $0x2  }
0x36: {  	[tilespmem:$0x1FFB0] =	vst v3  }
0x37: {  	[tilespmem:$0x1FFC0] =	vst v5  }
0x38: {  	[tilespmem:$0x1FF80] =	vst v1;
	v1 =	vmul.f32 v0, v4  }
0x39: {  	[tilespmem:$0x1FFD0] =	vst v4;
	v0 =	vmul.f32 v0, v5  }
0x3a: {  	[tilespmem:$0x1FF90] =	vst v1  }
0x3b: {  	s24 =	simm.s32 $0x0;
	s25 =	simm.s32 $0x0;
	[tilespmem:$0x1FFA0] =	vst v0  }
.LBB2_2:
0x3c: {  	v0 =	vld [tilespmem:$0x1FF20]  }
0x3d: {  	v24 =	vld [tilespmem:$0xBE10]  }
0x3e: {  	v10 =	vld [tilespmem:$0xBEA0];
	s0 =	sadd.s32 s25, s8  }
0x3f: {  	v28 =	vld [tilespmem:$0xBEB0];
	s0 =	scvt.s32.f32 s0  }
0x40: {  	v27 =	vld [tilespmem:$0xBEC0]  }
0x41: {  	v19 =	vmul.f32 s0, v0;
	v0 =	vld [tilespmem:$0x1FF60]  }
0x42: {  	v30 =	vld [tilespmem:$0xBED0]  }
0x43: {  	v29 =	vld [tilespmem:$0xBEE0]  }
0x44: {  	v41 =	vld [tilespmem:$0xBD90]  }
0x45: {  	v40 =	vld [tilespmem:$0xBDA0]  }
0x46: {  	v21 =	vmul.f32 s0, v0;
	v0 =	vld [tilespmem:$0x1FF30]  }
0x47: {  	v38 =	vld [tilespmem:$0xBDB0]  }
0x48: {  	v32 =	vld [tilespmem:$0xBDC0]  }
0x49: {  	v33 =	vld [tilespmem:$0xBDD0]  }
0x4a: {  	s1 =	simm.s32 $0xF;
	v35 =	vld [tilespmem:$0xBDE0]  }
0x4b: {  	s26 =	sshra.s32 s24, $0x2;
	s1 =	scvt.s32.f32 s1;
	v7 =	vadd.f32 v19, v0;
	v0 =	vld [tilespmem:$0x1FF40]  }
0x4c: {  	v49 =	vld [tilespmem:s26+$0x352]  }
0x4d: {  	v44 =	vld [tilespmem:s26+$0x1B1];
	v22 =	vadd.f32 s1, v25  }
0x4e: {  	v47 =	vld [tilespmem:s26+$0x10]  }
0x4f: {  	v52 =	vld [tilespmem:s26+$0x11];
	v36 =	vmul.f32 v22, v3  }
0x50: {  	v34 =	vmul.f32 s0, v0;
	v0 =	vld [tilespmem:$0x1FF80]  }
0x51: {  	v58 =	vld [tilespmem:s26+$0x1B0];
	v46 =	vadd.f32 v36, v7  }
0x52: {  	v61 =	vld [tilespmem:s26+$0x1B2]  }
0x53: {  	v18 =	vld [tilespmem:s26+$0x1A11];
	v42 =	vmul.f32 v22, v5;
	v36 =	vadd.f32 v24, v46;
	v57 =	vadd.f32 v41, v46  }
0x54: {  	v55 =	vld [tilespmem:s26+$0x12];
	v22 =	vmul.f32 v22, v4;
	v60 =	vadd.f32 v40, v46;
	v12 =	vadd.f32 v32, v46  }
0x55: {  	vm14 =	vgt.f32 v44, $0.0e+00;
	v15 =	vadd.f32 v33, v46;
	v6 =	vadd.f32 v21, v0;
	v0 =	vld [tilespmem:$0x1FF50]  }
0x56: {  	v1 =	vld [tilespmem:$0xBF00];
	v17 =	vadd.f32 v35, v46;
	v14 =	vmul.f32 v49, v36;
	v12 =	vmul.f32 v58, v12  }
0x57: {  	v2 =	vld [tilespmem:$0xBE20];
	v63 =	vadd.f32 v38, v46;
	v57 =	vmul.f32 v47, v57;
	v15 =	vmul.f32 v44, v15  }
0x58: {  	v39 =	vld [tilespmem:$0xBE30];
	v17 =	vmul.f32 v61, v17;
	v14 =	vsub.f32 v14, v18;
	v12 =	vsub.f32 v12, v18  }
0x59: {  	v37 =	vld [tilespmem:$0xBE40];
	v60 =	vmul.f32 v52, v60;
	v15 =	vsub.f32 v15, v18;
	v50 =	vadd.f32 v42, v6  }
0x5a: {  	v31 =	vld [tilespmem:$0xBE50];
	v63 =	vmul.f32 v55, v63;
	v17 =	vsub.f32 v17, v18;
	v9 =	vadd.f32 v34, v0  }
0x5b: {  	v26 =	vld [tilespmem:$0xBE60];
	v12 =	vmul.f32 v12, v12;
	v43 =	vadd.f32 v28, v50;
	v51 =	vadd.f32 v27, v50  }
0x5c: {  	v15 =	vmul.f32 v15, v15;
	v53 =	vadd.f32 v30, v50;
	v34 =	vld [tilespmem:$0xBE70];
	v22 =	vadd.f32 v22, v9  }
0x5d: {  	v14 =	vmul.f32 v14, v14;
	v42 =	vld [tilespmem:$0xBDF0];
	v54 =	vadd.f32 v29, v50;
	v56 =	vadd.f32 v1, v50  }
0x5e: {  	v45 =	vld [tilespmem:$0xBE80];
	v23 =	vmul.f32 v47, v43;
	v51 =	vmul.f32 v52, v51;
	v48 =	vadd.f32 v10, v22  }
0x5f: {  	v43 =	vld [tilespmem:$0xBE00];
	v53 =	vmul.f32 v55, v53;
	v59 =	vadd.f32 v2, v22;
	v62 =	vadd.f32 v39, v22  }
0x60: {  	v0 =	vld [tilespmem:s26+$0x30D1];
	v54 =	vmul.f32 v58, v54;
	v11 =	vadd.f32 v37, v22;
	v13 =	vadd.f32 v31, v22  }
0x61: {  	v56 =	vmul.f32 v61, v56;
	v16 =	vadd.f32 v26, v22;
	v8 =	vadd.f32 v34, v22  }
0x62: {  	v48 =	vmul.f32 v49, v48;
	v47 =	vmul.f32 v47, v59;
	v59 =	vadd.f32 v42, v46  }
0x63: {  	v36 =	vld [tilespmem:$0xBE90];
	v52 =	vmul.f32 v52, v62;
	v11 =	vmul.f32 v55, v11;
	v55 =	vadd.f32 v45, v22  }
0x64: {  	v46 =	vadd.f32 v43, v46;
	v13 =	vmul.f32 v58, v13;
	v16 =	vmul.f32 v44, v16  }
0x65: {  	v21 =	vmovc v1;
	v62 =	vld [tilespmem:s26+$0x350];
	v8 =	vmul.f32 v61, v8;
	v1 =	vsub.f32 v48, v0;
	v48 =	vsub.f32 v57, v18  }
0x66: {  	v61 =	vmul.f32 v17, v17;
	v47 =	vsub.f32 v47, v0;
	v52 =	vsub.f32 v52, v0  }
0x67: {  	v58 =	vld [tilespmem:s26+$0x351];
	v13 =	vsub.f32 v13, v0;
	v16 =	vsub.f32 v16, v0;
	v48 =	vmul.f32 v48, v48  }
0x68: {  	v22 =	vadd.f32 v36, v22;
	v47 =	vmul.f32 v47, v47;
	v52 =	vmul.f32 v52, v52  }
0x69: {  	v11 =	vsub.f32 v11, v0;
	v13 =	vmul.f32 v13, v13;
	v16 =	vmul.f32 v16, v16  }
0x6a: {  	v8 =	vsub.f32 v8, v0;
	v1 =	vmul.f32 v1, v1;
	v57 =	vmul.f32 v62, v59  }
0x6b: {  	v59 =	vsub.f32 v60, v18;
	v55 =	vmul.f32 v62, v55;
	v60 =	vsub.f32 v63, v18  }
0x6c: {  	v46 =	vmul.f32 v58, v46;
	v63 =	vsub.f32 v53, v44;
	v12 =	vadd.f32 v13, v12  }
0x6d: {  	v22 =	vmul.f32 v58, v22;
	v15 =	vadd.f32 v16, v15;
	v16 =	vsub.f32 v23, v44  }
0x6e: {  	v8 =	vmul.f32 v8, v8;
	v14 =	vadd.f32 v1, v14;
	v57 =	vsub.f32 v57, v18  }
0x6f: {  	v19 =	vld [tilespmem:$0xBF30];
	v18 =	vsub.f32 v46, v18;
	v59 =	vmul.f32 v59, v59;
	v55 =	vsub.f32 v55, v0  }
0x70: {  	v46 =	vld [tilespmem:$0xBF10];
	v0 =	vsub.f32 v22, v0;
	v22 =	vmul.f32 v60, v60;
	v60 =	vadd.f32 v47, v48  }
0x71: {  	v11 =	vmul.f32 v11, v11;
	v47 =	vld [tilespmem:$0xBEF0];
	v8 =	vadd.f32 v8, v61;
	v61 =	vsub.f32 v56, v44  }
0x72: {  	v48 =	vld [tilespmem:$0xBF20];
	v16 =	vmul.f32 v16, v16;
	v52 =	vadd.f32 v52, v59;
	v23 =	vmul.f32 v57, v57  }
0x73: {  	v11 =	vadd.f32 v11, v22;
	v55 =	vmul.f32 v55, v55;
	v18 =	vmul.f32 v18, v18  }
0x74: {  	v0 =	vmul.f32 v0, v0;
	v16 =	vadd.f32 v60, v16;
	v60 =	vsub.f32 v54, v44  }
0x75: {  	v57 =	vimm.s32 $0x4;
	v23 =	vadd.f32 v55, v23;
	v22 =	vadd.f32 v46, v50  }
0x76: {  	v54 =	vimm.s32 $0x2;
	v0 =	vadd.f32 v0, v18;
	v18 =	vadd.f32 v47, v50  }
0x77: {  	s29 =	simm.s32 $0xFFFFFFFF;
	v59 =	vadd.f32 v48, v50;
	v50 =	vadd.f32 v19, v50;
	v17 =	vmul.f32 v62, v22  }
0x78: {  	s22 =	scvt.s32.f32 s29;
	v62 =	vsub.f32 v51, v44;
	v51 =	vmul.f32 v63, v63;
	v18 =	vmul.f32 v44, v18  }
0x79: {  	v53 =	vmul.f32 v58, v59;
	v58 =	vimm.s32 $0x6;
	v49 =	vmul.f32 v49, v50  }
0x7a: {  	v63 =	vadd.f32 s22, v25;
	v13 =	vmul.f32 v62, v62;
	v18 =	vsub.f32 v18, v44  }
0x7b: {  	v11 =	vadd.f32 v11, v51;
	v17 =	vsub.f32 v17, v44;
	v51 =	vmul.f32 v61, v61  }
0x7c: {  	v13 =	vadd.f32 v52, v13;
	v52 =	vmul.f32 v60, v60;
	v18 =	vmul.f32 v18, v18  }
0x7d: {  	v62 =	vsub.f32 v53, v44;
	v17 =	vmul.f32 v17, v17;
	v8 =	vadd.f32 v8, v51  }
0x7e: {  	v53 =	vimm.s32 $0x0;
	v12 =	vadd.f32 v12, v52;
	v15 =	vadd.f32 v15, v18  }
0x7f: {  	v18 =	vmul.f32 v62, v62;
	v17 =	vadd.f32 v23, v17;
	vm0 =	vlt.f32 v13, v16  }
0x80: {  	v23 =	vmul.f32 v63, v3;
	v62 =	vmul.f32 v63, v5;
	v13 =	vsel vm0, v13, v16  }
0x81: {  	v16 =	vmul.f32 v63, v4;
	v56 =	vsel vm0, $0x1, v53;
	v0 =	vadd.f32 v0, v18  }
0x82: {  	v18 =	vadd.f32 v23, v7;
	vm1 =	vlt.f32 v12, v11;
	vm2 =	vlt.f32 v8, v15  }
0x83: {  	v23 =	vsub.f32 v49, v44;
	v11 =	vsel vm1, v12, v11;
	v8 =	vsel vm2, v8, v15  }
0x84: {  	[tilespmem:$0x1FEF0] =	vst v7;
	v59 =	vsel vm2, $0x5, v57;
	v16 =	vadd.f32 v16, v9;
	vm3 =	vlt.f32 v0, v17  }
0x85: {  	v15 =	vld [tilespmem:s26+$0x0];
	[tilespmem:$0x1FF00] =	vst v9;
	v61 =	vmul.f32 v23, v23;
	v23 =	vadd.f32 v40, v18;
	v50 =	vadd.f32 v38, v18  }
0x86: {  	vm11 =	vlt.f32 v11, v13;
	v63 =	vld [tilespmem:s26+$0x4791];
	v40 =	vadd.f32 v62, v6;
	v35 =	vadd.f32 v35, v18  }
0x87: {  	v49 =	vld [tilespmem:s26+$0x1];
	[tilespmem:$0x1FF10] =	vst v6;
	v62 =	vadd.f32 v42, v18;
	v6 =	vadd.f32 v43, v18;
	v0 =	vsel vm3, v0, v17  }
0x88: {  	v17 =	vsel vm1, $0x3, v54;
	v1 =	vadd.f32 v39, v16;
	v51 =	vadd.f32 v37, v16  }
0x89: {  	v11 =	vsel vm11, v11, v13;
	v26 =	vadd.f32 v26, v16;
	v36 =	vadd.f32 v36, v16  }
0x8a: {  	v12 =	vsel vm11, v17, v56;
	v17 =	vadd.f32 v41, v18;
	v13 =	vadd.f32 v14, v61  }
0x8b: {  	v60 =	vsel vm3, $0x7, v58;
	v28 =	vadd.f32 v28, v40;
	v56 =	vadd.f32 v31, v16  }
0x8c: {  	vm12 =	vlt.f32 v0, v8;
	v31 =	vadd.f32 v33, v18;
	v30 =	vadd.f32 v30, v40  }
0x8d: {  	v29 =	vadd.f32 v29, v40;
	v0 =	vsel vm12, v0, v8;
	v8 =	vsel vm12, v60, v59  }
0x8e: {  	v52 =	vld [tilespmem:s26+$0x2];
	v60 =	vadd.f32 v27, v40;
	vm13 =	vlt.f32 v0, v11;
	v14 =	vmul.f32 v17, v15  }
0x8f: {  	v55 =	vld [tilespmem:s26+$0x1A0];
	v17 =	vadd.f32 v2, v16;
	v2 =	vshra.s32 v44, $0x2;
	v44 =	vadd.f32 v21, v40  }
0x90: {  	v8 =	vsel vm13, v8, v12;
	v0 =	vsel vm13, v0, v11;
	vm15 =	vgt.f32 v63, $5.000000000e-01  }
0x91: {  	v20 =	vld [tilespmem:s26+$0x1A01];
	v61 =	vmul.f32 v23, v49;
	v1 =	vmul.f32 v1, v49;
	v23 =	vadd.f32 v34, v16  }
0x92: {  	v59 =	vld [tilespmem:s26+$0x1A2];
	v63 =	vadd.f32 v45, v16;
	v17 =	vmul.f32 v17, v15;
	v15 =	vmul.f32 v28, v15  }
0x93: {  	vm0 =	vlt.f32 v13, v0;
	v13 =	vmul.f32 v50, v52;
	v12 =	vmul.f32 v51, v52  }
0x94: {  	v8 =	vshll.u32 v8, $0x1C;
	v28 =	vld [tilespmem:s26+$0x30C1];
	v37 =	vmul.f32 v30, v52;
	v11 =	vmul.f32 v56, v55  }
0x95: {  	v30 =	vld [tilespmem:s26+$0x340];
	v43 =	vmul.f32 v29, v55;
	v0 =	vor.u32 $0x80000000, v8;
	v8 =	vmul.f32 v60, v49  }
0x96: {  	v51 =	vsub.f32 v61, v20;
	v0 =	vsel vm0, $0x0, v0;
	v13 =	vsub.f32 v13, v20  }
0x97: {  	v29 =	vmul.f32 v35, v59;
	v2 =	vadd.s32 v2, v0;
	v0 =	vadd.f32 v32, v18  }
0x98: {  	v45 =	vmul.f32 v23, v59;
	v2 =	vnsel vm14, $0xCFFFFFFF, v2;
	v13 =	vmul.f32 v13, v13  }
0x99: {  	v7 =	vmul.f32 v0, v55;
	v0 =	vsub.f32 v14, v20;
	v17 =	vsub.f32 v17, v28  }
0x9a: {  	v14 =	vmul.f32 v44, v59;
	v1 =	vsub.f32 v1, v28;
	v34 =	vmul.f32 v62, v30  }
0x9b: {  	v23 =	vld [tilespmem:s26+$0x1A1];
	v38 =	vmul.f32 v63, v30;
	v55 =	vadd.f32 v46, v40;
	v12 =	vsub.f32 v12, v28  }
0x9c: {  	v11 =	vsub.f32 v11, v28;
	v60 =	vsub.f32 v45, v28;
	v2 =	vnsel vm15, $0x20000000, v2  }
0x9d: {  	v52 =	vmul.f32 v0, v0;
	v17 =	vmul.f32 v17, v17;
	v0 =	vadd.f32 v24, v18  }
0x9e: {  	v56 =	vmul.f32 v55, v30;
	v30 =	vadd.f32 v10, v16;
	v59 =	vsub.f32 v7, v20  }
0x9f: {  	v1 =	vmul.f32 v1, v1;
	v34 =	vsub.f32 v34, v20;
	v38 =	vsub.f32 v38, v28  }
0xa0: {  	v16 =	vmul.f32 v31, v23;
	v15 =	vsub.f32 v15, v23;
	v8 =	vsub.f32 v8, v23  }
0xa1: {  	v12 =	vmul.f32 v12, v12;
	v63 =	vsub.f32 v37, v23;
	v35 =	vsub.f32 v43, v23  }
0xa2: {  	v18 =	vld [tilespmem:s26+$0x341];
	v44 =	vmul.f32 v60, v60;
	v37 =	vsub.f32 v14, v23;
	v32 =	vadd.f32 v17, v52  }
0xa3: {  	v17 =	vmul.f32 v51, v51;
	v16 =	vsub.f32 v16, v20;
	v46 =	vmul.f32 v34, v34  }
0xa4: {  	v34 =	vadd.f32 v12, v13;
	v50 =	vmul.f32 v8, v8;
	v51 =	vmul.f32 v63, v63  }
0xa5: {  	v33 =	vadd.f32 v1, v17;
	v17 =	vmul.f32 v26, v23;
	v1 =	vadd.f32 v47, v40  }
0xa6: {  	v26 =	vadd.f32 v48, v40;
	v47 =	vmul.f32 v38, v38;
	v38 =	vmul.f32 v15, v15  }
0xa7: {  	v48 =	vsub.f32 v56, v23;
	v31 =	vmul.f32 v6, v18;
	v36 =	vmul.f32 v36, v18  }
0xa8: {  	v18 =	vmul.f32 v26, v18;
	v17 =	vsub.f32 v17, v28;
	v26 =	vsub.f32 v29, v20  }
0xa9: {  	v1 =	vmul.f32 v1, v23;
	v29 =	vmul.f32 v59, v59;
	v61 =	vsub.f32 v31, v20  }
0xaa: {  	v62 =	vsub.f32 v36, v28;
	v31 =	vmul.f32 v11, v11;
	v36 =	vmul.f32 v16, v16  }
0xab: {  	v3 =	vld [tilespmem:s26+$0x342];
	v43 =	vmul.f32 v17, v17;
	v41 =	vsub.f32 v1, v23;
	v42 =	vmul.f32 v26, v26  }
0xac: {  	s28 =	smul.u32 $0x1A0, s25;
	s30 =	simm.s32 $0x0;
	s31 =	smov.u32 s24;
	[tilespmem:s26+$0x5E51] =	vst v2;
	v26 =	vld [tilespmem:s26+$0x4781];
	v52 =	vsub.f32 v18, v23;
	v45 =	vmul.f32 v61, v61;
	v49 =	vmul.f32 v62, v62  }
.LBB2_3:
0xad: {  	v8 =	vld [tilespmem:$0xBF30]  }
0xae: {  	v4 =	vld [tilespmem:$0xBE10]  }
0xaf: {  	v5 =	vld [tilespmem:$0xBEA0];
	v63 =	vmul.f32 v52, v52;
	v11 =	vadd.f32 v31, v29  }
0xb0: {  	v7 =	vld [tilespmem:$0xBEB0];
	v12 =	vmul.f32 v35, v35;
	v13 =	vadd.f32 v43, v36;
	v15 =	vadd.f32 v44, v42  }
0xb1: {  	v9 =	vld [tilespmem:$0xBEC0];
	v14 =	vmul.f32 v41, v41;
	v16 =	vadd.f32 v47, v46;
	v62 =	vadd.f32 v49, v45  }
0xb2: {  	v10 =	vld [tilespmem:$0xBED0];
	v17 =	vmul.f32 v37, v37;
	v38 =	vadd.f32 v38, v32;
	v33 =	vadd.f32 v50, v33  }
0xb3: {  	v21 =	vld [tilespmem:$0xBEF0];
	v18 =	vmul.f32 v48, v48;
	v34 =	vadd.f32 v51, v34;
	v11 =	vadd.f32 v12, v11  }
0xb4: {  	v1 =	vld [tilespmem:$0x1FFB0];
	vm5 =	vgt.f32 v23, $0.0e+00;
	v41 =	vadd.f32 v14, v13;
	v48 =	vadd.f32 v17, v15  }
0xb5: {  	v2 =	vld [tilespmem:$0x1FFC0];
	vm0 =	vlt.f32 v33, v38;
	v49 =	vadd.f32 v18, v16;
	v50 =	vadd.f32 v63, v62  }
0xb6: {  	v44 =	vld [tilespmem:$0xBF00];
	v22 =	vadd.f32 v19, v40;
	v0 =	vmul.f32 v0, v3;
	v30 =	vmul.f32 v30, v3  }
0xb7: {  	s29 =	sadd.s32 $0x20, s29;
	v37 =	vld [tilespmem:$0xBF10];
	v17 =	vsel vm0, v33, v38;
	vm6 =	vgt.f32 v26, $5.000000000e-01;
	vm1 =	vlt.f32 v11, v34  }
0xb8: {  	v42 =	vld [tilespmem:$0xBE30];
	s1 =	sadd.s32 $0x10, s29;
	vm2 =	vlt.f32 v48, v41;
	vm3 =	vlt.f32 v50, v49;
	v35 =	vmul.f32 v22, v3  }
0xb9: {  	v43 =	vld [tilespmem:$0xBDB0];
	s1 =	scvt.s32.f32 s1;
	v0 =	vsub.f32 v0, v20;
	v16 =	vsub.f32 v30, v28;
	v11 =	vsel vm1, v11, v34  }
0xba: {  	v45 =	vld [tilespmem:$0xBE40];
	v6 =	vmovc v8;
	v8 =	vsel vm2, v48, v41;
	v51 =	vsel vm3, v50, v49;
	v18 =	vsel vm2, $0x5, v57  }
0xbb: {  	v46 =	vld [tilespmem:$0xBDC0];
	v55 =	vsel vm3, $0x7, v58;
	v58 =	vadd.f32 s1, v25;
	vm4 =	vlt.f32 v11, v17  }
0xbc: {  	v47 =	vld [tilespmem:$0xBE50];
	vm15 =	vlt.f32 v51, v8;
	v0 =	vmul.f32 v0, v0;
	v12 =	vsub.f32 v35, v23  }
0xbd: {  	v52 =	vmul.f32 v16, v16;
	v16 =	vsel vm0, $0x1, v53;
	v11 =	vsel vm4, v11, v17;
	v35 =	vld [tilespmem:$0x1FF10]  }
0xbe: {  	s0 =	scvt.s32.f32 s29;
	v3 =	vld [tilespmem:$0x1FFD0];
	v17 =	vsel vm1, $0x3, v54;
	v8 =	vsel vm15, v51, v8;
	v13 =	vsel vm15, v55, v18  }
0xbf: {  	v14 =	vld [tilespmem:$0xBD90];
	v18 =	vmul.f32 v58, v2;
	v56 =	vsel vm4, v17, v16;
	vm4 =	vlt.f32 v8, v11  }
0xc0: {  	v19 =	vld [tilespmem:$0xBEE0];
	v16 =	vadd.f32 s0, v25;
	v17 =	vmul.f32 v58, v1;
	v0 =	vadd.f32 v52, v0  }
0xc1: {  	v38 =	vld [tilespmem:$0xBF20];
	v12 =	vmul.f32 v12, v12;
	v57 =	vsel vm4, v13, v56;
	v8 =	vsel vm4, v8, v11  }
0xc2: {  	s31 =	sadd.s32 $0x80, s31;
	v59 =	vshll.u32 v57, $0x1C;
	v60 =	vmul.f32 v16, v1;
	v1 =	vld [tilespmem:$0x1FF00];
	v63 =	vadd.f32 v18, v35  }
0xc3: {  	s22 =	sshra.s32 s31, $0x2;
	v49 =	vld [tilespmem:$0xBE60];
	v61 =	vmul.f32 v16, v3;
	v62 =	vmul.f32 v58, v3;
	v0 =	vadd.f32 v12, v0  }
0xc4: {  	v52 =	vld [tilespmem:s22+$0x1B1];
	v2 =	vmul.f32 v16, v2;
	v27 =	vadd.f32 v7, v63;
	v39 =	vadd.f32 v9, v63  }
0xc5: {  	v58 =	vld [tilespmem:s22+$0x12];
	v18 =	vshra.s32 v23, $0x2;
	v53 =	vadd.f32 v10, v63;
	v23 =	vadd.f32 v19, v63  }
0xc6: {  	v51 =	vld [tilespmem:$0xBE70];
	v11 =	vor.u32 $0x80000000, v59;
	v55 =	vadd.f32 v21, v63;
	v57 =	vadd.f32 v44, v63  }
0xc7: {  	vm0 =	vlt.f32 v0, v8;
	v0 =	vld [tilespmem:$0x1FEF0];
	v59 =	vadd.f32 v37, v63;
	v8 =	vadd.f32 v62, v1  }
0xc8: {  	v26 =	vld [tilespmem:s22+$0x1B0];
	v11 =	vsel vm0, $0x0, v11;
	v13 =	vadd.f32 v38, v63;
	v30 =	vadd.f32 v61, v1  }
0xc9: {  	v40 =	vld [tilespmem:$0xBE20];
	[tilespmem:$0x1FE80] =	vst v9;
	vm14 =	vgt.f32 v52, $0.0e+00;
	v28 =	vadd.f32 v5, v8;
	v34 =	vadd.f32 v42, v8  }
0xca: {  	v15 =	vld [tilespmem:s22+$0x352];
	[tilespmem:$0x1FE90] =	vst v10;
	v10 =	vmul.f32 v58, v53;
	v9 =	vadd.f32 v47, v8;
	v53 =	vadd.f32 v49, v8  }
0xcb: {  	v41 =	vld [tilespmem:$0xBDA0];
	v11 =	vadd.s32 v18, v11;
	v24 =	vadd.f32 v51, v8;
	v47 =	vadd.f32 v47, v30  }
0xcc: {  	v48 =	vld [tilespmem:$0xBDD0];
	v11 =	vnsel vm5, $0xCFFFFFFF, v11;
	v49 =	vadd.f32 v49, v30;
	v33 =	vadd.f32 v60, v0  }
0xcd: {  	[tilespmem:$0x1FEA0] =	vst v19;
	v18 =	vld [tilespmem:s22+$0x10];
	v19 =	vmul.f32 v26, v23;
	v12 =	vadd.f32 v17, v0;
	v17 =	vadd.f32 v6, v63  }
0xce: {  	v1 =	vld [tilespmem:s22+$0x1B2];
	v20 =	vmul.f32 v52, v55;
	v60 =	vadd.f32 v40, v8;
	v10 =	vsub.f32 v10, v52  }
0xcf: {  	[tilespmem:$0x1FED0] =	vst v4;
	v50 =	vld [tilespmem:$0xBDE0];
	v11 =	vnsel vm6, $0x20000000, v11;
	v19 =	vsub.f32 v19, v52;
	v36 =	vadd.f32 v14, v33  }
0xd0: {  	v54 =	vld [tilespmem:s22+$0x11];
	[tilespmem:s26+$0x5E41] =	vst v11;
	s26 =	smov.u32 s22;
	v9 =	vmul.f32 v26, v9;
	v16 =	vadd.f32 v4, v12;
	v14 =	vadd.f32 v14, v12  }
0xd1: {  	[tilespmem:$0x1FE60] =	vst v2;
	v3 =	vld [tilespmem:s26+$0x350];
	v53 =	vmul.f32 v52, v53;
	v32 =	vadd.f32 v41, v12;
	v2 =	vadd.f32 v43, v12  }
0xd2: {  	[tilespmem:$0x1FEE0] =	vst v5;
	v56 =	vld [tilespmem:$0xBDF0];
	v4 =	vadd.f32 v45, v8;
	v17 =	vmul.f32 v15, v17;
	v27 =	vmul.f32 v18, v27  }
0xd3: {  	[tilespmem:$0x1FEB0] =	vst v21;
	v61 =	vld [tilespmem:$0xBE80];
	v5 =	vadd.f32 v46, v12;
	v21 =	vmul.f32 v1, v57;
	v24 =	vmul.f32 v1, v24  }
0xd4: {  	v62 =	vld [tilespmem:$0xBE00];
	v55 =	vadd.f32 v50, v12;
	v10 =	vmul.f32 v10, v10;
	v16 =	vmul.f32 v15, v16  }
0xd5: {  	v63 =	vld [tilespmem:$0xBE90];
	v45 =	vadd.f32 v45, v30;
	v15 =	vmul.f32 v15, v28;
	v28 =	vmul.f32 v54, v39  }
0xd6: {  	v22 =	vld [tilespmem:s26+$0x1A11];
	v46 =	vadd.f32 v46, v33;
	v14 =	vmul.f32 v18, v14;
	v18 =	vmul.f32 v18, v60  }
0xd7: {  	[tilespmem:$0x1FEC0] =	vst v6;
	v0 =	vld [tilespmem:s26+$0x30D1];
	v39 =	vadd.f32 v48, v12;
	v6 =	vmul.f32 v54, v32;
	v54 =	vmul.f32 v54, v34  }
0xd8: {  	v2 =	vmul.f32 v58, v2;
	v34 =	vsub.f32 v17, v52;
	v21 =	vsub.f32 v21, v52  }
0xd9: {  	v11 =	vmul.f32 v58, v4;
	v48 =	vadd.f32 v48, v33;
	v57 =	vadd.f32 v56, v12  }
0xda: {  	[tilespmem:$0x1FE70] =	vst v7;
	v7 =	vld [tilespmem:s26+$0x351];
	v25 =	vmul.f32 v3, v59;
	v59 =	vadd.f32 v61, v8;
	v58 =	vadd.f32 v62, v12  }
0xdb: {  	v5 =	vmul.f32 v26, v5;
	v26 =	vadd.f32 v63, v8;
	v16 =	vsub.f32 v16, v22  }
0xdc: {  	v8 =	vmul.f32 v52, v39;
	v39 =	vsub.f32 v27, v52;
	v17 =	vsub.f32 v15, v0  }
0xdd: {  	v19 =	vmul.f32 v19, v19;
	v27 =	vsub.f32 v28, v52;
	v12 =	vsub.f32 v20, v52  }
0xde: {  	v4 =	vmul.f32 v1, v55;
	v14 =	vsub.f32 v14, v22;
	v18 =	vsub.f32 v18, v0  }
0xdf: {  	v13 =	vmul.f32 v7, v13;
	v6 =	vsub.f32 v6, v22;
	v54 =	vsub.f32 v54, v0  }
0xe0: {  	v2 =	vsub.f32 v2, v22;
	v11 =	vsub.f32 v11, v0;
	v57 =	vmul.f32 v3, v57  }
0xe1: {  	v5 =	vsub.f32 v5, v22;
	v59 =	vmul.f32 v3, v59;
	v58 =	vmul.f32 v7, v58  }
0xe2: {  	v9 =	vsub.f32 v9, v0;
	v7 =	vmul.f32 v7, v26;
	v16 =	vmul.f32 v16, v16  }
0xe3: {  	v53 =	vsub.f32 v53, v0;
	v39 =	vmul.f32 v39, v39;
	v27 =	vmul.f32 v27, v27  }
0xe4: {  	v4 =	vsub.f32 v4, v22;
	v14 =	vmul.f32 v14, v14;
	v18 =	vmul.f32 v18, v18  }
0xe5: {  	v24 =	vsub.f32 v24, v0;
	v6 =	vmul.f32 v6, v6;
	v54 =	vmul.f32 v54, v54  }
0xe6: {  	v25 =	vsub.f32 v25, v52;
	v2 =	vmul.f32 v2, v2;
	v11 =	vmul.f32 v11, v11  }
0xe7: {  	v13 =	vsub.f32 v13, v52;
	v5 =	vmul.f32 v5, v5;
	v9 =	vmul.f32 v9, v9  }
0xe8: {  	v8 =	vsub.f32 v8, v22;
	v53 =	vmul.f32 v53, v53;
	v4 =	vmul.f32 v4, v4  }
0xe9: {  	v24 =	vmul.f32 v24, v24;
	v57 =	vsub.f32 v57, v22;
	v59 =	vsub.f32 v59, v0  }
0xea: {  	v8 =	vmul.f32 v8, v8;
	v22 =	vsub.f32 v58, v22;
	v0 =	vsub.f32 v7, v0  }
0xeb: {  	v7 =	vadd.f32 v18, v14;
	v6 =	vadd.f32 v54, v6;
	v54 =	vimm.s32 $0x2  }
0xec: {  	v2 =	vadd.f32 v11, v2;
	v5 =	vadd.f32 v9, v5;
	v9 =	vmul.f32 v12, v12  }
0xed: {  	v29 =	vld [tilespmem:s26+$0x0];
	v4 =	vadd.f32 v24, v4;
	v11 =	vmul.f32 v21, v21;
	v57 =	vmul.f32 v57, v57  }
0xee: {  	v58 =	vmul.f32 v59, v59;
	v14 =	vmul.f32 v22, v22;
	v8 =	vadd.f32 v53, v8  }
0xef: {  	v0 =	vmul.f32 v0, v0;
	v7 =	vadd.f32 v7, v39;
	v6 =	vadd.f32 v6, v27  }
0xf0: {  	v53 =	vimm.s32 $0x0;
	v2 =	vadd.f32 v2, v10;
	v5 =	vadd.f32 v5, v19  }
0xf1: {  	v20 =	vld [tilespmem:s26+$0x1A01];
	v39 =	vmul.f32 v13, v13;
	v4 =	vadd.f32 v4, v11;
	v59 =	vmul.f32 v17, v17  }
0xf2: {  	v1 =	vld [tilespmem:s26+$0x341];
	v11 =	vmul.f32 v36, v29;
	v10 =	vmul.f32 v34, v34;
	v36 =	vadd.f32 v40, v30  }
0xf3: {  	v60 =	vld [tilespmem:s26+$0x1A0];
	v17 =	vadd.f32 v62, v33;
	v12 =	vadd.f32 v58, v57;
	v58 =	vimm.s32 $0x6  }
0xf4: {  	v23 =	vld [tilespmem:s26+$0x1A1];
	v57 =	vimm.s32 $0x4;
	v0 =	vadd.f32 v0, v14;
	v14 =	vmul.f32 v25, v25  }
0xf5: {  	v31 =	vld [tilespmem:s26+$0x2];
	v8 =	vadd.f32 v8, v9;
	v9 =	vadd.f32 v59, v16;
	vm7 =	vlt.f32 v6, v7  }
0xf6: {  	v55 =	vld [tilespmem:s26+$0x340];
	vm8 =	vlt.f32 v5, v2;
	v16 =	vadd.f32 v61, v30;
	v11 =	vsub.f32 v11, v20  }
0xf7: {  	v17 =	vmul.f32 v17, v1;
	v6 =	vsel vm7, v6, v7;
	v59 =	vsel vm8, $0x3, v54  }
0xf8: {  	v2 =	vsel vm8, v5, v2;
	v7 =	vmul.f32 v47, v60;
	v12 =	vadd.f32 v12, v14  }
0xf9: {  	v28 =	vld [tilespmem:s26+$0x30C1];
	v0 =	vadd.f32 v0, v39;
	vm9 =	vlt.f32 v4, v8;
	v39 =	vsel vm7, $0x1, v53  }
0xfa: {  	vm11 =	vlt.f32 v2, v6;
	v40 =	vadd.f32 v9, v10;
	v9 =	vmul.f32 v45, v31  }
0xfb: {  	v10 =	vmul.f32 v48, v23;
	v16 =	vmul.f32 v16, v55;
	v17 =	vsub.f32 v17, v20  }
0xfc: {  	v11 =	vmul.f32 v11, v11;
	v4 =	vsel vm9, v4, v8;
	v5 =	vsel vm9, $0x5, v57  }
0xfd: {  	v2 =	vsel vm11, v2, v6;
	v6 =	vmul.f32 v36, v29;
	v8 =	vmul.f32 v46, v60  }
0xfe: {  	v7 =	vsub.f32 v7, v28;
	vm10 =	vlt.f32 v0, v12;
	v9 =	vsub.f32 v9, v28  }
0xff: {  	v10 =	vsub.f32 v10, v20;
	v16 =	vsub.f32 v16, v28;
	v45 =	vmul.f32 v17, v17  }
0x100: {  	v32 =	vld [tilespmem:s26+$0x1];
	v0 =	vsel vm10, v0, v12;
	v34 =	vsel vm10, $0x7, v58;
	v12 =	vmul.f32 v49, v23  }
0x101: {  	v18 =	vld [tilespmem:$0x1FE60];
	v6 =	vsub.f32 v6, v28;
	v8 =	vsub.f32 v8, v20;
	v9 =	vmul.f32 v9, v9  }
0x102: {  	v21 =	vld [tilespmem:$0x1FE80];
	vm12 =	vlt.f32 v0, v4;
	v36 =	vmul.f32 v10, v10;
	v47 =	vmul.f32 v16, v16  }
0x103: {  	v24 =	vld [tilespmem:$0x1FEA0];
	v0 =	vsel vm12, v0, v4;
	v4 =	vsel vm11, v59, v39;
	v5 =	vsel vm12, v34, v5  }
0x104: {  	v19 =	vld [tilespmem:$0x1FE70];
	v59 =	vadd.f32 v56, v33;
	v12 =	vsub.f32 v12, v28;
	vm13 =	vlt.f32 v0, v2  }
0x105: {  	v22 =	vld [tilespmem:$0x1FE90];
	v6 =	vmul.f32 v6, v6;
	v4 =	vsel vm13, v5, v4;
	v5 =	vadd.f32 v41, v33  }
0x106: {  	v39 =	vld [tilespmem:s26+$0x4791];
	v0 =	vsel vm13, v0, v2;
	v14 =	vmul.f32 v59, v55;
	v2 =	vshll.u32 v4, $0x1C  }
0x107: {  	v25 =	vld [tilespmem:$0x1FEB0];
	v4 =	vadd.f32 v42, v30;
	vm0 =	vlt.f32 v40, v0;
	v40 =	vadd.f32 v18, v35  }
0x108: {  	v18 =	vadd.f32 v63, v30;
	v0 =	vor.u32 $0x80000000, v2;
	v2 =	vadd.f32 v43, v33  }
0x109: {  	v15 =	vld [tilespmem:s26+$0x1A2];
	v43 =	vshra.s32 v52, $0x2;
	v52 =	vadd.f32 v50, v33;
	v14 =	vsub.f32 v14, v20  }
0x10a: {  	v0 =	vsel vm0, $0x0, v0;
	v19 =	vadd.f32 v19, v40;
	v21 =	vadd.f32 v21, v40  }
0x10b: {  	vm15 =	vgt.f32 v39, $5.000000000e-01;
	v22 =	vadd.f32 v22, v40;
	v24 =	vadd.f32 v24, v40  }
0x10c: {  	v4 =	vmul.f32 v4, v32;
	v25 =	vadd.f32 v25, v40;
	v27 =	vadd.f32 v44, v40  }
0x10d: {  	v18 =	vmul.f32 v18, v1;
	v62 =	vadd.f32 v38, v40;
	v2 =	vmul.f32 v2, v31  }
0x10e: {  	v0 =	vadd.s32 v43, v0;
	v13 =	vmul.f32 v52, v15;
	v43 =	vmul.f32 v12, v12  }
0x10f: {  	v46 =	vmul.f32 v14, v14;
	v0 =	vnsel vm14, $0xCFFFFFFF, v0;
	v19 =	vmul.f32 v19, v29  }
0x110: {  	v29 =	vadd.f32 v37, v40;
	v21 =	vmul.f32 v21, v32;
	v22 =	vmul.f32 v22, v31  }
0x111: {  	v4 =	vsub.f32 v4, v28;
	v24 =	vmul.f32 v24, v60;
	v25 =	vmul.f32 v25, v23  }
0x112: {  	v1 =	vmul.f32 v62, v1;
	v18 =	vsub.f32 v18, v28;
	v31 =	vmul.f32 v7, v7  }
0x113: {  	v0 =	vnsel vm15, $0x20000000, v0;
	v2 =	vsub.f32 v2, v20;
	v13 =	vsub.f32 v13, v20  }
0x114: {  	[tilespmem:s26+$0x5E51] =	vst v0;
	v0 =	vmul.f32 v5, v32;
	v5 =	vadd.f32 v51, v30;
	v19 =	vsub.f32 v19, v23  }
0x115: {  	v4 =	vmul.f32 v4, v4;
	v21 =	vsub.f32 v21, v23;
	v22 =	vsub.f32 v22, v23  }
0x116: {  	v35 =	vsub.f32 v24, v23;
	v49 =	vmul.f32 v18, v18;
	v0 =	vsub.f32 v0, v20  }
0x117: {  	s30 =	sadd.s32 $0x2, s30;
	v52 =	vsub.f32 v1, v23;
	v1 =	vld [tilespmem:$0x1FEE0];
	v2 =	vmul.f32 v2, v2;
	v42 =	vmul.f32 v13, v13  }
0x118: {  	p0 =	slt.u32 s30, $0x16;
	v41 =	vsub.f32 v25, v23;
	v5 =	vmul.f32 v5, v15;
	v63 =	vmul.f32 v0, v0;
	v0 =	vld [tilespmem:$0x1FED0]  }
.Ltmp0:
0x119: {  	v32 =	vadd.f32 v6, v11;
	v15 =	vmul.f32 v27, v15;
	v27 =	vmul.f32 v29, v55;
	(pc) =	sbr.rel @p0 .LBB2_3-.Ltmp0, $4  }
0x11a: {  	v3 =	vld [tilespmem:s26+$0x342];
	v29 =	vmul.f32 v8, v8;
	v38 =	vmul.f32 v19, v19;
	v34 =	vadd.f32 v9, v2  }
0x11b: {  	v26 =	vld [tilespmem:s26+$0x4781];
	v50 =	vmul.f32 v21, v21;
	v5 =	vsub.f32 v5, v28;
	v37 =	vsub.f32 v15, v23  }
0x11c: {  	v25 =	vld [tilespmem:$0x1FFF0];
	v51 =	vmul.f32 v22, v22;
	v48 =	vsub.f32 v27, v23;
	v30 =	vadd.f32 v1, v30  }
0x11d: {  	v19 =	vld [tilespmem:$0x1FEC0];
	v44 =	vmul.f32 v5, v5;
	v0 =	vadd.f32 v0, v33;
	v33 =	vadd.f32 v4, v63  }
0x11e: {  	v1 =	vadd.f32 v31, v29;
	v2 =	vmul.f32 v35, v35;
	v4 =	vadd.f32 v43, v36  }
0x11f: {  	v5 =	vmul.f32 v41, v41;
	v7 =	vadd.f32 v47, v46;
	v8 =	vmul.f32 v37, v37  }
0x120: {  	v9 =	vmul.f32 v48, v48;
	v10 =	vadd.f32 v49, v45;
	v13 =	vadd.f32 v38, v32  }
0x121: {  	v11 =	vmul.f32 v52, v52;
	v16 =	vadd.f32 v51, v34;
	v14 =	vadd.f32 v50, v33  }
0x122: {  	v6 =	vadd.f32 v44, v42;
	v0 =	vmul.f32 v0, v3;
	v1 =	vadd.f32 v2, v1  }
0x123: {  	v15 =	vmul.f32 v30, v3;
	vm0 =	vlt.f32 v14, v13;
	v12 =	vadd.f32 v19, v40  }
0x124: {  	v0 =	vsub.f32 v0, v20;
	vm1 =	vlt.f32 v1, v16;
	v56 =	vsel vm0, v14, v13  }
0x125: {  	v2 =	vmul.f32 v12, v3;
	v3 =	vadd.f32 v5, v4;
	v4 =	vadd.f32 v8, v6  }
0x126: {  	v1 =	vsel vm1, v1, v16;
	v5 =	vadd.f32 v9, v7;
	v6 =	vadd.f32 v11, v10  }
0x127: {  	v0 =	vmul.f32 v0, v0;
	v7 =	vsub.f32 v15, v28;
	vm4 =	vlt.f32 v1, v56  }
0x128: {  	v1 =	vsel vm4, v1, v56;
	vm2 =	vlt.f32 v4, v3;
	vm3 =	vlt.f32 v6, v5  }
0x129: {  	v2 =	vsub.f32 v2, v23;
	v3 =	vsel vm2, v4, v3;
	v4 =	vsel vm3, v6, v5  }
0x12a: {  	v5 =	vmul.f32 v7, v7;
	v6 =	vsel vm0, $0x1, v53;
	v7 =	vsel vm1, $0x3, v54  }
0x12b: {  	v59 =	vsel vm2, $0x5, v57;
	vm15 =	vlt.f32 v4, v3;
	v2 =	vmul.f32 v2, v2  }
0x12c: {  	v3 =	vsel vm15, v4, v3;
	v0 =	vadd.f32 v5, v0;
	v4 =	vsel vm3, $0x7, v58  }
0x12d: {  	v5 =	vsel vm4, v7, v6;
	v4 =	vsel vm15, v4, v59;
	vm4 =	vlt.f32 v3, v1  }
0x12e: {  	v0 =	vadd.f32 v2, v0;
	v2 =	vsel vm4, v4, v5  }
0x12f: {  	v1 =	vsel vm4, v3, v1;
	v2 =	vshll.u32 v2, $0x1C  }
0x130: {  	v2 =	vor.u32 $0x80000000, v2;
	vm0 =	vlt.f32 v0, v1  }
0x131: {  	v1 =	vshra.s32 v23, $0x2;
	v0 =	vsel vm0, $0x0, v2  }
0x132: {  	vm5 =	vgt.f32 v23, $0.0e+00;
	v0 =	vadd.s32 v1, v0  }
0x133: {  	vm6 =	vgt.f32 v26, $5.000000000e-01;
	v0 =	vnsel vm5, $0xCFFFFFFF, v0  }
0x134: {  	v0 =	vnsel vm6, $0x20000000, v0  }
0x135: {  	[tilespmem:s26+$0x5E41] =	vst v0  }
0x136: {  	v0 =	vld [tilespmem:$0xBD90]  }
0x137: {  	v1 =	vld [tilespmem:$0xBE20]  }
0x138: {  	v2 =	vld [tilespmem:s28+$0x180]  }
0x139: {  	v3 =	vld [tilespmem:$0xBEB0]  }
0x13a: {  	v4 =	vld [tilespmem:$0x1FF70]  }
0x13b: {  	v5 =	vld [tilespmem:$0x1FEF0]  }
0x13c: {  	v61 =	vld [tilespmem:s28+$0x1B81]  }
0x13d: {  	v62 =	vld [tilespmem:s28+$0x3241]  }
0x13e: {  	v6 =	vld [tilespmem:$0xBDA0]  }
0x13f: {  	v7 =	vld [tilespmem:$0xBEC0]  }
0x140: {  	v63 =	vld [tilespmem:$0xBDB0]  }
0x141: {  	v12 =	vld [tilespmem:$0xBE40]  }
0x142: {  	s25 =	sadd.s32 $0x1, s25;
	v30 =	vld [tilespmem:$0xBDE0]  }
0x143: {  	s0 =	smul.u32 $0x680, s25;
	v22 =	vadd.f32 v5, v4;
	v4 =	vld [tilespmem:$0x1FF90]  }
0x144: {  	v5 =	vld [tilespmem:$0x1FF00]  }
0x145: {  	s0 =	sshra.s32 s0, $0x2;
	v28 =	vld [tilespmem:$0xBE60]  }
0x146: {  	v32 =	vld [tilespmem:s0+$0x182]  }
0x147: {  	v43 =	vld [tilespmem:$0xBE00]  }
0x148: {  	v31 =	vld [tilespmem:$0xBE70]  }
0x149: {  	v11 =	vadd.f32 v30, v22;
	v60 =	vadd.f32 v5, v4;
	v4 =	vld [tilespmem:$0x1FFA0]  }
0x14a: {  	v5 =	vld [tilespmem:$0x1FF10]  }
0x14b: {  	v36 =	vld [tilespmem:$0xBE80];
	v11 =	vmul.f32 v11, v32  }
0x14c: {  	v40 =	vld [tilespmem:s28+$0x4C1];
	v6 =	vadd.f32 v6, v22;
	v49 =	vadd.f32 v43, v22  }
0x14d: {  	v44 =	vld [tilespmem:$0xBE90];
	v11 =	vsub.f32 v11, v61;
	v1 =	vadd.f32 v1, v60  }
0x14e: {  	v17 =	vld [tilespmem:$0xBEE0];
	v14 =	vadd.f32 v12, v60;
	v33 =	vadd.f32 v28, v60  }
0x14f: {  	v34 =	vld [tilespmem:$0xBF00];
	v21 =	vadd.f32 v5, v4;
	v4 =	vadd.f32 v0, v22  }
0x150: {  	v35 =	vadd.f32 v31, v60;
	v39 =	vadd.f32 v36, v60;
	v41 =	vmul.f32 v11, v11;
	v0 =	vld [tilespmem:s0+$0x181]  }
0x151: {  	v38 =	vld [tilespmem:$0xBF10];
	v1 =	vmul.f32 v1, v2;
	v3 =	vadd.f32 v3, v21;
	v4 =	vmul.f32 v4, v2  }
0x152: {  	v46 =	vld [tilespmem:$0xBF20];
	v50 =	vadd.f32 v44, v60;
	v11 =	vmul.f32 v49, v40;
	v12 =	vmul.f32 v35, v32  }
0x153: {  	v1 =	vsub.f32 v1, v62;
	v4 =	vsub.f32 v4, v61;
	v2 =	vmul.f32 v3, v2;
	v3 =	vld [tilespmem:$0xBE30]  }
0x154: {  	v5 =	vld [tilespmem:s28+$0x181];
	v11 =	vsub.f32 v11, v61;
	v12 =	vsub.f32 v12, v62  }
0x155: {  	v51 =	vld [tilespmem:$0xBF30];
	v1 =	vmul.f32 v1, v1;
	v2 =	vsub.f32 v2, v0;
	v4 =	vmul.f32 v4, v4  }
0x156: {  	v13 =	vld [tilespmem:$0xBED0];
	v29 =	vadd.f32 v17, v21;
	v10 =	vadd.f32 v34, v21  }
0x157: {  	v45 =	vadd.f32 v38, v21;
	v1 =	vadd.f32 v1, v4;
	v2 =	vmul.f32 v2, v2;
	v4 =	vld [tilespmem:s28+$0x182]  }
0x158: {  	v52 =	vadd.f32 v46, v21;
	v3 =	vadd.f32 v3, v60  }
0x159: {  	v15 =	vld [tilespmem:$0xBE50];
	v24 =	vadd.f32 v2, v1;
	v1 =	vadd.f32 v7, v21;
	v2 =	vmul.f32 v6, v5  }
0x15a: {  	v56 =	vadd.f32 v51, v21;
	v42 =	vmul.f32 v12, v12;
	v6 =	vld [tilespmem:$0xBDC0];
	v7 =	vadd.f32 v63, v22  }
0x15b: {  	v3 =	vmul.f32 v3, v5;
	v2 =	vsub.f32 v2, v61;
	v1 =	vmul.f32 v1, v5  }
0x15c: {  	v16 =	vld [tilespmem:s0+$0x180];
	v5 =	vadd.f32 v13, v21;
	v7 =	vmul.f32 v7, v4;
	v8 =	vmul.f32 v14, v4  }
0x15d: {  	v3 =	vsub.f32 v3, v62;
	v1 =	vsub.f32 v1, v0;
	v2 =	vmul.f32 v2, v2  }
0x15e: {  	v4 =	vmul.f32 v5, v4;
	v7 =	vsub.f32 v7, v61;
	v8 =	vsub.f32 v8, v62  }
0x15f: {  	v3 =	vmul.f32 v3, v3;
	v5 =	vadd.f32 v6, v22;
	v6 =	vadd.f32 v15, v60  }
0x160: {  	v18 =	vld [tilespmem:$0xBDD0];
	v4 =	vsub.f32 v4, v0;
	v7 =	vmul.f32 v7, v7;
	v8 =	vmul.f32 v8, v8  }
0x161: {  	v2 =	vadd.f32 v3, v2;
	v3 =	vmul.f32 v5, v16;
	v5 =	vmul.f32 v6, v16  }
0x162: {  	v1 =	vmul.f32 v1, v1;
	v6 =	vld [tilespmem:$0xBEF0];
	v4 =	vmul.f32 v4, v4;
	v7 =	vadd.f32 v8, v7  }
0x163: {  	v17 =	vld [tilespmem:$0xBE10];
	v12 =	vmul.f32 v50, v40;
	v3 =	vsub.f32 v3, v61;
	v5 =	vsub.f32 v5, v62  }
0x164: {  	v9 =	vmul.f32 v33, v0;
	v1 =	vadd.f32 v1, v2;
	v2 =	vadd.f32 v4, v7  }
0x165: {  	v48 =	vld [tilespmem:s28+$0x4C2];
	v3 =	vmul.f32 v3, v3;
	v5 =	vmul.f32 v5, v5;
	v7 =	vadd.f32 v18, v22  }
0x166: {  	v11 =	vmul.f32 v11, v11;
	v12 =	vsub.f32 v12, v62;
	v9 =	vsub.f32 v9, v62  }
0x167: {  	v3 =	vadd.f32 v5, v3;
	v5 =	vadd.f32 v6, v21;
	v6 =	vmul.f32 v7, v0  }
0x168: {  	v55 =	vadd.f32 v17, v22;
	v12 =	vmul.f32 v12, v12;
	v4 =	vmul.f32 v29, v16;
	v7 =	vld [tilespmem:$0xBDF0]  }
0x169: {  	v37 =	vld [tilespmem:s28+$0x4C0];
	v9 =	vmul.f32 v9, v9;
	v6 =	vsub.f32 v6, v61;
	v5 =	vmul.f32 v5, v0  }
0x16a: {  	v59 =	vmul.f32 v55, v48;
	v8 =	vmul.f32 v10, v32;
	v4 =	vsub.f32 v4, v0  }
0x16b: {  	v11 =	vadd.f32 v12, v11;
	v5 =	vsub.f32 v5, v0;
	v6 =	vmul.f32 v6, v6  }
0x16c: {  	v14 =	vsub.f32 v59, v61;
	v8 =	vsub.f32 v8, v0;
	v4 =	vmul.f32 v4, v4  }
0x16d: {  	v7 =	vadd.f32 v7, v22;
	v6 =	vadd.f32 v9, v6;
	v5 =	vmul.f32 v5, v5  }
0x16e: {  	v10 =	vmul.f32 v39, v37;
	v8 =	vmul.f32 v8, v8;
	v3 =	vadd.f32 v4, v3  }
0x16f: {  	v9 =	vadd.f32 v42, v41;
	v7 =	vmul.f32 v7, v37;
	v4 =	vadd.f32 v5, v6;
	v6 =	vld [tilespmem:$0xBEA0]  }
0x170: {  	v10 =	vsub.f32 v10, v62;
	vm7 =	vlt.f32 v1, v24;
	v5 =	vmul.f32 v45, v37  }
0x171: {  	v8 =	vadd.f32 v8, v9;
	v9 =	vmul.f32 v52, v40;
	v7 =	vsub.f32 v7, v61  }
0x172: {  	v1 =	vsel vm7, v1, v24;
	v47 =	vmul.f32 v10, v10;
	v10 =	vmul.f32 v56, v48  }
0x173: {  	v5 =	vsub.f32 v5, v0;
	v9 =	vsub.f32 v9, v0;
	v7 =	vmul.f32 v7, v7  }
0x174: {  	v10 =	vsub.f32 v10, v0;
	vm8 =	vlt.f32 v3, v2;
	v6 =	vadd.f32 v6, v60  }
0x175: {  	v5 =	vmul.f32 v5, v5;
	v9 =	vmul.f32 v9, v9;
	v7 =	vadd.f32 v47, v7  }
0x176: {  	v2 =	vsel vm8, v3, v2;
	v3 =	vsel vm8, $0x3, v54;
	v6 =	vmul.f32 v6, v48  }
0x177: {  	vm11 =	vlt.f32 v2, v1;
	v5 =	vadd.f32 v5, v7;
	v7 =	vadd.f32 v9, v11  }
0x178: {  	v61 =	vmul.f32 v10, v10;
	vm9 =	vlt.f32 v8, v4;
	v6 =	vsub.f32 v6, v62  }
0x179: {  	v1 =	vsel vm11, v2, v1;
	v4 =	vsel vm9, v8, v4;
	vm10 =	vlt.f32 v7, v5  }
0x17a: {  	v60 =	vmul.f32 v14, v14;
	v5 =	vsel vm10, v7, v5;
	v6 =	vmul.f32 v6, v6  }
0x17b: {  	v62 =	vsel vm7, $0x1, v53;
	v7 =	vsel vm9, $0x5, v57;
	vm12 =	vlt.f32 v5, v4  }
0x17c: {  	v63 =	vsel vm10, $0x7, v58;
	v2 =	vsel vm12, v5, v4;
	v6 =	vadd.f32 v6, v60  }
0x17d: {  	v3 =	vsel vm11, v3, v62;
	v4 =	vsel vm12, v63, v7;
	vm13 =	vlt.f32 v2, v1  }
0x17e: {  	v5 =	vld [tilespmem:s28+$0x4901];
	v3 =	vsel vm13, v4, v3;
	v6 =	vadd.f32 v61, v6  }
0x17f: {  	v1 =	vsel vm13, v2, v1;
	v2 =	vshll.u32 v3, $0x1C  }
0x180: {  	p0 =	sne.s32 s25, $0xE;
	vm0 =	vlt.f32 v6, v1;
	v1 =	vor.u32 $0x80000000, v2  }
.Ltmp1:
0x181: {  	v2 =	vshra.s32 v0, $0x2;
	v1 =	vsel vm0, $0x0, v1;
	(pc) =	sbr.rel @p0 .LBB2_2-.Ltmp1, $4  }
0x182: {  	vm14 =	vgt.f32 v0, $0.0e+00;
	v0 =	vadd.s32 v2, v1  }
0x183: {  	v4 =	vld [tilespmem:$0x1FFD0];
	vm15 =	vgt.f32 v5, $5.000000000e-01;
	v0 =	vnsel vm14, $0xCFFFFFFF, v0  }
0x184: {  	v3 =	vld [tilespmem:$0x1FFB0];
	v0 =	vnsel vm15, $0x20000000, v0  }
0x185: {  	s24 =	sadd.s32 $0x680, s24;
	v5 =	vld [tilespmem:$0x1FFC0];
	[tilespmem:s28+$0x5FC1] =	vst v0  }
0x186: {  	s30 =	simm.s32 $0x0;
	s6 =	simm.s32 $0x8710;
	s5 =	simm.s32 $0x9910  }
0x187: {  	s4 =	simm.s32 $0xAB10;
	s7 =	simm.s32 $0x7510;
	s29 =	simm.s32 $0x5FF1;
	v31 =	vlaneseq.u32  }
.LBB2_6:
0x188: {  	v1 =	vld [tilespmem:s29+$0xFFFFFE60]  }
0x189: {  	v0 =	vld [tilespmem:s29+$0x1]  }
0x18a: {  	v2 =	vld [tilespmem:s29+$0x1A2]  }
0x18b: {  	v3 =	vld [tilespmem:s29+$0x1A1]  }
0x18c: {  	v4 =	vld [tilespmem:s29+$0x1A0]  }
0x18d: {  	v5 =	vld [tilespmem:s29+$0x2]  }
0x18e: {  	v6 =	vld [tilespmem:s29+$0x0]  }
0x18f: {  	v8 =	vld [tilespmem:s29+$0xFFFFFE62]  }
0x190: {  	v9 =	vld [tilespmem:s29+$0xFFFFFE61]  }
0x191: {  	s0 =	sadd.s32 $0x2, s30  }
0x192: {  	v7 =	vmov s0;
	v10 =	vadd.s32 $0xFFFFFFFF, v1;
	v11 =	vxor.u32 $0x80000000, v2  }
0x193: {  	s24 =	sadd.s32 $0x20, s29;
	v12 =	vadd.s32 $0x70000000, v3;
	v13 =	vadd.s32 $0x60000000, v4;
	v14 =	vadd.s32 $0x50000000, v5  }
0x194: {  	v55 =	vld [tilespmem:s24+$0x1A2];
	v15 =	vadd.s32 $0x40000000, v0;
	v16 =	vadd.s32 $0x30000000, v6;
	v17 =	vadd.s32 $0x20000000, v8  }
0x195: {  	v56 =	vld [tilespmem:s24+$0x1A0];
	v18 =	vadd.s32 $0x10000000, v9;
	vm0 =	vgt.u32 v9, $0xF0000000;
	v2 =	vadd.s32 $0x7FFFFFFF, v2  }
0x196: {  	v59 =	vld [tilespmem:s24+$0x0];
	v3 =	vadd.s32 $0x6FFFFFFF, v3;
	v4 =	vadd.s32 $0x5FFFFFFF, v4;
	v5 =	vadd.s32 $0x4FFFFFFF, v5  }
0x197: {  	v9 =	vadd.s32 $0x3FFFFFFF, v0;
	v6 =	vadd.s32 $0x2FFFFFFF, v6;
	v42 =	vadd.s32 $0x1FFFFFFF, v8  }
0x198: {  	s10 =	sadd.s32 $0x20, s24;
	vm1 =	vlt.u32 v2, $0xFFFFFFF;
	v8 =	vnsel vm0, $0x10000000, v18;
	vm2 =	vlt.u32 v3, $0xFFFFFFF  }
0x199: {  	v38 =	vld [tilespmem:s10+$0x1];
	vm3 =	vlt.u32 v4, $0xFFFFFFF;
	vm4 =	vlt.u32 v5, $0xFFFFFFF;
	vm0 =	vlt.u32 v9, $0xFFFFFFF  }
0x19a: {  	vm5 =	vlt.u32 v6, $0xFFFFFFF;
	vm6 =	vlt.u32 v42, $0xFFFFFFF;
	v60 =	vxor.u32 $0x80000000, v55  }
0x19b: {  	v18 =	vadd.s32 $0x60000000, v56;
	v22 =	vadd.s32 $0x30000000, v59;
	v43 =	vnsel vm1, $0x10000000, v11  }
0x19c: {  	v3 =	vnsel vm2, $0x10000000, v12;
	v4 =	vnsel vm3, $0x10000000, v13;
	v5 =	vnsel vm4, $0x10000000, v14  }
0x19d: {  	v6 =	vnsel vm0, $0x10000000, v15;
	v9 =	vnsel vm5, $0x10000000, v16;
	v11 =	vnsel vm6, $0x10000000, v17  }
0x19e: {  	vm5 =	vlt.u32 v10, $0xFFFFFFF;
	v28 =	vadd.s32 $0x40000000, v38;
	vm1 =	vlt.s32 v3, v43  }
0x19f: {  	v44 =	vld [tilespmem:s29+$0x192];
	vm2 =	vlt.s32 v5, v4;
	vm3 =	vlt.s32 v9, v6;
	vm4 =	vlt.s32 v8, v11  }
0x1a0: {  	v13 =	vld [tilespmem:s29+$0xFFFFFFF0];
	v1 =	vnsel vm5, $0x10000000, v1;
	v2 =	vsel vm1, v3, v43;
	v4 =	vsel vm2, v5, v4  }
0x1a1: {  	v10 =	vld [tilespmem:s29+$0xFFFFFFF2];
	v6 =	vsel vm3, v9, v6;
	v8 =	vsel vm4, v8, v11;
	v11 =	vsel vm2, $0x3, v54  }
0x1a2: {  	v5 =	vld [tilespmem:s29+$0x191];
	v12 =	vsel vm3, $0x5, v57;
	vm6 =	vlt.s32 v4, v2;
	vm7 =	vlt.s32 v8, v6  }
0x1a3: {  	v9 =	vld [tilespmem:s29+$0x190];
	v14 =	vsel vm4, $0x7, v58;
	v2 =	vsel vm6, v4, v2;
	v4 =	vsel vm7, v8, v6  }
0x1a4: {  	v3 =	vxor.u32 $0x80000000, v44;
	v6 =	vsel vm1, $0x1, v53;
	vm1 =	vlt.s32 v4, v2  }
0x1a5: {  	v15 =	vadd.s32 $0x2FFFFFFF, v13;
	v13 =	vadd.s32 $0x30000000, v13;
	v2 =	vsel vm1, v4, v2  }
0x1a6: {  	v8 =	vld [tilespmem:s29+$0xFFFFFFF1];
	v4 =	vsel vm6, v11, v6;
	v11 =	vsel vm7, v14, v12;
	v12 =	vadd.s32 $0x7FFFFFFF, v44  }
0x1a7: {  	vm7 =	vlt.u32 v15, $0xFFFFFFF;
	vm2 =	vlt.s32 v1, v2;
	v4 =	vsel vm1, v11, v4  }
0x1a8: {  	v45 =	vadd.s32 $0x6FFFFFFF, v5;
	v46 =	vadd.s32 $0x5FFFFFFF, v9;
	v11 =	vadd.s32 $0x4FFFFFFF, v10  }
0x1a9: {  	v6 =	vld [tilespmem:s29+$0xFFFFFE52];
	vm3 =	vlt.u32 v12, $0xFFFFFFF;
	v13 =	vnsel vm7, $0x10000000, v13;
	v1 =	vsel vm2, v1, v2  }
0x1aa: {  	v4 =	vsel vm2, $0x8, v4;
	vm4 =	vlt.u32 v45, $0xFFFFFFF;
	vm5 =	vlt.u32 v46, $0xFFFFFFF  }
0x1ab: {  	vm6 =	vlt.u32 v11, $0xFFFFFFF;
	vm1 =	vlt.s32 v1, $0x10000000;
	v14 =	vadd.s32 $0x3FFFFFFF, v8  }
0x1ac: {  	v15 =	vld [tilespmem:s24+$0xFFFFFE60];
	v50 =	vnsel vm3, $0x10000000, v3;
	v4 =	vnsel vm1, $0x4, v4;
	vm2 =	vlt.u32 v14, $0xFFFFFFF  }
0x1ad: {  	s22 =	simm.s32 $0x13;
	vm0 =	vmor vm0, vm1;
	vm1 =	veq.s32 v0, $0x20000000;
	v16 =	vmul.u32 $0xB, v4  }
0x1ae: {  	v0 =	vadd.s32 $0x5FFFFFFF, v56;
	v47 =	vadd.s32 $0x1FFFFFFF, v6;
	v49 =	vsub.s32 s22, v4  }
0x1af: {  	v12 =	vld [tilespmem:s29+$0xFFFFFE51];
	v4 =	vadd.s32 $0x70000000, v5;
	v5 =	vadd.s32 $0x60000000, v9;
	v48 =	vshrl.u32 v16, $0x5  }
0x1b0: {  	v9 =	vadd.s32 $0x50000000, v10;
	v10 =	vadd.s32 $0x40000000, v8;
	v11 =	vmul.u32 $0x3, v48  }
0x1b1: {  	v6 =	vadd.s32 $0x20000000, v6;
	vm1 =	vmor vm0, vm1;
	v17 =	vadd.s32 $0xFFFFFFFF, v15  }
0x1b2: {  	vm8 =	vlt.u32 v47, $0xFFFFFFF;
	v1 =	vsub.s32 v7, v48;
	v2 =	vadd.s32 v11, v49  }
0x1b3: {  	v4 =	vnsel vm4, $0x10000000, v4;
	v1 =	vmul.u32 $0x1A0, v1;
	v2 =	vadd.s32 v31, v2  }
0x1b4: {  	vm3 =	vgt.u32 v12, $0xF0000000;
	v5 =	vnsel vm5, $0x10000000, v5;
	v11 =	vand.u32 $0xFFFFFFF8, v2  }
0x1b5: {  	v51 =	vld [tilespmem:s29+$0xFFFFFE50];
	v9 =	vnsel vm6, $0x10000000, v9;
	v2 =	vand.u32 $0x7, v2;
	v1 =	vadd.s32 v1, v11  }
0x1b6: {  	v10 =	vnsel vm2, $0x10000000, v10;
	v6 =	vnsel vm8, $0x10000000, v6;
	v1 =	vor.u32 v2, v1  }
0x1b7: {  	vm4 =	vlt.s32 v4, v50;
	vm5 =	vlt.s32 v13, v10;
	v11 =	vadd.s32 $0x10000000, v12  }
0x1b8: {  	v11 =	vnsel vm3, $0x10000000, v11;
	vm3 =	vlt.s32 v9, v5;
	v2 =	vsel vm4, v4, v50  }
0x1b9: {  	v12 =	vadd.s32 $0x1A0, v1;
	vm6 =	vlt.s32 v11, v6;
	v4 =	vsel vm3, v9, v5  }
0x1ba: {  	v16 =	vld [tilespmem:s24+$0xFFFFFE61];
	v9 =	vsel vm5, v13, v10;
	v10 =	vadd.s32 $0xFFFFFFFF, v51;
	v6 =	vsel vm6, v11, v6  }
0x1bb: {  	vm7 =	vlt.s32 v4, v2;
	vm9 =	vlt.u32 v10, $0xFFFFFFF;
	vm8 =	vlt.s32 v6, v9;
	v5 =	vld.idx.msk [tilespmem:v1+s15+$0x0], $0xffff  }
0x1bc: {  	v2 =	vsel vm7, v4, v2;
	v3 =	vnsel vm9, $0x10000000, v51;
	v4 =	vsel vm8, v6, v9;
	v11 =	vld.idx.msk [tilespmem:v1+s16+$0x0], $0xffff  }
0x1bd: {  	v6 =	vsel vm4, $0x1, v53;
	v9 =	vsel vm3, $0x3, v54;
	v1 =	vld.idx.msk [tilespmem:v1+s17+$0x0], $0xffff;
	vm3 =	vlt.s32 v4, v2  }
0x1be: {  	v10 =	vld.idx.msk [tilespmem:v12+s3+$0x0], $0xffff;
	v12 =	vsel vm5, $0x5, v57;
	v2 =	vsel vm3, v4, v2;
	v4 =	vsel vm6, $0x7, v58  }
0x1bf: {  	v6 =	vsel vm7, v9, v6;
	v9 =	vld [tilespmem:s24+$0x1];
	vm4 =	vlt.s32 v3, v2;
	v4 =	vsel vm8, v4, v12  }
0x1c0: {  	v24 =	vadd.s32 $0x10000000, v16;
	v2 =	vsel vm4, v3, v2;
	v52 =	vsel vm3, v4, v6  }
0x1c1: {  	vm5 =	vlt.u32 v0, $0xFFFFFFF;
	vm3 =	vlt.s32 v2, $0x10000000;
	v3 =	vsel vm4, $0x8, v52  }
0x1c2: {  	v26 =	vld [tilespmem:s24+$0x191];
	v2 =	vadd.s32 $0x7FFFFFFF, v55;
	v3 =	vnsel vm3, $0x4, v3;
	v14 =	vnsel vm0, $0x0, v5  }
0x1c3: {  	v13 =	vnsel vm0, $0x0, v11;
	v11 =	vnsel vm1, $0x0, v1;
	vm1 =	vmor vm2, vm3  }
0x1c4: {  	v6 =	vld [tilespmem:s24+$0x2];
	v21 =	vadd.s32 $0x40000000, v9;
	vm2 =	vgt.u32 v16, $0xF0000000;
	v16 =	vadd.s32 $0x3FFFFFFF, v9  }
0x1c5: {  	s1 =	simm.s32 $0x3;
	v1 =	vadd.s32 $0x2FFFFFFF, v59;
	vm3 =	vlt.u32 v2, $0xFFFFFFF;
	v5 =	vmul.u32 $0xB, v3  }
0x1c6: {  	v4 =	vld [tilespmem:s24+$0x1A1];
	v12 =	vnsel vm0, $0x0, v10;
	vm0 =	veq.s32 v8, $0x20000000;
	v3 =	vsub.s32 s1, v3  }
0x1c7: {  	v8 =	vld [tilespmem:s24+$0xFFFFFE62];
	vm7 =	vlt.u32 v1, $0xFFFFFFF;
	v62 =	vnsel vm3, $0x10000000, v60;
	v1 =	vadd.s32 $0x70000000, v26  }
0x1c8: {  	vm0 =	vmor vm1, vm0;
	vm1 =	vmmov vm1;
	v5 =	vshrl.u32 v5, $0x5  }
0x1c9: {  	v33 =	vld [tilespmem:s24+$0xFFFFFFF0];
	v20 =	vadd.s32 $0x50000000, v6;
	v6 =	vadd.s32 $0x4FFFFFFF, v6;
	vm0 =	vmmov vm0  }
0x1ca: {  	v10 =	vsub.s32 v7, v5;
	v5 =	vmul.u32 $0x3, v5;
	vm6 =	vlt.u32 v6, $0xFFFFFFF  }
0x1cb: {  	vm1 =	vmmov vm1;
	v10 =	vmul.u32 $0x1A0, v10;
	v25 =	vnsel vm6, $0x10000000, v20  }
0x1cc: {  	v19 =	vadd.s32 v5, v3;
	v5 =	vadd.s32 $0x70000000, v4;
	v23 =	vadd.s32 $0x20000000, v8  }
0x1cd: {  	v4 =	vadd.s32 $0x6FFFFFFF, v4;
	v61 =	vadd.s32 $0x1FFFFFFF, v8;
	v8 =	vnsel vm2, $0x10000000, v24  }
0x1ce: {  	vm2 =	vlt.u32 v16, $0xFFFFFFF;
	v24 =	vnsel vm5, $0x10000000, v18;
	v3 =	vadd.s32 $0x30000000, v33  }
0x1cf: {  	vm4 =	vlt.u32 v4, $0xFFFFFFF;
	vm8 =	vlt.u32 v61, $0xFFFFFFF;
	v4 =	vnsel vm2, $0x10000000, v21  }
0x1d0: {  	v21 =	vadd.s32 $0x2FFFFFFF, v33;
	v63 =	vnsel vm4, $0x10000000, v5;
	v5 =	vnsel vm7, $0x10000000, v22  }
0x1d1: {  	v6 =	vnsel vm8, $0x10000000, v23;
	vm4 =	vlt.s32 v25, v24;
	vm7 =	vlt.u32 v17, $0xFFFFFFF  }
0x1d2: {  	v34 =	vld [tilespmem:s24+$0xFFFFFE52];
	vm3 =	vlt.s32 v63, v62;
	vm5 =	vlt.s32 v5, v4;
	vm6 =	vlt.s32 v8, v6  }
0x1d3: {  	v40 =	vld [tilespmem:s10+$0x2];
	v2 =	vsel vm4, v25, v24;
	v15 =	vnsel vm7, $0x10000000, v15;
	v17 =	vsel vm4, $0x3, v54  }
0x1d4: {  	v16 =	vld [tilespmem:s24+$0x192];
	v0 =	vsel vm3, v63, v62;
	v27 =	vsel vm5, v5, v4;
	v4 =	vsel vm6, v8, v6  }
0x1d5: {  	v18 =	vsel vm5, $0x5, v57;
	vm8 =	vlt.s32 v2, v0;
	vm9 =	vlt.s32 v4, v27  }
0x1d6: {  	v20 =	vsel vm6, $0x7, v58;
	v0 =	vsel vm8, v2, v0;
	v32 =	vsel vm9, v4, v27  }
0x1d7: {  	v5 =	vld [tilespmem:s24+$0x190];
	v4 =	vsel vm3, $0x1, v53;
	v2 =	vadd.s32 $0x20000000, v34;
	vm3 =	vlt.s32 v32, v0  }
0x1d8: {  	v6 =	vld [tilespmem:s24+$0xFFFFFFF2];
	v27 =	vadd.s32 $0x50000000, v40;
	v4 =	vsel vm8, v17, v4;
	v0 =	vsel vm3, v32, v0  }
0x1d9: {  	v8 =	vld [tilespmem:s24+$0xFFFFFFF1];
	v17 =	vsel vm9, v20, v18;
	v18 =	vadd.s32 $0x7FFFFFFF, v16;
	vm4 =	vlt.s32 v15, v0  }
0x1da: {  	vm9 =	vlt.u32 v21, $0xFFFFFFF;
	v4 =	vsel vm3, v17, v4;
	v0 =	vsel vm4, v15, v0  }
0x1db: {  	v16 =	vxor.u32 $0x80000000, v16;
	v4 =	vsel vm4, $0x8, v4;
	vm4 =	vlt.s32 v0, $0x10000000  }
0x1dc: {  	vm5 =	vlt.u32 v18, $0xFFFFFFF;
	v3 =	vnsel vm9, $0x10000000, v3;
	v4 =	vnsel vm4, $0x4, v4  }
0x1dd: {  	v35 =	vadd.s32 $0x5FFFFFFF, v5;
	v17 =	vadd.s32 $0x4FFFFFFF, v6;
	v22 =	vmul.u32 $0xB, v4  }
0x1de: {  	v20 =	vadd.s32 $0x3FFFFFFF, v8;
	v5 =	vadd.s32 $0x60000000, v5;
	v6 =	vadd.s32 $0x50000000, v6  }
0x1df: {  	v15 =	vadd.s32 $0x6FFFFFFF, v26;
	vm7 =	vlt.u32 v35, $0xFFFFFFF;
	v36 =	vshrl.u32 v22, $0x5  }
0x1e0: {  	s25 =	simm.s32 $0x33;
	vm8 =	vlt.u32 v17, $0xFFFFFFF;
	vm3 =	vlt.u32 v20, $0xFFFFFFF;
	v17 =	vmul.u32 $0x3, v36  }
0x1e1: {  	vm6 =	vlt.u32 v15, $0xFFFFFFF;
	v15 =	vadd.s32 $0x1FFFFFFF, v34;
	v4 =	vsub.s32 s25, v4  }
0x1e2: {  	v5 =	vnsel vm7, $0x10000000, v5;
	v0 =	vsub.s32 v7, v36;
	v4 =	vadd.s32 v17, v4  }
0x1e3: {  	v18 =	vld [tilespmem:s24+$0xFFFFFE51];
	v6 =	vnsel vm8, $0x10000000, v6;
	v0 =	vmul.u32 $0x1A0, v0;
	v4 =	vadd.s32 v31, v4  }
0x1e4: {  	vm10 =	vlt.u32 v15, $0xFFFFFFF;
	v15 =	vadd.s32 $0x40000000, v8;
	v17 =	vand.u32 $0xFFFFFFF8, v4  }
0x1e5: {  	v1 =	vnsel vm6, $0x10000000, v1;
	v4 =	vand.u32 $0x7, v4;
	v0 =	vadd.s32 v0, v17  }
0x1e6: {  	vm6 =	vlt.s32 v6, v5;
	vm2 =	vmor vm2, vm4;
	v0 =	vor.u32 v4, v0  }
0x1e7: {  	v15 =	vnsel vm3, $0x10000000, v15;
	v2 =	vnsel vm10, $0x10000000, v2;
	v5 =	vsel vm6, v6, v5  }
0x1e8: {  	v17 =	vadd.s32 $0x10000000, v18;
	v4 =	vnsel vm5, $0x10000000, v16;
	vm5 =	vgt.u32 v18, $0xF0000000;
	v16 =	vld [tilespmem:s24+$0xFFFFFE50]  }
0x1e9: {  	vm7 =	vlt.s32 v3, v15;
	v18 =	vadd.s32 $0x1A0, v0;
	v17 =	vnsel vm5, $0x10000000, v17  }
0x1ea: {  	v21 =	vld [tilespmem:s10+$0xFFFFFE60];
	v3 =	vsel vm7, v3, v15;
	vm5 =	vlt.s32 v1, v4;
	vm8 =	vlt.s32 v17, v2  }
0x1eb: {  	v22 =	vsel vm7, $0x5, v57;
	v1 =	vsel vm5, v1, v4;
	v2 =	vsel vm8, v17, v2;
	v4 =	vld.idx.msk [tilespmem:v0+s15+$0x0], $0xffff  }
0x1ec: {  	vm9 =	vlt.s32 v5, v1;
	v23 =	vsel vm8, $0x7, v58;
	vm10 =	vlt.s32 v2, v3;
	v6 =	vld.idx.msk [tilespmem:v0+s16+$0x0], $0xffff  }
0x1ed: {  	v1 =	vsel vm9, v5, v1;
	v15 =	vadd.s32 $0xFFFFFFFF, v16;
	v2 =	vsel vm10, v2, v3;
	v37 =	vld.idx.msk [tilespmem:v0+s17+$0x0], $0xffff  }
0x1ee: {  	v5 =	vsel vm5, $0x1, v53;
	v20 =	vld.idx.msk [tilespmem:v18+s3+$0x0], $0xffff;
	vm11 =	vlt.u32 v15, $0xFFFFFFF;
	vm5 =	vlt.s32 v2, v1  }
0x1ef: {  	v15 =	vsel vm6, $0x3, v54;
	vm6 =	veq.s32 v9, $0x20000000;
	v9 =	vld [tilespmem:s10+$0x1A0];
	v1 =	vsel vm5, v2, v1  }
0x1f0: {  	v39 =	vnsel vm11, $0x10000000, v16;
	v5 =	vsel vm9, v15, v5;
	v2 =	vadd.s32 $0x4FFFFFFF, v40  }
0x1f1: {  	vm6 =	vmor vm2, vm6;
	vm4 =	vlt.s32 v39, v1;
	vm7 =	vlt.u32 v2, $0xFFFFFFF  }
0x1f2: {  	v1 =	vsel vm4, v39, v1;
	v18 =	vnsel vm2, $0x0, v4;
	v4 =	vld [tilespmem:s10+$0x1A2];
	v17 =	vnsel vm2, $0x0, v6  }
0x1f3: {  	v6 =	vld [tilespmem:s10+$0x1A1];
	v15 =	vnsel vm6, $0x0, v37;
	v16 =	vnsel vm2, $0x0, v20;
	v20 =	vsel vm10, v23, v22  }
0x1f4: {  	vm2 =	vlt.s32 v1, $0x10000000;
	v23 =	vadd.s32 $0xFFFFFFFF, v21;
	v26 =	vadd.s32 $0x60000000, v9  }
0x1f5: {  	v22 =	vld [tilespmem:s10+$0xFFFFFE61];
	v9 =	vadd.s32 $0x5FFFFFFF, v9;
	v41 =	vsel vm5, v20, v5;
	v5 =	vadd.s32 v31, v19  }
0x1f6: {  	v19 =	vld [tilespmem:s10+$0x0];
	v42 =	vsel vm4, $0x8, v41;
	v43 =	vand.u32 $0xFFFFFFF8, v5;
	v5 =	vand.u32 $0x7, v5  }
0x1f7: {  	v20 =	vld [tilespmem:s10+$0xFFFFFE62];
	v1 =	vnsel vm2, $0x4, v42;
	vm2 =	vmor vm3, vm2;
	v3 =	vadd.s32 v10, v43  }
0x1f8: {  	s26 =	simm.s32 $0x23;
	v10 =	vmul.u32 $0xB, v1;
	v44 =	vxor.u32 $0x80000000, v4;
	v25 =	vadd.s32 $0x70000000, v6  }
0x1f9: {  	v4 =	vadd.s32 $0x7FFFFFFF, v4;
	v6 =	vadd.s32 $0x6FFFFFFF, v6;
	v1 =	vsub.s32 s26, v1  }
0x1fa: {  	v3 =	vor.u32 v5, v3;
	vm3 =	vlt.u32 v4, $0xFFFFFFF;
	vm4 =	vgt.u32 v22, $0xF0000000  }
0x1fb: {  	v22 =	vadd.s32 $0x10000000, v22;
	vm6 =	vlt.u32 v6, $0xFFFFFFF;
	v6 =	vadd.s32 $0x3FFFFFFF, v38  }
0x1fc: {  	v48 =	vld [tilespmem:s10+$0xFFFFFFF0];
	v29 =	vadd.s32 $0x30000000, v19;
	v4 =	vadd.s32 $0x20000000, v20;
	v19 =	vadd.s32 $0x2FFFFFFF, v19  }
0x1fd: {  	v20 =	vadd.s32 $0x1FFFFFFF, v20;
	v22 =	vnsel vm4, $0x10000000, v22;
	vm4 =	vlt.u32 v9, $0xFFFFFFF  }
0x1fe: {  	vm5 =	vlt.u32 v6, $0xFFFFFFF;
	v45 =	vnsel vm3, $0x10000000, v44;
	v6 =	vnsel vm6, $0x10000000, v25  }
0x1ff: {  	v47 =	vshrl.u32 v10, $0x5;
	vm8 =	vlt.u32 v19, $0xFFFFFFF;
	vm9 =	vlt.u32 v20, $0xFFFFFFF  }
0x200: {  	v5 =	vld [tilespmem:s10+$0x191];
	v9 =	vnsel vm4, $0x10000000, v26;
	v19 =	vnsel vm7, $0x10000000, v27;
	v20 =	vnsel vm5, $0x10000000, v28  }
0x201: {  	vm3 =	vlt.s32 v6, v45;
	v28 =	vadd.s32 $0x2FFFFFFF, v48;
	v46 =	vnsel vm8, $0x10000000, v29  }
0x202: {  	v4 =	vnsel vm9, $0x10000000, v4;
	vm4 =	vlt.s32 v19, v9;
	v2 =	vsel vm3, v6, v45  }
0x203: {  	vm8 =	vlt.u32 v23, $0xFFFFFFF;
	vm11 =	vlt.u32 v28, $0xFFFFFFF;
	vm6 =	vlt.s32 v46, v20  }
0x204: {  	vm7 =	vlt.s32 v22, v4;
	v6 =	vsel vm4, v19, v9;
	v19 =	vnsel vm8, $0x10000000, v21  }
0x205: {  	v51 =	vadd.s32 $0x6FFFFFFF, v5;
	v5 =	vadd.s32 $0x70000000, v5;
	v9 =	vsel vm6, v46, v20  }
0x206: {  	v4 =	vsel vm7, v22, v4;
	vm9 =	vlt.s32 v6, v2;
	v20 =	vsel vm6, $0x5, v57  }
0x207: {  	v21 =	vsel vm7, $0x7, v58;
	v22 =	vadd.s32 $0x1A0, v3;
	vm10 =	vlt.s32 v4, v9  }
0x208: {  	vm8 =	vlt.u32 v51, $0xFFFFFFF;
	v2 =	vsel vm9, v6, v2;
	v4 =	vsel vm10, v4, v9  }
0x209: {  	v6 =	vsel vm3, $0x1, v53;
	v9 =	vsel vm4, $0x3, v54;
	vm3 =	vlt.s32 v4, v2  }
0x20a: {  	v2 =	vsel vm3, v4, v2;
	v4 =	vsel vm9, v9, v6;
	v6 =	vsel vm10, v21, v20  }
0x20b: {  	v5 =	vnsel vm8, $0x10000000, v5;
	v20 =	vld [tilespmem:s10+$0x192];
	vm4 =	vlt.s32 v19, v2;
	v4 =	vsel vm3, v6, v4  }
0x20c: {  	vm3 =	veq.s32 v8, $0x20000000;
	v8 =	vsub.s32 v7, v47;
	v2 =	vsel vm4, v19, v2  }
0x20d: {  	v6 =	vld [tilespmem:s10+$0x190];
	v4 =	vsel vm4, $0x8, v4;
	vm3 =	vmor vm2, vm3;
	vm6 =	vlt.s32 v2, $0x10000000  }
0x20e: {  	v19 =	vld [tilespmem:s10+$0xFFFFFFF2];
	v9 =	vmul.u32 $0x1A0, v8;
	v2 =	vmul.u32 $0x3, v47;
	v4 =	vnsel vm6, $0x4, v4  }
0x20f: {  	s31 =	simm.s32 $0x53;
	v8 =	vld [tilespmem:s10+$0xFFFFFFF1];
	vm2 =	vmmov vm2;
	vm5 =	vmor vm5, vm6;
	v21 =	vmul.u32 $0xB, v4  }
0x210: {  	v10 =	vadd.s32 v2, v1;
	v23 =	vadd.s32 $0x7FFFFFFF, v20;
	v4 =	vsub.s32 s31, v4  }
0x211: {  	v20 =	vxor.u32 $0x80000000, v20;
	v1 =	vadd.s32 $0x30000000, v48;
	v49 =	vshrl.u32 v21, $0x5  }
0x212: {  	v52 =	vadd.s32 $0x5FFFFFFF, v6;
	vm7 =	vlt.u32 v23, $0xFFFFFFF;
	v50 =	vmul.u32 $0x3, v49  }
0x213: {  	v6 =	vadd.s32 $0x60000000, v6;
	v1 =	vnsel vm11, $0x10000000, v1;
	v55 =	vadd.s32 $0x4FFFFFFF, v19  }
0x214: {  	v56 =	vadd.s32 $0x3FFFFFFF, v8;
	v2 =	vsub.s32 v7, v49;
	v4 =	vadd.s32 v50, v4  }
0x215: {  	v21 =	vld [tilespmem:s10+$0xFFFFFE52];
	vm9 =	vlt.u32 v52, $0xFFFFFFF;
	v2 =	vmul.u32 $0x1A0, v2;
	v4 =	vadd.s32 v31, v4  }
0x216: {  	v19 =	vadd.s32 $0x50000000, v19;
	v20 =	vnsel vm7, $0x10000000, v20;
	v23 =	vand.u32 $0xFFFFFFF8, v4  }
0x217: {  	vm10 =	vlt.u32 v55, $0xFFFFFFF;
	vm4 =	vlt.u32 v56, $0xFFFFFFF;
	v2 =	vadd.s32 v2, v23;
	v23 =	vld [tilespmem:s10+$0xFFFFFE51]  }
0x218: {  	v6 =	vnsel vm9, $0x10000000, v6;
	v19 =	vnsel vm10, $0x10000000, v19;
	v4 =	vand.u32 $0x7, v4  }
0x219: {  	vm9 =	vlt.s32 v5, v20;
	vm11 =	vlt.s32 v19, v6;
	v2 =	vor.u32 v4, v2  }
0x21a: {  	v5 =	vsel vm9, v5, v20;
	v6 =	vsel vm11, v19, v6;
	v59 =	vadd.s32 $0x1FFFFFFF, v21  }
0x21b: {  	[tilespmem:s7+$0x0] =	vst v14;
	v14 =	vld [tilespmem:s10+$0xFFFFFE50];
	v21 =	vadd.s32 $0x20000000, v21;
	vm12 =	vlt.u32 v59, $0xFFFFFFF;
	v4 =	vadd.s32 $0x40000000, v8  }
0x21c: {  	[tilespmem:s6+$0x0] =	vst v13;
	v60 =	vadd.s32 $0x10000000, v23;
	vm7 =	vgt.u32 v23, $0xF0000000;
	v23 =	vadd.s32 $0x1A0, v2  }
0x21d: {  	[tilespmem:s5+$0x0] =	vst v12;
	v12 =	vld.idx.msk [tilespmem:v22+s3+$0x0], $0xffff;
	v13 =	vnsel vm12, $0x10000000, v21;
	v4 =	vnsel vm4, $0x10000000, v4;
	v21 =	vnsel vm7, $0x10000000, v60  }
0x21e: {  	v19 =	vsel vm9, $0x1, v53;
	vm12 =	vlt.s32 v1, v4;
	v61 =	vld.idx.msk [tilespmem:v2+s15+$0x0], $0xffff;
	vm10 =	vlt.s32 v21, v13  }
0x21f: {  	s1 =	sadd.s32 $0x20, s7;
	[tilespmem:s4+$0x0] =	vst v11;
	v22 =	vsel vm11, $0x3, v54;
	v1 =	vsel vm12, v1, v4;
	v62 =	vld.idx.msk [tilespmem:v2+s16+$0x0], $0xffff;
	v4 =	vsel vm10, v21, v13  }
0x220: {  	s19 =	sadd.s32 $0x20, s5;
	s20 =	sadd.s32 $0x20, s4;
	s0 =	sadd.s32 $0x20, s6;
	[tilespmem:s1+$0x0] =	vst v18;
	v11 =	vld.idx.msk [tilespmem:v3+s15+$0x0], $0xffff;
	vm8 =	vlt.s32 v6, v5;
	v13 =	vadd.s32 $0xFFFFFFFF, v14;
	vm7 =	vlt.s32 v4, v1  }
0x221: {  	s30 =	sadd.s32 $0x1, s30;
	s9 =	simm.s32 $0x4;
	s11 =	simm.s32 $0x43;
	[tilespmem:s0+$0x0] =	vst v17;
	v5 =	vsel vm8, v6, v5;
	vm13 =	vlt.u32 v13, $0xFFFFFFF;
	v1 =	vsel vm7, v4, v1;
	v18 =	vld.idx.msk [tilespmem:v23+s3+$0x0], $0xffff  }
0x222: {  	s28 =	smov.u32 s7;
	s21 =	smov.u32 s19;
	s14 =	sadd.s32 $0x20, s0;
	[tilespmem:s19+$0x0] =	vst v16;
	v20 =	vsel vm12, $0x5, v57;
	v17 =	vld.idx.msk [tilespmem:v2+s17+$0x0], $0xffff;
	v16 =	vnsel vm13, $0x10000000, v14;
	vm9 =	vlt.s32 v1, v5  }
0x223: {  	s22 =	smov.u32 s20;
	s2 =	sadd.s32 $0x20, s1;
	s25 =	smov.u32 s5;
	[tilespmem:s20+$0x0] =	vst v15;
	v13 =	vld.idx.msk [tilespmem:v3+s16+$0x0], $0xffff;
	v23 =	vsel vm10, $0x7, v58;
	v63 =	vnsel vm5, $0x0, v61;
	v21 =	vsel vm9, v1, v5  }
0x224: {  	s24 =	smov.u32 s6;
	s26 =	smov.u32 s4;
	s10 =	sadd.s32 $0x20, s10;
	v14 =	vld.idx.msk [tilespmem:v3+s17+$0x0], $0xffff;
	vm10 =	veq.s32 v38, $0x20000000;
	v15 =	vnsel vm5, $0x0, v62;
	[tilespmem:s2+$0x0] =	vst v63;
	vm6 =	vlt.s32 v16, v21  }
.LBB2_7:
0x225: {  	v1 =	vsel vm8, v22, v19;
	vm8 =	vmor vm5, vm10  }
0x226: {  	v0 =	vld [tilespmem:s10+$0xFFFFFE60];
	[tilespmem:s14+$0x0] =	vst v15;
	v2 =	vnsel vm5, $0x0, v18;
	s19 =	sadd.s32 $0x20, s19;
	vm5 =	vmmov vm0;
	vm0 =	vmmov vm3  }
0x227: {  	v4 =	vsel vm7, v23, v20;
	v5 =	vsel vm6, v16, v21;
	s20 =	sadd.s32 $0x20, s20;
	v3 =	vld [tilespmem:s10+$0xFFFFFE61];
	[tilespmem:s19+$0x0] =	vst v2;
	v2 =	vnsel vm8, $0x0, v17  }
0x228: {  	v1 =	vsel vm9, v4, v1;
	vm3 =	vlt.s32 v5, $0x10000000;
	v15 =	vld [tilespmem:s10+$0x1];
	[tilespmem:s20+$0x0] =	vst v2;
	v2 =	vadd.s32 v31, v10  }
0x229: {  	v1 =	vsel vm6, $0x8, v1;
	v4 =	vld [tilespmem:s10+$0x1A2];
	v5 =	vand.u32 $0xFFFFFFF8, v2;
	v2 =	vand.u32 $0x7, v2  }
0x22a: {  	vm4 =	vmor vm4, vm3;
	v1 =	vnsel vm3, $0x4, v1;
	v6 =	vld [tilespmem:s10+$0x1A1];
	v5 =	vadd.s32 v9, v5  }
0x22b: {  	v9 =	vmul.u32 $0xB, v1;
	v1 =	vsub.s32 s11, v1;
	v16 =	vld [tilespmem:s10+$0x1A0];
	v2 =	vor.u32 v2, v5  }
0x22c: {  	v12 =	vnsel vm1, $0x0, v12;
	vm3 =	veq.s32 v8, $0x20000000;
	v5 =	vld [tilespmem:s10+$0x2];
	v8 =	vadd.s32 $0x1A0, v2  }
0x22d: {  	v10 =	vnsel vm1, $0x0, v11;
	vm3 =	vmor vm4, vm3;
	v9 =	vshrl.u32 v9, $0x5;
	v19 =	vld [tilespmem:s10+$0x0]  }
0x22e: {  	v11 =	vsub.s32 v7, v9;
	v21 =	vmul.u32 $0x3, v9;
	v20 =	vld [tilespmem:s10+$0xFFFFFE62];
	[tilespmem:s28+$0xFFFFFFF0] =	vst v10;
	v10 =	vnsel vm1, $0x0, v13;
	s28 =	smov.u32 s1;
	s1 =	smov.u32 s2  }
0x22f: {  	v9 =	vmul.u32 $0x1A0, v11;
	v11 =	vnsel vm5, $0x0, v14;
	vm1 =	vmmov vm2;
	v17 =	vld [tilespmem:s10+$0x192];
	[tilespmem:s24+$0xFFFFFFF0] =	vst v10;
	s24 =	smov.u32 s0;
	s0 =	smov.u32 s14  }
0x230: {  	v22 =	vadd.s32 $0xFFFFFFFF, v0;
	vm2 =	vmmov vm4;
	v10 =	vadd.s32 v21, v1;
	v18 =	vld [tilespmem:s10+$0x191];
	[tilespmem:s25+$0xFFFFFFF0] =	vst v12;
	s25 =	smov.u32 s21;
	s21 =	smov.u32 s19  }
0x231: {  	v13 =	vxor.u32 $0x80000000, v4;
	v14 =	vadd.s32 $0x70000000, v6;
	v21 =	vadd.s32 $0x60000000, v16;
	v1 =	vld [tilespmem:s10+$0x190];
	[tilespmem:s26+$0xFFFFFFF0] =	vst v11;
	s26 =	smov.u32 s22;
	s22 =	smov.u32 s20  }
0x232: {  	v25 =	vadd.s32 $0x40000000, v15;
	v24 =	vadd.s32 $0x50000000, v5;
	v23 =	vld [tilespmem:s10+$0xFFFFFFF2];
	v26 =	vadd.s32 $0x30000000, v19  }
0x233: {  	v29 =	vadd.s32 $0x10000000, v3;
	vm4 =	vgt.u32 v3, $0xF0000000;
	v27 =	vld [tilespmem:s10+$0xFFFFFFF0];
	v28 =	vadd.s32 $0x20000000, v20  }
0x234: {  	v3 =	vadd.s32 $0x7FFFFFFF, v4;
	v4 =	vadd.s32 $0x6FFFFFFF, v6;
	v6 =	vadd.s32 $0x5FFFFFFF, v16;
	v12 =	vld.idx.msk [tilespmem:v8+s3+$0x0], $0xffff  }
0x235: {  	v16 =	vadd.s32 $0x3FFFFFFF, v15;
	v5 =	vadd.s32 $0x4FFFFFFF, v5;
	v19 =	vadd.s32 $0x2FFFFFFF, v19;
	v11 =	vld.idx.msk [tilespmem:v2+s15+$0x0], $0xffff  }
0x236: {  	s9 =	sadd.s32 $0x2, s9;
	vm6 =	vlt.u32 v3, $0xFFFFFFF;
	v3 =	vadd.s32 $0x1FFFFFFF, v20;
	v20 =	vnsel vm4, $0x10000000, v29;
	v30 =	vld [tilespmem:s10+$0xFFFFFE52]  }
0x237: {  	p0 =	slt.u32 s9, $0x16;
	vm7 =	vlt.u32 v6, $0xFFFFFFF;
	vm8 =	vlt.u32 v5, $0xFFFFFFF;
	vm4 =	vlt.u32 v4, $0xFFFFFFF;
	v8 =	vld [tilespmem:s10+$0xFFFFFFF1]  }
0x238: {  	vm5 =	vlt.u32 v16, $0xFFFFFFF;
	vm9 =	vlt.u32 v19, $0xFFFFFFF;
	vm10 =	vlt.u32 v3, $0xFFFFFFF;
	v4 =	vld [tilespmem:s10+$0xFFFFFE51]  }
0x239: {  	v6 =	vnsel vm7, $0x10000000, v21;
	v3 =	vnsel vm6, $0x10000000, v13;
	v5 =	vnsel vm4, $0x10000000, v14;
	v16 =	vld [tilespmem:s10+$0xFFFFFE50]  }
0x23a: {  	v21 =	vnsel vm5, $0x10000000, v25;
	v19 =	vnsel vm8, $0x10000000, v24;
	v24 =	vnsel vm9, $0x10000000, v26;
	v13 =	vld.idx.msk [tilespmem:v2+s16+$0x0], $0xffff  }
0x23b: {  	vm6 =	vlt.s32 v19, v6;
	v25 =	vnsel vm10, $0x10000000, v28;
	vm4 =	vlt.s32 v5, v3;
	v14 =	vld.idx.msk [tilespmem:v2+s17+$0x0], $0xffff  }
0x23c: {  	vm7 =	vlt.s32 v24, v21;
	vm8 =	vlt.s32 v20, v25;
	v2 =	vsel vm4, v5, v3  }
0x23d: {  	v3 =	vsel vm6, v19, v6;
	v5 =	vsel vm7, v24, v21;
	v6 =	vsel vm8, v20, v25  }
0x23e: {  	vm9 =	vlt.u32 v22, $0xFFFFFFF;
	vm10 =	vlt.s32 v3, v2;
	vm11 =	vlt.s32 v6, v5  }
0x23f: {  	v0 =	vnsel vm9, $0x10000000, v0;
	v2 =	vsel vm10, v3, v2;
	v3 =	vsel vm11, v6, v5  }
0x240: {  	v5 =	vsel vm4, $0x1, v53;
	v6 =	vsel vm6, $0x3, v54;
	vm4 =	vlt.s32 v3, v2  }
0x241: {  	v19 =	vsel vm7, $0x5, v57;
	v20 =	vsel vm8, $0x7, v58;
	v2 =	vsel vm4, v3, v2  }
0x242: {  	v3 =	vsel vm10, v6, v5;
	v5 =	vsel vm11, v20, v19;
	vm6 =	vlt.s32 v0, v2  }
0x243: {  	v6 =	vadd.s32 $0x7FFFFFFF, v17;
	v3 =	vsel vm4, v5, v3;
	v0 =	vsel vm6, v0, v2  }
0x244: {  	v2 =	vadd.s32 $0x6FFFFFFF, v18;
	v3 =	vsel vm6, $0x8, v3;
	vm6 =	vlt.s32 v0, $0x10000000  }
0x245: {  	v5 =	vadd.s32 $0x4FFFFFFF, v23;
	v0 =	vadd.s32 $0x5FFFFFFF, v1;
	v3 =	vnsel vm6, $0x4, v3  }
0x246: {  	v19 =	vadd.s32 $0x3FFFFFFF, v8;
	v20 =	vadd.s32 $0x2FFFFFFF, v27;
	v21 =	vmul.u32 $0xB, v3  }
0x247: {  	vm7 =	vlt.u32 v6, $0xFFFFFFF;
	vm8 =	vlt.u32 v2, $0xFFFFFFF;
	v2 =	vadd.s32 $0x1FFFFFFF, v30  }
0x248: {  	vm10 =	vlt.u32 v5, $0xFFFFFFF;
	vm9 =	vlt.u32 v0, $0xFFFFFFF;
	v0 =	vshrl.u32 v21, $0x5  }
0x249: {  	s31 =	sadd.s32 $0x20, s31;
	vm4 =	vlt.u32 v19, $0xFFFFFFF;
	vm11 =	vlt.u32 v20, $0xFFFFFFF;
	v5 =	vmul.u32 $0x3, v0  }
0x24a: {  	s11 =	sadd.s32 $0xFFFFFFF0, s31;
	v6 =	vxor.u32 $0x80000000, v17;
	vm12 =	vlt.u32 v2, $0xFFFFFFF;
	v2 =	vsub.s32 s31, v3  }
0x24b: {  	v3 =	vadd.s32 $0x70000000, v18;
	v0 =	vsub.s32 v7, v0;
	v2 =	vadd.s32 v5, v2  }
0x24c: {  	v1 =	vadd.s32 $0x60000000, v1;
	v0 =	vmul.u32 $0x1A0, v0;
	v2 =	vadd.s32 v31, v2  }
0x24d: {  	v17 =	vadd.s32 $0x40000000, v8;
	v5 =	vadd.s32 $0x50000000, v23;
	v18 =	vand.u32 $0xFFFFFFF8, v2  }
0x24e: {  	v19 =	vadd.s32 $0x30000000, v27;
	v2 =	vand.u32 $0x7, v2;
	v0 =	vadd.s32 v0, v18  }
0x24f: {  	v20 =	vadd.s32 $0x10000000, v4;
	v18 =	vadd.s32 $0x20000000, v30;
	v0 =	vor.u32 v2, v0  }
0x250: {  	v3 =	vnsel vm8, $0x10000000, v3;
	v2 =	vnsel vm7, $0x10000000, v6;
	vm7 =	vgt.u32 v4, $0xF0000000  }
0x251: {  	v1 =	vnsel vm9, $0x10000000, v1;
	v4 =	vnsel vm10, $0x10000000, v5;
	v5 =	vadd.s32 $0x1A0, v0  }
0x252: {  	v6 =	vnsel vm4, $0x10000000, v17;
	v17 =	vnsel vm11, $0x10000000, v19;
	v18 =	vnsel vm12, $0x10000000, v18  }
0x253: {  	v19 =	vnsel vm7, $0x10000000, v20;
	vm9 =	vlt.s32 v3, v2;
	vm10 =	vlt.s32 v4, v1  }
0x254: {  	vm11 =	vlt.s32 v17, v6;
	v2 =	vsel vm9, v3, v2;
	vm12 =	vlt.s32 v19, v18;
	v3 =	vld.idx.msk [tilespmem:v0+s15+$0x0], $0xffff  }
0x255: {  	v1 =	vsel vm10, v4, v1;
	v4 =	vsel vm11, v17, v6;
	v6 =	vsel vm12, v19, v18;
	v24 =	vld.idx.msk [tilespmem:v0+s16+$0x0], $0xffff  }
0x256: {  	v17 =	vadd.s32 $0xFFFFFFFF, v16;
	vm8 =	vlt.s32 v1, v2;
	vm7 =	vlt.s32 v6, v4;
	v18 =	vld.idx.msk [tilespmem:v5+s3+$0x0], $0xffff  }
.Ltmp2:
0x257: {  	vm13 =	vlt.u32 v17, $0xFFFFFFF;
	v1 =	vsel vm8, v1, v2;
	v2 =	vsel vm7, v6, v4;
	v17 =	vld.idx.msk [tilespmem:v0+s17+$0x0], $0xffff;
	(pc) =	sbr.rel @p0 .LBB2_7-.Ltmp2, $4  }
0x258: {  	v22 =	vsel vm10, $0x3, v54;
	v19 =	vsel vm9, $0x1, v53;
	vm9 =	vlt.s32 v2, v1  }
0x259: {  	vm5 =	vmor vm5, vm6;
	v20 =	vsel vm11, $0x5, v57;
	v21 =	vsel vm9, v2, v1  }
0x25a: {  	s2 =	sadd.s32 $0x20, s2;
	v23 =	vsel vm12, $0x7, v58;
	v16 =	vnsel vm13, $0x10000000, v16;
	v0 =	vnsel vm5, $0x0, v3  }
0x25b: {  	s14 =	sadd.s32 $0x20, s14;
	s10 =	sadd.s32 $0x20, s10;
	vm10 =	veq.s32 v15, $0x20000000;
	vm6 =	vlt.s32 v16, v21;
	v15 =	vnsel vm5, $0x0, v24;
	[tilespmem:s2+$0x0] =	vst v0  }
0x25c: {  	v0 =	vsel vm8, v22, v19;
	v1 =	vsel vm7, v23, v20  }
0x25d: {  	v2 =	vsel vm6, v16, v21;
	v0 =	vsel vm9, v1, v0  }
0x25e: {  	vm15 =	vlt.s32 v2, $0x10000000;
	v0 =	vsel vm6, $0x8, v0  }
0x25f: {  	v0 =	vnsel vm15, $0x4, v0  }
0x260: {  	v41 =	vmul.u32 $0xB, v0;
	_ =	sdelay $0x1  }
0x261: {  	v42 =	vadd.s32 v31, v10;
	v1 =	vshrl.u32 v41, $0x5  }
0x262: {  	v3 =	vand.u32 $0xFFFFFFF8, v42;
	v4 =	vmul.u32 $0x3, v1  }
0x263: {  	v2 =	vand.u32 $0x7, v42;
	v3 =	vadd.s32 v9, v3;
	v0 =	vsub.s32 s11, v0  }
0x264: {  	v2 =	vor.u32 v2, v3;
	v1 =	vsub.s32 v7, v1;
	v0 =	vadd.s32 v4, v0  }
0x265: {  	v1 =	vmul.u32 $0x1A0, v1;
	v0 =	vadd.s32 v31, v0  }
0x266: {  	v3 =	vadd.s32 $0x1A0, v2;
	v43 =	vand.u32 $0xFFFFFFF8, v0  }
0x267: {  	v0 =	vand.u32 $0x7, v0;
	v1 =	vadd.s32 v1, v43  }
0x268: {  	[tilespmem:s14+$0x0] =	vst v15;
	v44 =	vnsel vm5, $0x0, v18;
	s9 =	sadd.s32 $0x20, s19;
	v0 =	vor.u32 v0, v1  }
0x269: {  	v47 =	vnsel vm1, $0x0, v11;
	[tilespmem:s9+$0x0] =	vst v44;
	v46 =	vld.idx.msk [tilespmem:v2+s15+$0x0], $0xffff  }
0x26a: {  	v48 =	vnsel vm1, $0x0, v13;
	vm9 =	vmor vm5, vm10;
	[tilespmem:s28+$0xFFFFFFF0] =	vst v47;
	v5 =	vld.idx.msk [tilespmem:v2+s16+$0x0], $0xffff;
	v6 =	vadd.s32 $0x1A0, v0  }
0x26b: {  	s10 =	sadd.s32 $0x20, s20;
	v45 =	vnsel vm9, $0x0, v17;
	[tilespmem:s24+$0xFFFFFFF0] =	vst v48;
	v3 =	vld.idx.msk [tilespmem:v3+s3+$0x0], $0xffff  }
0x26c: {  	vm0 =	vmmov vm0;
	v49 =	vnsel vm1, $0x0, v12;
	[tilespmem:s10+$0x0] =	vst v45;
	v50 =	vld.idx.msk [tilespmem:v2+s17+$0x0], $0xffff  }
0x26d: {  	v51 =	vnsel vm0, $0x0, v14;
	vm10 =	vmmov vm2;
	[tilespmem:s25+$0xFFFFFFF0] =	vst v49;
	v52 =	vld.idx.msk [tilespmem:v0+s15+$0x0], $0xffff  }
0x26e: {  	[tilespmem:s26+$0xFFFFFFF0] =	vst v51;
	v55 =	vnsel vm10, $0x0, v46;
	v56 =	vld.idx.msk [tilespmem:v0+s16+$0x0], $0xffff  }
0x26f: {  	vm11 =	vmmov vm3;
	vm12 =	vmor vm4, vm15;
	v59 =	vnsel vm10, $0x0, v5;
	[tilespmem:s1+$0xFFFFFFF0] =	vst v55;
	v60 =	vld.idx.msk [tilespmem:v6+s3+$0x0], $0xffff  }
0x270: {  	vm1 =	vmmov vm11;
	vm13 =	vmmov vm12;
	v3 =	vnsel vm10, $0x0, v3;
	[tilespmem:s0+$0xFFFFFFF0] =	vst v59;
	v0 =	vld.idx.msk [tilespmem:v0+s17+$0x0], $0xffff  }
0x271: {  	vm14 =	veq.s32 v8, $0x20000000;
	p0 =	sne.s32 s30, $0xC;
	vm15 =	vmmov vm13;
	v1 =	vnsel vm1, $0x0, v50;
	[tilespmem:s21+$0xFFFFFFF0] =	vst v3  }
.Ltmp3:
0x272: {  	vm0 =	vmor vm12, vm14;
	[tilespmem:s22+$0xFFFFFFF0] =	vst v1;
	v61 =	vnsel vm15, $0x0, v52;
	(pc) =	sbr.rel @p0 .LBB2_6-.Ltmp3, $4  }
0x273: {  	vm0 =	vmmov vm0;
	v62 =	vnsel vm15, $0x0, v56;
	[tilespmem:s2+$0xFFFFFFF0] =	vst v61  }
0x274: {  	vm0 =	vmmov vm0;
	v63 =	vnsel vm15, $0x0, v60;
	[tilespmem:s14+$0xFFFFFFF0] =	vst v62  }
0x275: {  	s6 =	sadd.s32 $0x180, s6;
	s5 =	sadd.s32 $0x180, s5;
	v0 =	vnsel vm0, $0x0, v0;
	[tilespmem:s9+$0xFFFFFFF0] =	vst v63  }
0x276: {  	s4 =	sadd.s32 $0x180, s4;
	s7 =	sadd.s32 $0x180, s7;
	s29 =	sadd.s32 $0x1A0, s29;
	[tilespmem:s10+$0xFFFFFFF0] =	vst v0  }
0x277: {  	s0 =	rddreg [dreg:$0x7];
	s1 =	simm.s32 $0x7500  }
0x278: {  	[hbm4b:s0+s3] =	stream.linear.scatter [tilespmem:s1], [sflag:$0x1], $0x1200, $0x38;
	[tilespmem:$0xBF40] =	vst v63  }
0x279: {  	s26 =	rddreg [dreg:$0x8];
	s28 =	simm.s32 $0x8700  }
0x27a: {  	[hbm4b:s26+s3] =	stream.linear.scatter [tilespmem:s28], [sflag:$0x1], $0x1200, $0x38;
	[tilespmem:$0xBF40] =	vst v63  }
0x27b: {  	s29 =	rddreg [dreg:$0x9];
	s30 =	simm.s32 $0x9900  }
0x27c: {  	[hbm4b:s29+s3] =	stream.linear.scatter [tilespmem:s30], [sflag:$0x1], $0x1200, $0x38;
	[tilespmem:$0xBF40] =	vst v63  }
0x27d: {  	s31 =	simm.s32 $0xAB00  }
0x27e: {  	[hbm4b:s12+s3] =	stream.linear.scatter [tilespmem:s31], [sflag:$0x1], $0x1200, $0x38;
	[tilespmem:$0xBF40] =	vst v63  }
0x27f: {  	_ =	swait.ge [sflag:s18], $0x1200  }
0x280: {  	[sflag:s18] =	ssyncset.done $0x0  }
0x281: {  	[sflag:s18] =	ssyncadd.s32 $0xFFFFEE00  }
0x282: {  	_ =	swait.ge [sflag:s18], $0x1200  }
0x283: {  	[sflag:s18] =	ssyncset.done $0x0  }
0x284: {  	s23 =	sadd.s32 $0x1, s23;
	[sflag:s18] =	ssyncadd.s32 $0xFFFFEE00  }
0x285: {  	p0 =	sne.s32 s23, s13;
	_ =	swait.ge [sflag:s18], $0x1200  }
.Ltmp4:
0x286: {  	[sflag:s18] =	ssyncset.done $0x0;
	(pc) =	sbr.rel @p0 .LBB2_1-.Ltmp4, $4  }
0x287: {  	[sflag:s18] =	ssyncadd.s32 $0xFFFFEE00  }
0x288: {  	_ =	swait.ge [sflag:s18], $0x1200  }
0x289: {  	[sflag:s18] =	ssyncset.done $0x0  }
0x28a: {  	v25 =	vld [tilespmem:$0x1FFF0];
	[sflag:s18] =	ssyncadd.s32 $0xFFFFEE00  }
0x28b: {  	_ =	sfence.sel $0x180000  }
0x28c: {  	[bflag:$0x0] =	sbarrier.arrive $0xFFFF  }
0x28d: {  	_ =	strace $0x90000047  }
0x28e: {  	s0 =	stileid.u32;
	[bflag:$0x2] =	sbarrier.arrive $0xFFFF  }
0x28f: {  	p0 =	sne.s32 s0, $0x0;
	s0 =	rddreg [dreg:$0x2]  }
0x290: {  	s0 =	sadd.s32 @!p0 $0x100000, s0  }
0x291: {  	[sflag:s0] =	ssyncadd.tile.s32 @!p0 $0x1;
	_ =	shalt  }
.Lfunc_end2:
_tile_overlayer_lowered:
.L_overlay_start_2:
0x292: {  	(tag) =	ssettag $0x2  }
0x293: {  	s0 =	rddreg [dreg:$0x0];
	s2 =	stileid.u32  }
0x294: {  	s1 =	rddreg [dreg:$0x1];
	p0 =	sne.s32 s2, $0x0  }
0x295: {  	s3 =	rddreg [dreg:$0x2];
	[bflag:$0x3] =	sbarrier.arrive $0xFFFF;
	s2 =	simm.s32 @!p0 $0x1C02  }
0x296: {  	[timem:s3], [sflag:s2] =	dma.local @!p0 [hbm:s0], s1  }
0x297: {  	s0 =	simm.s32 @!p0 $0x2  }
0x298: {  	_ =	swait.ge @!p0 [sflag:s0], s1  }
0x299: {  	s1 =	ssub.s32 @!p0 $0x0, s1;
	[sflag:s0] =	ssyncset.done @!p0 $0x0  }
0x29a: {  	[sflag:s0] =	ssyncadd.s32 @!p0 s1  }
0x29b: {  	[bflag:$0x3] =	sbarrier.arrive $0xFFFF  }
0x29c: {  	_ =	shalt  }

</sc_bundles>
